<compile_context>
chip_gen: v7x
topology: tpu7x:2x2x1
jax: 0.10.2.dev20260603
libtpu: 0.0.44.dev20260713+nightly
codegen_flags: <defaults>
</compile_context>

<pallas_src>
import jax
import jax.numpy as jnp
from jax import lax
from jax.experimental import pallas as pl
from jax.experimental.pallas import tpu as pltpu
from jax.experimental.pallas import tpu_sc as plsc

BATCH = 4
MAXLEN = 2048
DIM = 1024
NC = 2
NS = 16
NW = NC * NS

ROWS_PER_W = MAXLEN // NW
CHUNK_ROWS = 16
PCHUNKS = ROWS_PER_W // CHUNK_ROWS
NCHUNKS = PCHUNKS * BATCH
XRING = 5
LOOKAHEAD = 3
VECS = DIM // 16


def _sc_body(x_hbm, pos_hbm, out_hbm,
             p0, p1, x0, x1, x2, x3, x4,
             ps0, ps1, is0, is1, is2, is3, is4, os0, os1, os2, os3, os4):
    pbufs = [p0, p1]
    xbufs = [x0, x1, x2, x3, x4]
    psems = [ps0, ps1]
    isems = [is0, is1, is2, is3, is4]
    osems = [os0, os1, os2, os3, os4]

    cid = lax.axis_index("c")
    sid = lax.axis_index("s")
    w = sid * NC + cid
    prow = w * ROWS_PER_W

    def x_row(k):
        c, b = divmod(k, BATCH)
        return b * MAXLEN + prow + c * CHUNK_ROWS

    def start_pos(c):
        return pltpu.async_copy(
            pos_hbm.at[pl.ds(prow + c * CHUNK_ROWS, CHUNK_ROWS)],
            pbufs[c % 2], psems[c % 2])

    def start_in(k):
        return pltpu.async_copy(
            x_hbm.at[pl.ds(x_row(k), CHUNK_ROWS)], xbufs[k % XRING],
            isems[k % XRING])

    def start_out(k):
        return pltpu.async_copy(
            xbufs[k % XRING], out_hbm.at[pl.ds(x_row(k), CHUNK_ROWS)],
            osems[k % XRING])

    pos_d = {0: start_pos(0)}
    in_d = {kk: start_in(kk) for kk in range(LOOKAHEAD)}
    out_d = {}
    for k in range(NCHUNKS):
        c = k // BATCH
        if k % BATCH == 0:
            pos_d[c].wait()
            if c + 1 < PCHUNKS:
                pos_d[c + 1] = start_pos(c + 1)
        in_d[k].wait()
        xb = xbufs[k % XRING]
        pb = pbufs[c % 2]

        @plsc.parallel_loop(0, CHUNK_ROWS * VECS, unroll=16)
        def add_one(i, xb=xb, pb=pb):
            r = i >> 6
            j = pl.multiple_of((i & (VECS - 1)) * 16, 16)
            xb[r, pl.ds(j, 16)] = xb[r, pl.ds(j, 16)] + pb[r, pl.ds(j, 16)]

        out_d[k] = start_out(k)
        nxt = k + LOOKAHEAD
        if nxt < NCHUNKS:
            if nxt - XRING >= 0:
                out_d[nxt - XRING].wait()
            in_d[nxt] = start_in(nxt)
    for k in range(NCHUNKS - XRING, NCHUNKS):
        out_d[k].wait()


@jax.jit
def _pos_add(x, pos_table):
    mesh = plsc.VectorSubcoreMesh(core_axis_name="c", subcore_axis_name="s")
    run = pl.kernel(
        _sc_body,
        out_type=jax.ShapeDtypeStruct((BATCH * MAXLEN, DIM), jnp.float32),
        mesh=mesh,
        scratch_types=(
            [pltpu.VMEM((CHUNK_ROWS, DIM), jnp.float32)] * (2 + XRING)
            + [pltpu.SemaphoreType.DMA] * (2 + 2 * XRING)
        ),
    )
    return run(x.reshape(BATCH * MAXLEN, DIM), pos_table)


def kernel(x, pos_table):
    return _pos_add(x, pos_table).reshape(x.shape)

# --- scband reference (transcript-rebuilt; emitter-appended) ---
"""Pipeline reference for scband-position-embedding-24026047054378 (READ-ONLY COPY).

The authoritative reference and input builder live on the scoring server;
editing this copy changes nothing except your own understanding.
"""

import jax, jax.numpy as jnp
import numpy as np

MAXLEN = 2048
EMBED_DIM = 1024
BATCH = 4

def setup_inputs(seed: int = 0) -> dict:
    key = jax.random.key(seed)
    k1, k2 = jax.random.split(key)
    x = jax.random.normal(k1, (BATCH, MAXLEN, EMBED_DIM), dtype=jnp.float32)
    # learned position embedding table, sized per init_kwargs (maxlen, embed_dim)
    pos_table = jax.random.normal(k2, (MAXLEN, EMBED_DIM), dtype=jnp.float32) * 0.02
    return {"x": x, "pos_table": pos_table}

def reference(x, pos_table):
    # positions = tf.range(0, maxlen)
    positions = jnp.arange(MAXLEN)
    # positions = self.pos_emb(positions)  -> embedding gather
    pos = jnp.take(pos_table, positions, axis=0)
    # return x + positions (broadcast over batch)
    return x + pos

if __name__ == "__main__":
    import jax
    _d = setup_inputs()
    print(jax.jit(kernel)(*tuple(_d.values())))

</pallas_src>

<mosaic_0001>
#map = affine_map<(d0, d1) -> (0, 0)>
module attributes {stable_mosaic.version = 14 : i64} {
  func.func @_sc_body(%arg0: i32, %arg1: i32, %arg2: memref<8192x1024xf32, #tpu.memory_space<hbm>>, %arg3: memref<2048x1024xf32, #tpu.memory_space<hbm>>, %arg4: memref<8192x1024xf32, #tpu.memory_space<hbm>>, %arg5: memref<16x1024xf32, #tpu.memory_space<vmem>>, %arg6: memref<16x1024xf32, #tpu.memory_space<vmem>>, %arg7: memref<16x1024xf32, #tpu.memory_space<vmem>>, %arg8: memref<16x1024xf32, #tpu.memory_space<vmem>>, %arg9: memref<16x1024xf32, #tpu.memory_space<vmem>>, %arg10: memref<16x1024xf32, #tpu.memory_space<vmem>>, %arg11: memref<16x1024xf32, #tpu.memory_space<vmem>>, %arg12: memref<!tpu.dma_semaphore, #tpu.memory_space<semaphore_mem>>, %arg13: memref<!tpu.dma_semaphore, #tpu.memory_space<semaphore_mem>>, %arg14: memref<!tpu.dma_semaphore, #tpu.memory_space<semaphore_mem>>, %arg15: memref<!tpu.dma_semaphore, #tpu.memory_space<semaphore_mem>>, %arg16: memref<!tpu.dma_semaphore, #tpu.memory_space<semaphore_mem>>, %arg17: memref<!tpu.dma_semaphore, #tpu.memory_space<semaphore_mem>>, %arg18: memref<!tpu.dma_semaphore, #tpu.memory_space<semaphore_mem>>, %arg19: memref<!tpu.dma_semaphore, #tpu.memory_space<semaphore_mem>>, %arg20: memref<!tpu.dma_semaphore, #tpu.memory_space<semaphore_mem>>, %arg21: memref<!tpu.dma_semaphore, #tpu.memory_space<semaphore_mem>>, %arg22: memref<!tpu.dma_semaphore, #tpu.memory_space<semaphore_mem>>, %arg23: memref<!tpu.dma_semaphore, #tpu.memory_space<semaphore_mem>>) attributes {dimension_semantics = [#tpu.dimension_semantics<core_parallel>, #tpu.dimension_semantics<subcore_parallel>], iteration_bounds = array<i64: 2, 16>, scalar_prefetch = 0 : i64, scratch_operands = 19 : i64, tpu.core_type = #tpu.core_type<sc_vector_subcore>, window_params = [{transform_indices = #map}, {transform_indices = #map}, {transform_indices = #map}]} {
    %mul3A = arith.constant 2 : i32
    %mul3A_0 = arith.muli %arg1, %mul3A : i32
    %add3A = arith.addi %mul3A_0, %arg0 : i32
    %mul3A_1 = arith.constant 64 : i32
    %mul3A_2 = arith.muli %add3A, %mul3A_1 : i32
    %add3A_3 = arith.constant 0 : i32
    %add3A_4 = arith.addi %mul3A_2, %add3A_3 : i32
    %dma_start3A = arith.constant 0 : i32
    %dma_start3A_5 = tpu.memref_slice %arg3[%add3A_4, %dma_start3A] : memref<2048x1024xf32, #tpu.memory_space<hbm>> -> memref<16x1024xf32, #tpu.memory_space<hbm>>
    %dma_start3A_6 = arith.constant 0 : i32
    %dma_start3A_7 = tpu.memref_slice %arg3[%add3A_4, %dma_start3A_6] : memref<2048x1024xf32, #tpu.memory_space<hbm>> -> memref<16x1024xf32, #tpu.memory_space<hbm>>
    tpu.enqueue_dma source(%dma_start3A_7 : memref<16x1024xf32, #tpu.memory_space<hbm>>) target(%arg5 : memref<16x1024xf32, #tpu.memory_space<vmem>>) target_semaphore(%arg12 : memref<!tpu.dma_semaphore, #tpu.memory_space<semaphore_mem>>)
    %add3A_8 = arith.constant 0 : i32
    %add3A_9 = arith.addi %add3A_8, %mul3A_2 : i32
    %add3A_10 = arith.constant 0 : i32
    %add3A_11 = arith.addi %add3A_9, %add3A_10 : i32
    %dma_start3A_12 = arith.constant 0 : i32
    %dma_start3A_13 = tpu.memref_slice %arg2[%add3A_11, %dma_start3A_12] : memref<8192x1024xf32, #tpu.memory_space<hbm>> -> memref<16x1024xf32, #tpu.memory_space<hbm>>
    %dma_start3A_14 = arith.constant 0 : i32
    %dma_start3A_15 = tpu.memref_slice %arg2[%add3A_11, %dma_start3A_14] : memref<8192x1024xf32, #tpu.memory_space<hbm>> -> memref<16x1024xf32, #tpu.memory_space<hbm>>
    tpu.enqueue_dma source(%dma_start3A_15 : memref<16x1024xf32, #tpu.memory_space<hbm>>) target(%arg7 : memref<16x1024xf32, #tpu.memory_space<vmem>>) target_semaphore(%arg14 : memref<!tpu.dma_semaphore, #tpu.memory_space<semaphore_mem>>)
    %add3A_16 = arith.constant 2048 : i32
    %add3A_17 = arith.addi %add3A_16, %mul3A_2 : i32
    %add3A_18 = arith.constant 0 : i32
    %add3A_19 = arith.addi %add3A_17, %add3A_18 : i32
    %dma_start3A_20 = arith.constant 0 : i32
    %dma_start3A_21 = tpu.memref_slice %arg2[%add3A_19, %dma_start3A_20] : memref<8192x1024xf32, #tpu.memory_space<hbm>> -> memref<16x1024xf32, #tpu.memory_space<hbm>>
    %dma_start3A_22 = arith.constant 0 : i32
    %dma_start3A_23 = tpu.memref_slice %arg2[%add3A_19, %dma_start3A_22] : memref<8192x1024xf32, #tpu.memory_space<hbm>> -> memref<16x1024xf32, #tpu.memory_space<hbm>>
    tpu.enqueue_dma source(%dma_start3A_23 : memref<16x1024xf32, #tpu.memory_space<hbm>>) target(%arg8 : memref<16x1024xf32, #tpu.memory_space<vmem>>) target_semaphore(%arg15 : memref<!tpu.dma_semaphore, #tpu.memory_space<semaphore_mem>>)
    %add3A_24 = arith.constant 4096 : i32
    %add3A_25 = arith.addi %add3A_24, %mul3A_2 : i32
    %add3A_26 = arith.constant 0 : i32
    %add3A_27 = arith.addi %add3A_25, %add3A_26 : i32
    %dma_start3A_28 = arith.constant 0 : i32
    %dma_start3A_29 = tpu.memref_slice %arg2[%add3A_27, %dma_start3A_28] : memref<8192x1024xf32, #tpu.memory_space<hbm>> -> memref<16x1024xf32, #tpu.memory_space<hbm>>
    %dma_start3A_30 = arith.constant 0 : i32
    %dma_start3A_31 = tpu.memref_slice %arg2[%add3A_27, %dma_start3A_30] : memref<8192x1024xf32, #tpu.memory_space<hbm>> -> memref<16x1024xf32, #tpu.memory_space<hbm>>
    tpu.enqueue_dma source(%dma_start3A_31 : memref<16x1024xf32, #tpu.memory_space<hbm>>) target(%arg9 : memref<16x1024xf32, #tpu.memory_space<vmem>>) target_semaphore(%arg16 : memref<!tpu.dma_semaphore, #tpu.memory_space<semaphore_mem>>)
    %dma_wait3A = arith.constant 0 : i32
    %dma_wait3A_32 = tpu.memref_slice %arg3[%add3A_4, %dma_wait3A] : memref<2048x1024xf32, #tpu.memory_space<hbm>> -> memref<16x1024xf32, #tpu.memory_space<hbm>>
    %dma_wait3A_33 = arith.constant 0 : i32
    %dma_wait3A_34 = tpu.memref_slice %arg3[%add3A_4, %dma_wait3A_33] : memref<2048x1024xf32, #tpu.memory_space<hbm>> -> memref<16x1024xf32, #tpu.memory_space<hbm>>
    tpu.wait_dma2 semaphore(%arg12 : memref<!tpu.dma_semaphore, #tpu.memory_space<semaphore_mem>>) src(%dma_wait3A_34 : memref<16x1024xf32, #tpu.memory_space<hbm>>) dst(%arg5 : memref<16x1024xf32, #tpu.memory_space<vmem>>)
    %add3A_35 = arith.constant 16 : i32
    %add3A_36 = arith.addi %mul3A_2, %add3A_35 : i32
    %dma_start3A_37 = arith.constant 0 : i32
    %dma_start3A_38 = tpu.memref_slice %arg3[%add3A_36, %dma_start3A_37] : memref<2048x1024xf32, #tpu.memory_space<hbm>> -> memref<16x1024xf32, #tpu.memory_space<hbm>>
    %dma_start3A_39 = arith.constant 0 : i32
    %dma_start3A_40 = tpu.memref_slice %arg3[%add3A_36, %dma_start3A_39] : memref<2048x1024xf32, #tpu.memory_space<hbm>> -> memref<16x1024xf32, #tpu.memory_space<hbm>>
    tpu.enqueue_dma source(%dma_start3A_40 : memref<16x1024xf32, #tpu.memory_space<hbm>>) target(%arg6 : memref<16x1024xf32, #tpu.memory_space<vmem>>) target_semaphore(%arg13 : memref<!tpu.dma_semaphore, #tpu.memory_space<semaphore_mem>>)
    %dma_wait3A_41 = arith.constant 0 : i32
    %dma_wait3A_42 = tpu.memref_slice %arg2[%add3A_11, %dma_wait3A_41] : memref<8192x1024xf32, #tpu.memory_space<hbm>> -> memref<16x1024xf32, #tpu.memory_space<hbm>>
    %dma_wait3A_43 = arith.constant 0 : i32
    %dma_wait3A_44 = tpu.memref_slice %arg2[%add3A_11, %dma_wait3A_43] : memref<8192x1024xf32, #tpu.memory_space<hbm>> -> memref<16x1024xf32, #tpu.memory_space<hbm>>
    tpu.wait_dma2 semaphore(%arg14 : memref<!tpu.dma_semaphore, #tpu.memory_space<semaphore_mem>>) src(%dma_wait3A_44 : memref<16x1024xf32, #tpu.memory_space<hbm>>) dst(%arg7 : memref<16x1024xf32, #tpu.memory_space<vmem>>)
    %parallel_loop3A = arith.constant 0 : i32
    %parallel_loop3A_45 = arith.constant 1024 : i32
    %parallel_loop3A_46 = arith.constant 1 : i32
    scf.for %parallel_loop3A_472 = %parallel_loop3A to %parallel_loop3A_45 step %parallel_loop3A_46  : i32 {
      %parallel_loop3A_473 = arith.constant 6 : i32
      %parallel_loop3A_474 = arith.shrsi %parallel_loop3A_472, %parallel_loop3A_473 : i32
      %parallel_loop3A_475 = arith.constant 63 : i32
      %parallel_loop3A_476 = arith.andi %parallel_loop3A_472, %parallel_loop3A_475 : i32
      %parallel_loop3A_477 = arith.constant 16 : i32
      %parallel_loop3A_478 = arith.muli %parallel_loop3A_476, %parallel_loop3A_477 : i32
      %parallel_loop3A_479 = tpu.assume_multiple %parallel_loop3A_478, 16 : i32
      %parallel_loop3A_480 = arith.index_cast %parallel_loop3A_474 : i32 to index
      %parallel_loop3A_481 = arith.index_cast %parallel_loop3A_479 : i32 to index
      %parallel_loop3A_482 = tpu.vector_load %arg7[%parallel_loop3A_480, %parallel_loop3A_481] {strides = array<i32>} : memref<16x1024xf32, #tpu.memory_space<vmem>>, vector<1x16xf32>,
      %parallel_loop3A_483 = vector.shape_cast %parallel_loop3A_482 : vector<1x16xf32> to vector<16xf32>
      %parallel_loop3A_484 = arith.index_cast %parallel_loop3A_474 : i32 to index
      %parallel_loop3A_485 = arith.index_cast %parallel_loop3A_479 : i32 to index
      %parallel_loop3A_486 = tpu.vector_load %arg5[%parallel_loop3A_484, %parallel_loop3A_485] {strides = array<i32>} : memref<16x1024xf32, #tpu.memory_space<vmem>>, vector<1x16xf32>,
      %parallel_loop3A_487 = vector.shape_cast %parallel_loop3A_486 : vector<1x16xf32> to vector<16xf32>
      %parallel_loop3A_488 = arith.addf %parallel_loop3A_483, %parallel_loop3A_487 : vector<16xf32>
      %parallel_loop3A_489 = arith.index_cast %parallel_loop3A_474 : i32 to index
      %parallel_loop3A_490 = arith.index_cast %parallel_loop3A_479 : i32 to index
      %parallel_loop3A_491 = tpu.vector_load %arg7[%parallel_loop3A_489, %parallel_loop3A_490] {strides = array<i32>} : memref<16x1024xf32, #tpu.memory_space<vmem>>, vector<1x16xf32>,
      %parallel_loop3A_492 = vector.shape_cast %parallel_loop3A_491 : vector<1x16xf32> to vector<16xf32>
      %parallel_loop3A_493 = vector.shape_cast %parallel_loop3A_488 : vector<16xf32> to vector<1x16xf32>
      tpu.vector_store %arg7[%parallel_loop3A_489, %parallel_loop3A_490], %parallel_loop3A_493 {strides = array<i32>} : memref<16x1024xf32, #tpu.memory_space<vmem>>, vector<1x16xf32>,
    } {sc.loop_unroll_factor = 16 : i64, sc.parallel_access}
    %add3A_47 = arith.constant 0 : i32
    %add3A_48 = arith.addi %add3A_47, %mul3A_2 : i32
    %add3A_49 = arith.constant 0 : i32
    %add3A_50 = arith.addi %add3A_48, %add3A_49 : i32
    %dma_start3A_51 = arith.constant 0 : i32
    %dma_start3A_52 = tpu.memref_slice %arg4[%add3A_50, %dma_start3A_51] : memref<8192x1024xf32, #tpu.memory_space<hbm>> -> memref<16x1024xf32, #tpu.memory_space<hbm>>
    %dma_start3A_53 = arith.constant 0 : i32
    %dma_start3A_54 = tpu.memref_slice %arg4[%add3A_50, %dma_start3A_53] : memref<8192x1024xf32, #tpu.memory_space<hbm>> -> memref<16x1024xf32, #tpu.memory_space<hbm>>
    tpu.enqueue_dma source(%arg7 : memref<16x1024xf32, #tpu.memory_space<vmem>>) target(%dma_start3A_54 : memref<16x1024xf32, #tpu.memory_space<hbm>>) target_semaphore(%arg19 : memref<!tpu.dma_semaphore, #tpu.memory_space<semaphore_mem>>)
    %add3A_55 = arith.constant 6144 : i32
    %add3A_56 = arith.addi %add3A_55, %mul3A_2 : i32
    %add3A_57 = arith.constant 0 : i32
    %add3A_58 = arith.addi %add3A_56, %add3A_57 : i32
    %dma_start3A_59 = arith.constant 0 : i32
    %dma_start3A_60 = tpu.memref_slice %arg2[%add3A_58, %dma_start3A_59] : memref<8192x1024xf32, #tpu.memory_space<hbm>> -> memref<16x1024xf32, #tpu.memory_space<hbm>>
    %dma_start3A_61 = arith.constant 0 : i32
    %dma_start3A_62 = tpu.memref_slice %arg2[%add3A_58, %dma_start3A_61] : memref<8192x1024xf32, #tpu.memory_space<hbm>> -> memref<16x1024xf32, #tpu.memory_space<hbm>>
    tpu.enqueue_dma source(%dma_start3A_62 : memref<16x1024xf32, #tpu.memory_space<hbm>>) target(%arg10 : memref<16x1024xf32, #tpu.memory_space<vmem>>) target_semaphore(%arg17 : memref<!tpu.dma_semaphore, #tpu.memory_space<semaphore_mem>>)
    %dma_wait3A_63 = arith.constant 0 : i32
    %dma_wait3A_64 = tpu.memref_slice %arg2[%add3A_19, %dma_wait3A_63] : memref<8192x1024xf32, #tpu.memory_space<hbm>> -> memref<16x1024xf32, #tpu.memory_space<hbm>>
    %dma_wait3A_65 = arith.constant 0 : i32
    %dma_wait3A_66 = tpu.memref_slice %arg2[%add3A_19, %dma_wait3A_65] : memref<8192x1024xf32, #tpu.memory_space<hbm>> -> memref<16x1024xf32, #tpu.memory_space<hbm>>
    tpu.wait_dma2 semaphore(%arg15 : memref<!tpu.dma_semaphore, #tpu.memory_space<semaphore_mem>>) src(%dma_wait3A_66 : memref<16x1024xf32, #tpu.memory_space<hbm>>) dst(%arg8 : memref<16x1024xf32, #tpu.memory_space<vmem>>)
    %parallel_loop3A_67 = arith.constant 0 : i32
    %parallel_loop3A_68 = arith.constant 1024 : i32
    %parallel_loop3A_69 = arith.constant 1 : i32
    scf.for %parallel_loop3A_472 = %parallel_loop3A_67 to %parallel_loop3A_68 step %parallel_loop3A_69  : i32 {
      %parallel_loop3A_473 = arith.constant 6 : i32
      %parallel_loop3A_474 = arith.shrsi %parallel_loop3A_472, %parallel_loop3A_473 : i32
      %parallel_loop3A_475 = arith.constant 63 : i32
      %parallel_loop3A_476 = arith.andi %parallel_loop3A_472, %parallel_loop3A_475 : i32
      %parallel_loop3A_477 = arith.constant 16 : i32
      %parallel_loop3A_478 = arith.muli %parallel_loop3A_476, %parallel_loop3A_477 : i32
      %parallel_loop3A_479 = tpu.assume_multiple %parallel_loop3A_478, 16 : i32
      %parallel_loop3A_480 = arith.index_cast %parallel_loop3A_474 : i32 to index
      %parallel_loop3A_481 = arith.index_cast %parallel_loop3A_479 : i32 to index
      %parallel_loop3A_482 = tpu.vector_load %arg8[%parallel_loop3A_480, %parallel_loop3A_481] {strides = array<i32>} : memref<16x1024xf32, #tpu.memory_space<vmem>>, vector<1x16xf32>,
      %parallel_loop3A_483 = vector.shape_cast %parallel_loop3A_482 : vector<1x16xf32> to vector<16xf32>
      %parallel_loop3A_484 = arith.index_cast %parallel_loop3A_474 : i32 to index
      %parallel_loop3A_485 = arith.index_cast %parallel_loop3A_479 : i32 to index
      %parallel_loop3A_486 = tpu.vector_load %arg5[%parallel_loop3A_484, %parallel_loop3A_485] {strides = array<i32>} : memref<16x1024xf32, #tpu.memory_space<vmem>>, vector<1x16xf32>,
      %parallel_loop3A_487 = vector.shape_cast %parallel_loop3A_486 : vector<1x16xf32> to vector<16xf32>
      %parallel_loop3A_488 = arith.addf %parallel_loop3A_483, %parallel_loop3A_487 : vector<16xf32>
      %parallel_loop3A_489 = arith.index_cast %parallel_loop3A_474 : i32 to index
      %parallel_loop3A_490 = arith.index_cast %parallel_loop3A_479 : i32 to index
      %parallel_loop3A_491 = tpu.vector_load %arg8[%parallel_loop3A_489, %parallel_loop3A_490] {strides = array<i32>} : memref<16x1024xf32, #tpu.memory_space<vmem>>, vector<1x16xf32>,
      %parallel_loop3A_492 = vector.shape_cast %parallel_loop3A_491 : vector<1x16xf32> to vector<16xf32>
      %parallel_loop3A_493 = vector.shape_cast %parallel_loop3A_488 : vector<16xf32> to vector<1x16xf32>
      tpu.vector_store %arg8[%parallel_loop3A_489, %parallel_loop3A_490], %parallel_loop3A_493 {strides = array<i32>} : memref<16x1024xf32, #tpu.memory_space<vmem>>, vector<1x16xf32>,
    } {sc.loop_unroll_factor = 16 : i64, sc.parallel_access}
    %add3A_70 = arith.constant 2048 : i32
    %add3A_71 = arith.addi %add3A_70, %mul3A_2 : i32
    %add3A_72 = arith.constant 0 : i32
    %add3A_73 = arith.addi %add3A_71, %add3A_72 : i32
    %dma_start3A_74 = arith.constant 0 : i32
    %dma_start3A_75 = tpu.memref_slice %arg4[%add3A_73, %dma_start3A_74] : memref<8192x1024xf32, #tpu.memory_space<hbm>> -> memref<16x1024xf32, #tpu.memory_space<hbm>>
    %dma_start3A_76 = arith.constant 0 : i32
    %dma_start3A_77 = tpu.memref_slice %arg4[%add3A_73, %dma_start3A_76] : memref<8192x1024xf32, #tpu.memory_space<hbm>> -> memref<16x1024xf32, #tpu.memory_space<hbm>>
    tpu.enqueue_dma source(%arg8 : memref<16x1024xf32, #tpu.memory_space<vmem>>) target(%dma_start3A_77 : memref<16x1024xf32, #tpu.memory_space<hbm>>) target_semaphore(%arg20 : memref<!tpu.dma_semaphore, #tpu.memory_space<semaphore_mem>>)
    %add3A_78 = arith.constant 0 : i32
    %add3A_79 = arith.addi %add3A_78, %mul3A_2 : i32
    %add3A_80 = arith.constant 16 : i32
    %add3A_81 = arith.addi %add3A_79, %add3A_80 : i32
    %dma_start3A_82 = arith.constant 0 : i32
    %dma_start3A_83 = tpu.memref_slice %arg2[%add3A_81, %dma_start3A_82] : memref<8192x1024xf32, #tpu.memory_space<hbm>> -> memref<16x1024xf32, #tpu.memory_space<hbm>>
    %dma_start3A_84 = arith.constant 0 : i32
    %dma_start3A_85 = tpu.memref_slice %arg2[%add3A_81, %dma_start3A_84] : memref<8192x1024xf32, #tpu.memory_space<hbm>> -> memref<16x1024xf32, #tpu.memory_space<hbm>>
    tpu.enqueue_dma source(%dma_start3A_85 : memref<16x1024xf32, #tpu.memory_space<hbm>>) target(%arg11 : memref<16x1024xf32, #tpu.memory_space<vmem>>) target_semaphore(%arg18 : memref<!tpu.dma_semaphore, #tpu.memory_space<semaphore_mem>>)
    %dma_wait3A_86 = arith.constant 0 : i32
    %dma_wait3A_87 = tpu.memref_slice %arg2[%add3A_27, %dma_wait3A_86] : memref<8192x1024xf32, #tpu.memory_space<hbm>> -> memref<16x1024xf32, #tpu.memory_space<hbm>>
    %dma_wait3A_88 = arith.constant 0 : i32
    %dma_wait3A_89 = tpu.memref_slice %arg2[%add3A_27, %dma_wait3A_88] : memref<8192x1024xf32, #tpu.memory_space<hbm>> -> memref<16x1024xf32, #tpu.memory_space<hbm>>
    tpu.wait_dma2 semaphore(%arg16 : memref<!tpu.dma_semaphore, #tpu.memory_space<semaphore_mem>>) src(%dma_wait3A_89 : memref<16x1024xf32, #tpu.memory_space<hbm>>) dst(%arg9 : memref<16x1024xf32, #tpu.memory_space<vmem>>)
    %parallel_loop3A_90 = arith.constant 0 : i32
    %parallel_loop3A_91 = arith.constant 1024 : i32
    %parallel_loop3A_92 = arith.constant 1 : i32
    scf.for %parallel_loop3A_472 = %parallel_loop3A_90 to %parallel_loop3A_91 step %parallel_loop3A_92  : i32 {
      %parallel_loop3A_473 = arith.constant 6 : i32
      %parallel_loop3A_474 = arith.shrsi %parallel_loop3A_472, %parallel_loop3A_473 : i32
      %parallel_loop3A_475 = arith.constant 63 : i32
      %parallel_loop3A_476 = arith.andi %parallel_loop3A_472, %parallel_loop3A_475 : i32
      %parallel_loop3A_477 = arith.constant 16 : i32
      %parallel_loop3A_478 = arith.muli %parallel_loop3A_476, %parallel_loop3A_477 : i32
      %parallel_loop3A_479 = tpu.assume_multiple %parallel_loop3A_478, 16 : i32
      %parallel_loop3A_480 = arith.index_cast %parallel_loop3A_474 : i32 to index
      %parallel_loop3A_481 = arith.index_cast %parallel_loop3A_479 : i32 to index
      %parallel_loop3A_482 = tpu.vector_load %arg9[%parallel_loop3A_480, %parallel_loop3A_481] {strides = array<i32>} : memref<16x1024xf32, #tpu.memory_space<vmem>>, vector<1x16xf32>,
      %parallel_loop3A_483 = vector.shape_cast %parallel_loop3A_482 : vector<1x16xf32> to vector<16xf32>
      %parallel_loop3A_484 = arith.index_cast %parallel_loop3A_474 : i32 to index
      %parallel_loop3A_485 = arith.index_cast %parallel_loop3A_479 : i32 to index
      %parallel_loop3A_486 = tpu.vector_load %arg5[%parallel_loop3A_484, %parallel_loop3A_485] {strides = array<i32>} : memref<16x1024xf32, #tpu.memory_space<vmem>>, vector<1x16xf32>,
      %parallel_loop3A_487 = vector.shape_cast %parallel_loop3A_486 : vector<1x16xf32> to vector<16xf32>
      %parallel_loop3A_488 = arith.addf %parallel_loop3A_483, %parallel_loop3A_487 : vector<16xf32>
      %parallel_loop3A_489 = arith.index_cast %parallel_loop3A_474 : i32 to index
      %parallel_loop3A_490 = arith.index_cast %parallel_loop3A_479 : i32 to index
      %parallel_loop3A_491 = tpu.vector_load %arg9[%parallel_loop3A_489, %parallel_loop3A_490] {strides = array<i32>} : memref<16x1024xf32, #tpu.memory_space<vmem>>, vector<1x16xf32>,
      %parallel_loop3A_492 = vector.shape_cast %parallel_loop3A_491 : vector<1x16xf32> to vector<16xf32>
      %parallel_loop3A_493 = vector.shape_cast %parallel_loop3A_488 : vector<16xf32> to vector<1x16xf32>
      tpu.vector_store %arg9[%parallel_loop3A_489, %parallel_loop3A_490], %parallel_loop3A_493 {strides = array<i32>} : memref<16x1024xf32, #tpu.memory_space<vmem>>, vector<1x16xf32>,
    } {sc.loop_unroll_factor = 16 : i64, sc.parallel_access}
    %add3A_93 = arith.constant 4096 : i32
    %add3A_94 = arith.addi %add3A_93, %mul3A_2 : i32
    %add3A_95 = arith.constant 0 : i32
    %add3A_96 = arith.addi %add3A_94, %add3A_95 : i32
    %dma_start3A_97 = arith.constant 0 : i32
    %dma_start3A_98 = tpu.memref_slice %arg4[%add3A_96, %dma_start3A_97] : memref<8192x1024xf32, #tpu.memory_space<hbm>> -> memref<16x1024xf32, #tpu.memory_space<hbm>>
    %dma_start3A_99 = arith.constant 0 : i32
    %dma_start3A_100 = tpu.memref_slice %arg4[%add3A_96, %dma_start3A_99] : memref<8192x1024xf32, #tpu.memory_space<hbm>> -> memref<16x1024xf32, #tpu.memory_space<hbm>>
    tpu.enqueue_dma source(%arg9 : memref<16x1024xf32, #tpu.memory_space<vmem>>) target(%dma_start3A_100 : memref<16x1024xf32, #tpu.memory_space<hbm>>) target_semaphore(%arg21 : memref<!tpu.dma_semaphore, #tpu.memory_space<semaphore_mem>>)
    %dma_wait3A_101 = arith.constant 0 : i32
    %dma_wait3A_102 = tpu.memref_slice %arg4[%add3A_50, %dma_wait3A_101] : memref<8192x1024xf32, #tpu.memory_space<hbm>> -> memref<16x1024xf32, #tpu.memory_space<hbm>>
    %dma_wait3A_103 = arith.constant 0 : i32
    %dma_wait3A_104 = tpu.memref_slice %arg4[%add3A_50, %dma_wait3A_103] : memref<8192x1024xf32, #tpu.memory_space<hbm>> -> memref<16x1024xf32, #tpu.memory_space<hbm>>
    tpu.wait_dma2 semaphore(%arg19 : memref<!tpu.dma_semaphore, #tpu.memory_space<semaphore_mem>>) src(%arg7 : memref<16x1024xf32, #tpu.memory_space<vmem>>) dst(%dma_wait3A_104 : memref<16x1024xf32, #tpu.memory_space<hbm>>)
    %add3A_105 = arith.constant 2048 : i32
    %add3A_106 = arith.addi %add3A_105, %mul3A_2 : i32
    %add3A_107 = arith.constant 16 : i32
    %add3A_108 = arith.addi %add3A_106, %add3A_107 : i32
    %dma_start3A_109 = arith.constant 0 : i32
    %dma_start3A_110 = tpu.memref_slice %arg2[%add3A_108, %dma_start3A_109] : memref<8192x1024xf32, #tpu.memory_space<hbm>> -> memref<16x1024xf32, #tpu.memory_space<hbm>>
    %dma_start3A_111 = arith.constant 0 : i32
    %dma_start3A_112 = tpu.memref_slice %arg2[%add3A_108, %dma_start3A_111] : memref<8192x1024xf32, #tpu.memory_space<hbm>> -> memref<16x1024xf32, #tpu.memory_space<hbm>>
    tpu.enqueue_dma source(%dma_start3A_112 : memref<16x1024xf32, #tpu.memory_space<hbm>>) target(%arg7 : memref<16x1024xf32, #tpu.memory_space<vmem>>) target_semaphore(%arg14 : memref<!tpu.dma_semaphore, #tpu.memory_space<semaphore_mem>>)
    %dma_wait3A_113 = arith.constant 0 : i32
    %dma_wait3A_114 = tpu.memref_slice %arg2[%add3A_58, %dma_wait3A_113] : memref<8192x1024xf32, #tpu.memory_space<hbm>> -> memref<16x1024xf32, #tpu.memory_space<hbm>>
    %dma_wait3A_115 = arith.constant 0 : i32
    %dma_wait3A_116 = tpu.memref_slice %arg2[%add3A_58, %dma_wait3A_115] : memref<8192x1024xf32, #tpu.memory_space<hbm>> -> memref<16x1024xf32, #tpu.memory_space<hbm>>
    tpu.wait_dma2 semaphore(%arg17 : memref<!tpu.dma_semaphore, #tpu.memory_space<semaphore_mem>>) src(%dma_wait3A_116 : memref<16x1024xf32, #tpu.memory_space<hbm>>) dst(%arg10 : memref<16x1024xf32, #tpu.memory_space<vmem>>)
    %parallel_loop3A_117 = arith.constant 0 : i32
    %parallel_loop3A_118 = arith.constant 1024 : i32
    %parallel_loop3A_119 = arith.constant 1 : i32
    scf.for %parallel_loop3A_472 = %parallel_loop3A_117 to %parallel_loop3A_118 step %parallel_loop3A_119  : i32 {
      %parallel_loop3A_473 = arith.constant 6 : i32
      %parallel_loop3A_474 = arith.shrsi %parallel_loop3A_472, %parallel_loop3A_473 : i32
      %parallel_loop3A_475 = arith.constant 63 : i32
      %parallel_loop3A_476 = arith.andi %parallel_loop3A_472, %parallel_loop3A_475 : i32
      %parallel_loop3A_477 = arith.constant 16 : i32
      %parallel_loop3A_478 = arith.muli %parallel_loop3A_476, %parallel_loop3A_477 : i32
      %parallel_loop3A_479 = tpu.assume_multiple %parallel_loop3A_478, 16 : i32
      %parallel_loop3A_480 = arith.index_cast %parallel_loop3A_474 : i32 to index
      %parallel_loop3A_481 = arith.index_cast %parallel_loop3A_479 : i32 to index
      %parallel_loop3A_482 = tpu.vector_load %arg10[%parallel_loop3A_480, %parallel_loop3A_481] {strides = array<i32>} : memref<16x1024xf32, #tpu.memory_space<vmem>>, vector<1x16xf32>,
      %parallel_loop3A_483 = vector.shape_cast %parallel_loop3A_482 : vector<1x16xf32> to vector<16xf32>
      %parallel_loop3A_484 = arith.index_cast %parallel_loop3A_474 : i32 to index
      %parallel_loop3A_485 = arith.index_cast %parallel_loop3A_479 : i32 to index
      %parallel_loop3A_486 = tpu.vector_load %arg5[%parallel_loop3A_484, %parallel_loop3A_485] {strides = array<i32>} : memref<16x1024xf32, #tpu.memory_space<vmem>>, vector<1x16xf32>,
      %parallel_loop3A_487 = vector.shape_cast %parallel_loop3A_486 : vector<1x16xf32> to vector<16xf32>
      %parallel_loop3A_488 = arith.addf %parallel_loop3A_483, %parallel_loop3A_487 : vector<16xf32>
      %parallel_loop3A_489 = arith.index_cast %parallel_loop3A_474 : i32 to index
      %parallel_loop3A_490 = arith.index_cast %parallel_loop3A_479 : i32 to index
      %parallel_loop3A_491 = tpu.vector_load %arg10[%parallel_loop3A_489, %parallel_loop3A_490] {strides = array<i32>} : memref<16x1024xf32, #tpu.memory_space<vmem>>, vector<1x16xf32>,
      %parallel_loop3A_492 = vector.shape_cast %parallel_loop3A_491 : vector<1x16xf32> to vector<16xf32>
      %parallel_loop3A_493 = vector.shape_cast %parallel_loop3A_488 : vector<16xf32> to vector<1x16xf32>
      tpu.vector_store %arg10[%parallel_loop3A_489, %parallel_loop3A_490], %parallel_loop3A_493 {strides = array<i32>} : memref<16x1024xf32, #tpu.memory_space<vmem>>, vector<1x16xf32>,
    } {sc.loop_unroll_factor = 16 : i64, sc.parallel_access}
    %add3A_120 = arith.constant 6144 : i32
    %add3A_121 = arith.addi %add3A_120, %mul3A_2 : i32
    %add3A_122 = arith.constant 0 : i32
    %add3A_123 = arith.addi %add3A_121, %add3A_122 : i32
    %dma_start3A_124 = arith.constant 0 : i32
    %dma_start3A_125 = tpu.memref_slice %arg4[%add3A_123, %dma_start3A_124] : memref<8192x1024xf32, #tpu.memory_space<hbm>> -> memref<16x1024xf32, #tpu.memory_space<hbm>>
    %dma_start3A_126 = arith.constant 0 : i32
    %dma_start3A_127 = tpu.memref_slice %arg4[%add3A_123, %dma_start3A_126] : memref<8192x1024xf32, #tpu.memory_space<hbm>> -> memref<16x1024xf32, #tpu.memory_space<hbm>>
    tpu.enqueue_dma source(%arg10 : memref<16x1024xf32, #tpu.memory_space<vmem>>) target(%dma_start3A_127 : memref<16x1024xf32, #tpu.memory_space<hbm>>) target_semaphore(%arg22 : memref<!tpu.dma_semaphore, #tpu.memory_space<semaphore_mem>>)
    %dma_wait3A_128 = arith.constant 0 : i32
    %dma_wait3A_129 = tpu.memref_slice %arg4[%add3A_73, %dma_wait3A_128] : memref<8192x1024xf32, #tpu.memory_space<hbm>> -> memref<16x1024xf32, #tpu.memory_space<hbm>>
    %dma_wait3A_130 = arith.constant 0 : i32
    %dma_wait3A_131 = tpu.memref_slice %arg4[%add3A_73, %dma_wait3A_130] : memref<8192x1024xf32, #tpu.memory_space<hbm>> -> memref<16x1024xf32, #tpu.memory_space<hbm>>
    tpu.wait_dma2 semaphore(%arg20 : memref<!tpu.dma_semaphore, #tpu.memory_space<semaphore_mem>>) src(%arg8 : memref<16x1024xf32, #tpu.memory_space<vmem>>) dst(%dma_wait3A_131 : memref<16x1024xf32, #tpu.memory_space<hbm>>)
    %add3A_132 = arith.constant 4096 : i32
    %add3A_133 = arith.addi %add3A_132, %mul3A_2 : i32
    %add3A_134 = arith.constant 16 : i32
    %add3A_135 = arith.addi %add3A_133, %add3A_134 : i32
    %dma_start3A_136 = arith.constant 0 : i32
    %dma_start3A_137 = tpu.memref_slice %arg2[%add3A_135, %dma_start3A_136] : memref<8192x1024xf32, #tpu.memory_space<hbm>> -> memref<16x1024xf32, #tpu.memory_space<hbm>>
    %dma_start3A_138 = arith.constant 0 : i32
    %dma_start3A_139 = tpu.memref_slice %arg2[%add3A_135, %dma_start3A_138] : memref<8192x1024xf32, #tpu.memory_space<hbm>> -> memref<16x1024xf32, #tpu.memory_space<hbm>>
    tpu.enqueue_dma source(%dma_start3A_139 : memref<16x1024xf32, #tpu.memory_space<hbm>>) target(%arg8 : memref<16x1024xf32, #tpu.memory_space<vmem>>) target_semaphore(%arg15 : memref<!tpu.dma_semaphore, #tpu.memory_space<semaphore_mem>>)
    %dma_wait3A_140 = arith.constant 0 : i32
    %dma_wait3A_141 = tpu.memref_slice %arg3[%add3A_36, %dma_wait3A_140] : memref<2048x1024xf32, #tpu.memory_space<hbm>> -> memref<16x1024xf32, #tpu.memory_space<hbm>>
    %dma_wait3A_142 = arith.constant 0 : i32
    %dma_wait3A_143 = tpu.memref_slice %arg3[%add3A_36, %dma_wait3A_142] : memref<2048x1024xf32, #tpu.memory_space<hbm>> -> memref<16x1024xf32, #tpu.memory_space<hbm>>
    tpu.wait_dma2 semaphore(%arg13 : memref<!tpu.dma_semaphore, #tpu.memory_space<semaphore_mem>>) src(%dma_wait3A_143 : memref<16x1024xf32, #tpu.memory_space<hbm>>) dst(%arg6 : memref<16x1024xf32, #tpu.memory_space<vmem>>)
    %add3A_144 = arith.constant 32 : i32
    %add3A_145 = arith.addi %mul3A_2, %add3A_144 : i32
    %dma_start3A_146 = arith.constant 0 : i32
    %dma_start3A_147 = tpu.memref_slice %arg3[%add3A_145, %dma_start3A_146] : memref<2048x1024xf32, #tpu.memory_space<hbm>> -> memref<16x1024xf32, #tpu.memory_space<hbm>>
    %dma_start3A_148 = arith.constant 0 : i32
    %dma_start3A_149 = tpu.memref_slice %arg3[%add3A_145, %dma_start3A_148] : memref<2048x1024xf32, #tpu.memory_space<hbm>> -> memref<16x1024xf32, #tpu.memory_space<hbm>>
    tpu.enqueue_dma source(%dma_start3A_149 : memref<16x1024xf32, #tpu.memory_space<hbm>>) target(%arg5 : memref<16x1024xf32, #tpu.memory_space<vmem>>) target_semaphore(%arg12 : memref<!tpu.dma_semaphore, #tpu.memory_space<semaphore_mem>>)
    %dma_wait3A_150 = arith.constant 0 : i32
    %dma_wait3A_151 = tpu.memref_slice %arg2[%add3A_81, %dma_wait3A_150] : memref<8192x1024xf32, #tpu.memory_space<hbm>> -> memref<16x1024xf32, #tpu.memory_space<hbm>>
    %dma_wait3A_152 = arith.constant 0 : i32
    %dma_wait3A_153 = tpu.memref_slice %arg2[%add3A_81, %dma_wait3A_152] : memref<8192x1024xf32, #tpu.memory_space<hbm>> -> memref<16x1024xf32, #tpu.memory_space<hbm>>
    tpu.wait_dma2 semaphore(%arg18 : memref<!tpu.dma_semaphore, #tpu.memory_space<semaphore_mem>>) src(%dma_wait3A_153 : memref<16x1024xf32, #tpu.memory_space<hbm>>) dst(%arg11 : memref<16x1024xf32, #tpu.memory_space<vmem>>)
    %parallel_loop3A_154 = arith.constant 0 : i32
    %parallel_loop3A_155 = arith.constant 1024 : i32
    %parallel_loop3A_156 = arith.constant 1 : i32
    scf.for %parallel_loop3A_472 = %parallel_loop3A_154 to %parallel_loop3A_155 step %parallel_loop3A_156  : i32 {
      %parallel_loop3A_473 = arith.constant 6 : i32
      %parallel_loop3A_474 = arith.shrsi %parallel_loop3A_472, %parallel_loop3A_473 : i32
      %parallel_loop3A_475 = arith.constant 63 : i32
      %parallel_loop3A_476 = arith.andi %parallel_loop3A_472, %parallel_loop3A_475 : i32
      %parallel_loop3A_477 = arith.constant 16 : i32
      %parallel_loop3A_478 = arith.muli %parallel_loop3A_476, %parallel_loop3A_477 : i32
      %parallel_loop3A_479 = tpu.assume_multiple %parallel_loop3A_478, 16 : i32
      %parallel_loop3A_480 = arith.index_cast %parallel_loop3A_474 : i32 to index
      %parallel_loop3A_481 = arith.index_cast %parallel_loop3A_479 : i32 to index
      %parallel_loop3A_482 = tpu.vector_load %arg11[%parallel_loop3A_480, %parallel_loop3A_481] {strides = array<i32>} : memref<16x1024xf32, #tpu.memory_space<vmem>>, vector<1x16xf32>,
      %parallel_loop3A_483 = vector.shape_cast %parallel_loop3A_482 : vector<1x16xf32> to vector<16xf32>
      %parallel_loop3A_484 = arith.index_cast %parallel_loop3A_474 : i32 to index
      %parallel_loop3A_485 = arith.index_cast %parallel_loop3A_479 : i32 to index
      %parallel_loop3A_486 = tpu.vector_load %arg6[%parallel_loop3A_484, %parallel_loop3A_485] {strides = array<i32>} : memref<16x1024xf32, #tpu.memory_space<vmem>>, vector<1x16xf32>,
      %parallel_loop3A_487 = vector.shape_cast %parallel_loop3A_486 : vector<1x16xf32> to vector<16xf32>
      %parallel_loop3A_488 = arith.addf %parallel_loop3A_483, %parallel_loop3A_487 : vector<16xf32>
      %parallel_loop3A_489 = arith.index_cast %parallel_loop3A_474 : i32 to index
      %parallel_loop3A_490 = arith.index_cast %parallel_loop3A_479 : i32 to index
      %parallel_loop3A_491 = tpu.vector_load %arg11[%parallel_loop3A_489, %parallel_loop3A_490] {strides = array<i32>} : memref<16x1024xf32, #tpu.memory_space<vmem>>, vector<1x16xf32>,
      %parallel_loop3A_492 = vector.shape_cast %parallel_loop3A_491 : vector<1x16xf32> to vector<16xf32>
      %parallel_loop3A_493 = vector.shape_cast %parallel_loop3A_488 : vector<16xf32> to vector<1x16xf32>
      tpu.vector_store %arg11[%parallel_loop3A_489, %parallel_loop3A_490], %parallel_loop3A_493 {strides = array<i32>} : memref<16x1024xf32, #tpu.memory_space<vmem>>, vector<1x16xf32>,
    } {sc.loop_unroll_factor = 16 : i64, sc.parallel_access}
    %add3A_157 = arith.constant 0 : i32
    %add3A_158 = arith.addi %add3A_157, %mul3A_2 : i32
    %add3A_159 = arith.constant 16 : i32
    %add3A_160 = arith.addi %add3A_158, %add3A_159 : i32
    %dma_start3A_161 = arith.constant 0 : i32
    %dma_start3A_162 = tpu.memref_slice %arg4[%add3A_160, %dma_start3A_161] : memref<8192x1024xf32, #tpu.memory_space<hbm>> -> memref<16x1024xf32, #tpu.memory_space<hbm>>
    %dma_start3A_163 = arith.constant 0 : i32
    %dma_start3A_164 = tpu.memref_slice %arg4[%add3A_160, %dma_start3A_163] : memref<8192x1024xf32, #tpu.memory_space<hbm>> -> memref<16x1024xf32, #tpu.memory_space<hbm>>
    tpu.enqueue_dma source(%arg11 : memref<16x1024xf32, #tpu.memory_space<vmem>>) target(%dma_start3A_164 : memref<16x1024xf32, #tpu.memory_space<hbm>>) target_semaphore(%arg23 : memref<!tpu.dma_semaphore, #tpu.memory_space<semaphore_mem>>)
    %dma_wait3A_165 = arith.constant 0 : i32
    %dma_wait3A_166 = tpu.memref_slice %arg4[%add3A_96, %dma_wait3A_165] : memref<8192x1024xf32, #tpu.memory_space<hbm>> -> memref<16x1024xf32, #tpu.memory_space<hbm>>
    %dma_wait3A_167 = arith.constant 0 : i32
    %dma_wait3A_168 = tpu.memref_slice %arg4[%add3A_96, %dma_wait3A_167] : memref<8192x1024xf32, #tpu.memory_space<hbm>> -> memref<16x1024xf32, #tpu.memory_space<hbm>>
    tpu.wait_dma2 semaphore(%arg21 : memref<!tpu.dma_semaphore, #tpu.memory_space<semaphore_mem>>) src(%arg9 : memref<16x1024xf32, #tpu.memory_space<vmem>>) dst(%dma_wait3A_168 : memref<16x1024xf32, #tpu.memory_space<hbm>>)
    %add3A_169 = arith.constant 6144 : i32
    %add3A_170 = arith.addi %add3A_169, %mul3A_2 : i32
    %add3A_171 = arith.constant 16 : i32
    %add3A_172 = arith.addi %add3A_170, %add3A_171 : i32
    %dma_start3A_173 = arith.constant 0 : i32
    %dma_start3A_174 = tpu.memref_slice %arg2[%add3A_172, %dma_start3A_173] : memref<8192x1024xf32, #tpu.memory_space<hbm>> -> memref<16x1024xf32, #tpu.memory_space<hbm>>
    %dma_start3A_175 = arith.constant 0 : i32
    %dma_start3A_176 = tpu.memref_slice %arg2[%add3A_172, %dma_start3A_175] : memref<8192x1024xf32, #tpu.memory_space<hbm>> -> memref<16x1024xf32, #tpu.memory_space<hbm>>
    tpu.enqueue_dma source(%dma_start3A_176 : memref<16x1024xf32, #tpu.memory_space<hbm>>) target(%arg9 : memref<16x1024xf32, #tpu.memory_space<vmem>>) target_semaphore(%arg16 : memref<!tpu.dma_semaphore, #tpu.memory_space<semaphore_mem>>)
    %dma_wait3A_177 = arith.constant 0 : i32
    %dma_wait3A_178 = tpu.memref_slice %arg2[%add3A_108, %dma_wait3A_177] : memref<8192x1024xf32, #tpu.memory_space<hbm>> -> memref<16x1024xf32, #tpu.memory_space<hbm>>
    %dma_wait3A_179 = arith.constant 0 : i32
    %dma_wait3A_180 = tpu.memref_slice %arg2[%add3A_108, %dma_wait3A_179] : memref<8192x1024xf32, #tpu.memory_space<hbm>> -> memref<16x1024xf32, #tpu.memory_space<hbm>>
    tpu.wait_dma2 semaphore(%arg14 : memref<!tpu.dma_semaphore, #tpu.memory_space<semaphore_mem>>) src(%dma_wait3A_180 : memref<16x1024xf32, #tpu.memory_space<hbm>>) dst(%arg7 : memref<16x1024xf32, #tpu.memory_space<vmem>>)
    %parallel_loop3A_181 = arith.constant 0 : i32
    %parallel_loop3A_182 = arith.constant 1024 : i32
    %parallel_loop3A_183 = arith.constant 1 : i32
    scf.for %parallel_loop3A_472 = %parallel_loop3A_181 to %parallel_loop3A_182 step %parallel_loop3A_183  : i32 {
      %parallel_loop3A_473 = arith.constant 6 : i32
      %parallel_loop3A_474 = arith.shrsi %parallel_loop3A_472, %parallel_loop3A_473 : i32
      %parallel_loop3A_475 = arith.constant 63 : i32
      %parallel_loop3A_476 = arith.andi %parallel_loop3A_472, %parallel_loop3A_475 : i32
      %parallel_loop3A_477 = arith.constant 16 : i32
      %parallel_loop3A_478 = arith.muli %parallel_loop3A_476, %parallel_loop3A_477 : i32
      %parallel_loop3A_479 = tpu.assume_multiple %parallel_loop3A_478, 16 : i32
      %parallel_loop3A_480 = arith.index_cast %parallel_loop3A_474 : i32 to index
      %parallel_loop3A_481 = arith.index_cast %parallel_loop3A_479 : i32 to index
      %parallel_loop3A_482 = tpu.vector_load %arg7[%parallel_loop3A_480, %parallel_loop3A_481] {strides = array<i32>} : memref<16x1024xf32, #tpu.memory_space<vmem>>, vector<1x16xf32>,
      %parallel_loop3A_483 = vector.shape_cast %parallel_loop3A_482 : vector<1x16xf32> to vector<16xf32>
      %parallel_loop3A_484 = arith.index_cast %parallel_loop3A_474 : i32 to index
      %parallel_loop3A_485 = arith.index_cast %parallel_loop3A_479 : i32 to index
      %parallel_loop3A_486 = tpu.vector_load %arg6[%parallel_loop3A_484, %parallel_loop3A_485] {strides = array<i32>} : memref<16x1024xf32, #tpu.memory_space<vmem>>, vector<1x16xf32>,
      %parallel_loop3A_487 = vector.shape_cast %parallel_loop3A_486 : vector<1x16xf32> to vector<16xf32>
      %parallel_loop3A_488 = arith.addf %parallel_loop3A_483, %parallel_loop3A_487 : vector<16xf32>
      %parallel_loop3A_489 = arith.index_cast %parallel_loop3A_474 : i32 to index
      %parallel_loop3A_490 = arith.index_cast %parallel_loop3A_479 : i32 to index
      %parallel_loop3A_491 = tpu.vector_load %arg7[%parallel_loop3A_489, %parallel_loop3A_490] {strides = array<i32>} : memref<16x1024xf32, #tpu.memory_space<vmem>>, vector<1x16xf32>,
      %parallel_loop3A_492 = vector.shape_cast %parallel_loop3A_491 : vector<1x16xf32> to vector<16xf32>
      %parallel_loop3A_493 = vector.shape_cast %parallel_loop3A_488 : vector<16xf32> to vector<1x16xf32>
      tpu.vector_store %arg7[%parallel_loop3A_489, %parallel_loop3A_490], %parallel_loop3A_493 {strides = array<i32>} : memref<16x1024xf32, #tpu.memory_space<vmem>>, vector<1x16xf32>,
    } {sc.loop_unroll_factor = 16 : i64, sc.parallel_access}
    %add3A_184 = arith.constant 2048 : i32
    %add3A_185 = arith.addi %add3A_184, %mul3A_2 : i32
    %add3A_186 = arith.constant 16 : i32
    %add3A_187 = arith.addi %add3A_185, %add3A_186 : i32
    %dma_start3A_188 = arith.constant 0 : i32
    %dma_start3A_189 = tpu.memref_slice %arg4[%add3A_187, %dma_start3A_188] : memref<8192x1024xf32, #tpu.memory_space<hbm>> -> memref<16x1024xf32, #tpu.memory_space<hbm>>
    %dma_start3A_190 = arith.constant 0 : i32
    %dma_start3A_191 = tpu.memref_slice %arg4[%add3A_187, %dma_start3A_190] : memref<8192x1024xf32, #tpu.memory_space<hbm>> -> memref<16x1024xf32, #tpu.memory_space<hbm>>
    tpu.enqueue_dma source(%arg7 : memref<16x1024xf32, #tpu.memory_space<vmem>>) target(%dma_start3A_191 : memref<16x1024xf32, #tpu.memory_space<hbm>>) target_semaphore(%arg19 : memref<!tpu.dma_semaphore, #tpu.memory_space<semaphore_mem>>)
    %dma_wait3A_192 = arith.constant 0 : i32
    %dma_wait3A_193 = tpu.memref_slice %arg4[%add3A_123, %dma_wait3A_192] : memref<8192x1024xf32, #tpu.memory_space<hbm>> -> memref<16x1024xf32, #tpu.memory_space<hbm>>
    %dma_wait3A_194 = arith.constant 0 : i32
    %dma_wait3A_195 = tpu.memref_slice %arg4[%add3A_123, %dma_wait3A_194] : memref<8192x1024xf32, #tpu.memory_space<hbm>> -> memref<16x1024xf32, #tpu.memory_space<hbm>>
    tpu.wait_dma2 semaphore(%arg22 : memref<!tpu.dma_semaphore, #tpu.memory_space<semaphore_mem>>) src(%arg10 : memref<16x1024xf32, #tpu.memory_space<vmem>>) dst(%dma_wait3A_195 : memref<16x1024xf32, #tpu.memory_space<hbm>>)
    %add3A_196 = arith.constant 0 : i32
    %add3A_197 = arith.addi %add3A_196, %mul3A_2 : i32
    %add3A_198 = arith.constant 32 : i32
    %add3A_199 = arith.addi %add3A_197, %add3A_198 : i32
    %dma_start3A_200 = arith.constant 0 : i32
    %dma_start3A_201 = tpu.memref_slice %arg2[%add3A_199, %dma_start3A_200] : memref<8192x1024xf32, #tpu.memory_space<hbm>> -> memref<16x1024xf32, #tpu.memory_space<hbm>>
    %dma_start3A_202 = arith.constant 0 : i32
    %dma_start3A_203 = tpu.memref_slice %arg2[%add3A_199, %dma_start3A_202] : memref<8192x1024xf32, #tpu.memory_space<hbm>> -> memref<16x1024xf32, #tpu.memory_space<hbm>>
    tpu.enqueue_dma source(%dma_start3A_203 : memref<16x1024xf32, #tpu.memory_space<hbm>>) target(%arg10 : memref<16x1024xf32, #tpu.memory_space<vmem>>) target_semaphore(%arg17 : memref<!tpu.dma_semaphore, #tpu.memory_space<semaphore_mem>>)
    %dma_wait3A_204 = arith.constant 0 : i32
    %dma_wait3A_205 = tpu.memref_slice %arg2[%add3A_135, %dma_wait3A_204] : memref<8192x1024xf32, #tpu.memory_space<hbm>> -> memref<16x1024xf32, #tpu.memory_space<hbm>>
    %dma_wait3A_206 = arith.constant 0 : i32
    %dma_wait3A_207 = tpu.memref_slice %arg2[%add3A_135, %dma_wait3A_206] : memref<8192x1024xf32, #tpu.memory_space<hbm>> -> memref<16x1024xf32, #tpu.memory_space<hbm>>
    tpu.wait_dma2 semaphore(%arg15 : memref<!tpu.dma_semaphore, #tpu.memory_space<semaphore_mem>>) src(%dma_wait3A_207 : memref<16x1024xf32, #tpu.memory_space<hbm>>) dst(%arg8 : memref<16x1024xf32, #tpu.memory_space<vmem>>)
    %parallel_loop3A_208 = arith.constant 0 : i32
    %parallel_loop3A_209 = arith.constant 1024 : i32
    %parallel_loop3A_210 = arith.constant 1 : i32
    scf.for %parallel_loop3A_472 = %parallel_loop3A_208 to %parallel_loop3A_209 step %parallel_loop3A_210  : i32 {
      %parallel_loop3A_473 = arith.constant 6 : i32
      %parallel_loop3A_474 = arith.shrsi %parallel_loop3A_472, %parallel_loop3A_473 : i32
      %parallel_loop3A_475 = arith.constant 63 : i32
      %parallel_loop3A_476 = arith.andi %parallel_loop3A_472, %parallel_loop3A_475 : i32
      %parallel_loop3A_477 = arith.constant 16 : i32
      %parallel_loop3A_478 = arith.muli %parallel_loop3A_476, %parallel_loop3A_477 : i32
      %parallel_loop3A_479 = tpu.assume_multiple %parallel_loop3A_478, 16 : i32
      %parallel_loop3A_480 = arith.index_cast %parallel_loop3A_474 : i32 to index
      %parallel_loop3A_481 = arith.index_cast %parallel_loop3A_479 : i32 to index
      %parallel_loop3A_482 = tpu.vector_load %arg8[%parallel_loop3A_480, %parallel_loop3A_481] {strides = array<i32>} : memref<16x1024xf32, #tpu.memory_space<vmem>>, vector<1x16xf32>,
      %parallel_loop3A_483 = vector.shape_cast %parallel_loop3A_482 : vector<1x16xf32> to vector<16xf32>
      %parallel_loop3A_484 = arith.index_cast %parallel_loop3A_474 : i32 to index
      %parallel_loop3A_485 = arith.index_cast %parallel_loop3A_479 : i32 to index
      %parallel_loop3A_486 = tpu.vector_load %arg6[%parallel_loop3A_484, %parallel_loop3A_485] {strides = array<i32>} : memref<16x1024xf32, #tpu.memory_space<vmem>>, vector<1x16xf32>,
      %parallel_loop3A_487 = vector.shape_cast %parallel_loop3A_486 : vector<1x16xf32> to vector<16xf32>
      %parallel_loop3A_488 = arith.addf %parallel_loop3A_483, %parallel_loop3A_487 : vector<16xf32>
      %parallel_loop3A_489 = arith.index_cast %parallel_loop3A_474 : i32 to index
      %parallel_loop3A_490 = arith.index_cast %parallel_loop3A_479 : i32 to index
      %parallel_loop3A_491 = tpu.vector_load %arg8[%parallel_loop3A_489, %parallel_loop3A_490] {strides = array<i32>} : memref<16x1024xf32, #tpu.memory_space<vmem>>, vector<1x16xf32>,
      %parallel_loop3A_492 = vector.shape_cast %parallel_loop3A_491 : vector<1x16xf32> to vector<16xf32>
      %parallel_loop3A_493 = vector.shape_cast %parallel_loop3A_488 : vector<16xf32> to vector<1x16xf32>
      tpu.vector_store %arg8[%parallel_loop3A_489, %parallel_loop3A_490], %parallel_loop3A_493 {strides = array<i32>} : memref<16x1024xf32, #tpu.memory_space<vmem>>, vector<1x16xf32>,
    } {sc.loop_unroll_factor = 16 : i64, sc.parallel_access}
    %add3A_211 = arith.constant 4096 : i32
    %add3A_212 = arith.addi %add3A_211, %mul3A_2 : i32
    %add3A_213 = arith.constant 16 : i32
    %add3A_214 = arith.addi %add3A_212, %add3A_213 : i32
    %dma_start3A_215 = arith.constant 0 : i32
    %dma_start3A_216 = tpu.memref_slice %arg4[%add3A_214, %dma_start3A_215] : memref<8192x1024xf32, #tpu.memory_space<hbm>> -> memref<16x1024xf32, #tpu.memory_space<hbm>>
    %dma_start3A_217 = arith.constant 0 : i32
    %dma_start3A_218 = tpu.memref_slice %arg4[%add3A_214, %dma_start3A_217] : memref<8192x1024xf32, #tpu.memory_space<hbm>> -> memref<16x1024xf32, #tpu.memory_space<hbm>>
    tpu.enqueue_dma source(%arg8 : memref<16x1024xf32, #tpu.memory_space<vmem>>) target(%dma_start3A_218 : memref<16x1024xf32, #tpu.memory_space<hbm>>) target_semaphore(%arg20 : memref<!tpu.dma_semaphore, #tpu.memory_space<semaphore_mem>>)
    %dma_wait3A_219 = arith.constant 0 : i32
    %dma_wait3A_220 = tpu.memref_slice %arg4[%add3A_160, %dma_wait3A_219] : memref<8192x1024xf32, #tpu.memory_space<hbm>> -> memref<16x1024xf32, #tpu.memory_space<hbm>>
    %dma_wait3A_221 = arith.constant 0 : i32
    %dma_wait3A_222 = tpu.memref_slice %arg4[%add3A_160, %dma_wait3A_221] : memref<8192x1024xf32, #tpu.memory_space<hbm>> -> memref<16x1024xf32, #tpu.memory_space<hbm>>
    tpu.wait_dma2 semaphore(%arg23 : memref<!tpu.dma_semaphore, #tpu.memory_space<semaphore_mem>>) src(%arg11 : memref<16x1024xf32, #tpu.memory_space<vmem>>) dst(%dma_wait3A_222 : memref<16x1024xf32, #tpu.memory_space<hbm>>)
    %add3A_223 = arith.constant 2048 : i32
    %add3A_224 = arith.addi %add3A_223, %mul3A_2 : i32
    %add3A_225 = arith.constant 32 : i32
    %add3A_226 = arith.addi %add3A_224, %add3A_225 : i32
    %dma_start3A_227 = arith.constant 0 : i32
    %dma_start3A_228 = tpu.memref_slice %arg2[%add3A_226, %dma_start3A_227] : memref<8192x1024xf32, #tpu.memory_space<hbm>> -> memref<16x1024xf32, #tpu.memory_space<hbm>>
    %dma_start3A_229 = arith.constant 0 : i32
    %dma_start3A_230 = tpu.memref_slice %arg2[%add3A_226, %dma_start3A_229] : memref<8192x1024xf32, #tpu.memory_space<hbm>> -> memref<16x1024xf32, #tpu.memory_space<hbm>>
    tpu.enqueue_dma source(%dma_start3A_230 : memref<16x1024xf32, #tpu.memory_space<hbm>>) target(%arg11 : memref<16x1024xf32, #tpu.memory_space<vmem>>) target_semaphore(%arg18 : memref<!tpu.dma_semaphore, #tpu.memory_space<semaphore_mem>>)
    %dma_wait3A_231 = arith.constant 0 : i32
    %dma_wait3A_232 = tpu.memref_slice %arg2[%add3A_172, %dma_wait3A_231] : memref<8192x1024xf32, #tpu.memory_space<hbm>> -> memref<16x1024xf32, #tpu.memory_space<hbm>>
    %dma_wait3A_233 = arith.constant 0 : i32
    %dma_wait3A_234 = tpu.memref_slice %arg2[%add3A_172, %dma_wait3A_233] : memref<8192x1024xf32, #tpu.memory_space<hbm>> -> memref<16x1024xf32, #tpu.memory_space<hbm>>
    tpu.wait_dma2 semaphore(%arg16 : memref<!tpu.dma_semaphore, #tpu.memory_space<semaphore_mem>>) src(%dma_wait3A_234 : memref<16x1024xf32, #tpu.memory_space<hbm>>) dst(%arg9 : memref<16x1024xf32, #tpu.memory_space<vmem>>)
    %parallel_loop3A_235 = arith.constant 0 : i32
    %parallel_loop3A_236 = arith.constant 1024 : i32
    %parallel_loop3A_237 = arith.constant 1 : i32
    scf.for %parallel_loop3A_472 = %parallel_loop3A_235 to %parallel_loop3A_236 step %parallel_loop3A_237  : i32 {
      %parallel_loop3A_473 = arith.constant 6 : i32
      %parallel_loop3A_474 = arith.shrsi %parallel_loop3A_472, %parallel_loop3A_473 : i32
      %parallel_loop3A_475 = arith.constant 63 : i32
      %parallel_loop3A_476 = arith.andi %parallel_loop3A_472, %parallel_loop3A_475 : i32
      %parallel_loop3A_477 = arith.constant 16 : i32
      %parallel_loop3A_478 = arith.muli %parallel_loop3A_476, %parallel_loop3A_477 : i32
      %parallel_loop3A_479 = tpu.assume_multiple %parallel_loop3A_478, 16 : i32
      %parallel_loop3A_480 = arith.index_cast %parallel_loop3A_474 : i32 to index
      %parallel_loop3A_481 = arith.index_cast %parallel_loop3A_479 : i32 to index
      %parallel_loop3A_482 = tpu.vector_load %arg9[%parallel_loop3A_480, %parallel_loop3A_481] {strides = array<i32>} : memref<16x1024xf32, #tpu.memory_space<vmem>>, vector<1x16xf32>,
      %parallel_loop3A_483 = vector.shape_cast %parallel_loop3A_482 : vector<1x16xf32> to vector<16xf32>
      %parallel_loop3A_484 = arith.index_cast %parallel_loop3A_474 : i32 to index
      %parallel_loop3A_485 = arith.index_cast %parallel_loop3A_479 : i32 to index
      %parallel_loop3A_486 = tpu.vector_load %arg6[%parallel_loop3A_484, %parallel_loop3A_485] {strides = array<i32>} : memref<16x1024xf32, #tpu.memory_space<vmem>>, vector<1x16xf32>,
      %parallel_loop3A_487 = vector.shape_cast %parallel_loop3A_486 : vector<1x16xf32> to vector<16xf32>
      %parallel_loop3A_488 = arith.addf %parallel_loop3A_483, %parallel_loop3A_487 : vector<16xf32>
      %parallel_loop3A_489 = arith.index_cast %parallel_loop3A_474 : i32 to index
      %parallel_loop3A_490 = arith.index_cast %parallel_loop3A_479 : i32 to index
      %parallel_loop3A_491 = tpu.vector_load %arg9[%parallel_loop3A_489, %parallel_loop3A_490] {strides = array<i32>} : memref<16x1024xf32, #tpu.memory_space<vmem>>, vector<1x16xf32>,
      %parallel_loop3A_492 = vector.shape_cast %parallel_loop3A_491 : vector<1x16xf32> to vector<16xf32>
      %parallel_loop3A_493 = vector.shape_cast %parallel_loop3A_488 : vector<16xf32> to vector<1x16xf32>
      tpu.vector_store %arg9[%parallel_loop3A_489, %parallel_loop3A_490], %parallel_loop3A_493 {strides = array<i32>} : memref<16x1024xf32, #tpu.memory_space<vmem>>, vector<1x16xf32>,
    } {sc.loop_unroll_factor = 16 : i64, sc.parallel_access}
    %add3A_238 = arith.constant 6144 : i32
    %add3A_239 = arith.addi %add3A_238, %mul3A_2 : i32
    %add3A_240 = arith.constant 16 : i32
    %add3A_241 = arith.addi %add3A_239, %add3A_240 : i32
    %dma_start3A_242 = arith.constant 0 : i32
    %dma_start3A_243 = tpu.memref_slice %arg4[%add3A_241, %dma_start3A_242] : memref<8192x1024xf32, #tpu.memory_space<hbm>> -> memref<16x1024xf32, #tpu.memory_space<hbm>>
    %dma_start3A_244 = arith.constant 0 : i32
    %dma_start3A_245 = tpu.memref_slice %arg4[%add3A_241, %dma_start3A_244] : memref<8192x1024xf32, #tpu.memory_space<hbm>> -> memref<16x1024xf32, #tpu.memory_space<hbm>>
    tpu.enqueue_dma source(%arg9 : memref<16x1024xf32, #tpu.memory_space<vmem>>) target(%dma_start3A_245 : memref<16x1024xf32, #tpu.memory_space<hbm>>) target_semaphore(%arg21 : memref<!tpu.dma_semaphore, #tpu.memory_space<semaphore_mem>>)
    %dma_wait3A_246 = arith.constant 0 : i32
    %dma_wait3A_247 = tpu.memref_slice %arg4[%add3A_187, %dma_wait3A_246] : memref<8192x1024xf32, #tpu.memory_space<hbm>> -> memref<16x1024xf32, #tpu.memory_space<hbm>>
    %dma_wait3A_248 = arith.constant 0 : i32
    %dma_wait3A_249 = tpu.memref_slice %arg4[%add3A_187, %dma_wait3A_248] : memref<8192x1024xf32, #tpu.memory_space<hbm>> -> memref<16x1024xf32, #tpu.memory_space<hbm>>
    tpu.wait_dma2 semaphore(%arg19 : memref<!tpu.dma_semaphore, #tpu.memory_space<semaphore_mem>>) src(%arg7 : memref<16x1024xf32, #tpu.memory_space<vmem>>) dst(%dma_wait3A_249 : memref<16x1024xf32, #tpu.memory_space<hbm>>)
    %add3A_250 = arith.constant 4096 : i32
    %add3A_251 = arith.addi %add3A_250, %mul3A_2 : i32
    %add3A_252 = arith.constant 32 : i32
    %add3A_253 = arith.addi %add3A_251, %add3A_252 : i32
    %dma_start3A_254 = arith.constant 0 : i32
    %dma_start3A_255 = tpu.memref_slice %arg2[%add3A_253, %dma_start3A_254] : memref<8192x1024xf32, #tpu.memory_space<hbm>> -> memref<16x1024xf32, #tpu.memory_space<hbm>>
    %dma_start3A_256 = arith.constant 0 : i32
    %dma_start3A_257 = tpu.memref_slice %arg2[%add3A_253, %dma_start3A_256] : memref<8192x1024xf32, #tpu.memory_space<hbm>> -> memref<16x1024xf32, #tpu.memory_space<hbm>>
    tpu.enqueue_dma source(%dma_start3A_257 : memref<16x1024xf32, #tpu.memory_space<hbm>>) target(%arg7 : memref<16x1024xf32, #tpu.memory_space<vmem>>) target_semaphore(%arg14 : memref<!tpu.dma_semaphore, #tpu.memory_space<semaphore_mem>>)
    %dma_wait3A_258 = arith.constant 0 : i32
    %dma_wait3A_259 = tpu.memref_slice %arg3[%add3A_145, %dma_wait3A_258] : memref<2048x1024xf32, #tpu.memory_space<hbm>> -> memref<16x1024xf32, #tpu.memory_space<hbm>>
    %dma_wait3A_260 = arith.constant 0 : i32
    %dma_wait3A_261 = tpu.memref_slice %arg3[%add3A_145, %dma_wait3A_260] : memref<2048x1024xf32, #tpu.memory_space<hbm>> -> memref<16x1024xf32, #tpu.memory_space<hbm>>
    tpu.wait_dma2 semaphore(%arg12 : memref<!tpu.dma_semaphore, #tpu.memory_space<semaphore_mem>>) src(%dma_wait3A_261 : memref<16x1024xf32, #tpu.memory_space<hbm>>) dst(%arg5 : memref<16x1024xf32, #tpu.memory_space<vmem>>)
    %add3A_262 = arith.constant 48 : i32
    %add3A_263 = arith.addi %mul3A_2, %add3A_262 : i32
    %dma_start3A_264 = arith.constant 0 : i32
    %dma_start3A_265 = tpu.memref_slice %arg3[%add3A_263, %dma_start3A_264] : memref<2048x1024xf32, #tpu.memory_space<hbm>> -> memref<16x1024xf32, #tpu.memory_space<hbm>>
    %dma_start3A_266 = arith.constant 0 : i32
    %dma_start3A_267 = tpu.memref_slice %arg3[%add3A_263, %dma_start3A_266] : memref<2048x1024xf32, #tpu.memory_space<hbm>> -> memref<16x1024xf32, #tpu.memory_space<hbm>>
    tpu.enqueue_dma source(%dma_start3A_267 : memref<16x1024xf32, #tpu.memory_space<hbm>>) target(%arg6 : memref<16x1024xf32, #tpu.memory_space<vmem>>) target_semaphore(%arg13 : memref<!tpu.dma_semaphore, #tpu.memory_space<semaphore_mem>>)
    %dma_wait3A_268 = arith.constant 0 : i32
    %dma_wait3A_269 = tpu.memref_slice %arg2[%add3A_199, %dma_wait3A_268] : memref<8192x1024xf32, #tpu.memory_space<hbm>> -> memref<16x1024xf32, #tpu.memory_space<hbm>>
    %dma_wait3A_270 = arith.constant 0 : i32
    %dma_wait3A_271 = tpu.memref_slice %arg2[%add3A_199, %dma_wait3A_270] : memref<8192x1024xf32, #tpu.memory_space<hbm>> -> memref<16x1024xf32, #tpu.memory_space<hbm>>
    tpu.wait_dma2 semaphore(%arg17 : memref<!tpu.dma_semaphore, #tpu.memory_space<semaphore_mem>>) src(%dma_wait3A_271 : memref<16x1024xf32, #tpu.memory_space<hbm>>) dst(%arg10 : memref<16x1024xf32, #tpu.memory_space<vmem>>)
    %parallel_loop3A_272 = arith.constant 0 : i32
    %parallel_loop3A_273 = arith.constant 1024 : i32
    %parallel_loop3A_274 = arith.constant 1 : i32
    scf.for %parallel_loop3A_472 = %parallel_loop3A_272 to %parallel_loop3A_273 step %parallel_loop3A_274  : i32 {
      %parallel_loop3A_473 = arith.constant 6 : i32
      %parallel_loop3A_474 = arith.shrsi %parallel_loop3A_472, %parallel_loop3A_473 : i32
      %parallel_loop3A_475 = arith.constant 63 : i32
      %parallel_loop3A_476 = arith.andi %parallel_loop3A_472, %parallel_loop3A_475 : i32
      %parallel_loop3A_477 = arith.constant 16 : i32
      %parallel_loop3A_478 = arith.muli %parallel_loop3A_476, %parallel_loop3A_477 : i32
      %parallel_loop3A_479 = tpu.assume_multiple %parallel_loop3A_478, 16 : i32
      %parallel_loop3A_480 = arith.index_cast %parallel_loop3A_474 : i32 to index
      %parallel_loop3A_481 = arith.index_cast %parallel_loop3A_479 : i32 to index
      %parallel_loop3A_482 = tpu.vector_load %arg10[%parallel_loop3A_480, %parallel_loop3A_481] {strides = array<i32>} : memref<16x1024xf32, #tpu.memory_space<vmem>>, vector<1x16xf32>,
      %parallel_loop3A_483 = vector.shape_cast %parallel_loop3A_482 : vector<1x16xf32> to vector<16xf32>
      %parallel_loop3A_484 = arith.index_cast %parallel_loop3A_474 : i32 to index
      %parallel_loop3A_485 = arith.index_cast %parallel_loop3A_479 : i32 to index
      %parallel_loop3A_486 = tpu.vector_load %arg5[%parallel_loop3A_484, %parallel_loop3A_485] {strides = array<i32>} : memref<16x1024xf32, #tpu.memory_space<vmem>>, vector<1x16xf32>,
      %parallel_loop3A_487 = vector.shape_cast %parallel_loop3A_486 : vector<1x16xf32> to vector<16xf32>
      %parallel_loop3A_488 = arith.addf %parallel_loop3A_483, %parallel_loop3A_487 : vector<16xf32>
      %parallel_loop3A_489 = arith.index_cast %parallel_loop3A_474 : i32 to index
      %parallel_loop3A_490 = arith.index_cast %parallel_loop3A_479 : i32 to index
      %parallel_loop3A_491 = tpu.vector_load %arg10[%parallel_loop3A_489, %parallel_loop3A_490] {strides = array<i32>} : memref<16x1024xf32, #tpu.memory_space<vmem>>, vector<1x16xf32>,
      %parallel_loop3A_492 = vector.shape_cast %parallel_loop3A_491 : vector<1x16xf32> to vector<16xf32>
      %parallel_loop3A_493 = vector.shape_cast %parallel_loop3A_488 : vector<16xf32> to vector<1x16xf32>
      tpu.vector_store %arg10[%parallel_loop3A_489, %parallel_loop3A_490], %parallel_loop3A_493 {strides = array<i32>} : memref<16x1024xf32, #tpu.memory_space<vmem>>, vector<1x16xf32>,
    } {sc.loop_unroll_factor = 16 : i64, sc.parallel_access}
    %add3A_275 = arith.constant 0 : i32
    %add3A_276 = arith.addi %add3A_275, %mul3A_2 : i32
    %add3A_277 = arith.constant 32 : i32
    %add3A_278 = arith.addi %add3A_276, %add3A_277 : i32
    %dma_start3A_279 = arith.constant 0 : i32
    %dma_start3A_280 = tpu.memref_slice %arg4[%add3A_278, %dma_start3A_279] : memref<8192x1024xf32, #tpu.memory_space<hbm>> -> memref<16x1024xf32, #tpu.memory_space<hbm>>
    %dma_start3A_281 = arith.constant 0 : i32
    %dma_start3A_282 = tpu.memref_slice %arg4[%add3A_278, %dma_start3A_281] : memref<8192x1024xf32, #tpu.memory_space<hbm>> -> memref<16x1024xf32, #tpu.memory_space<hbm>>
    tpu.enqueue_dma source(%arg10 : memref<16x1024xf32, #tpu.memory_space<vmem>>) target(%dma_start3A_282 : memref<16x1024xf32, #tpu.memory_space<hbm>>) target_semaphore(%arg22 : memref<!tpu.dma_semaphore, #tpu.memory_space<semaphore_mem>>)
    %dma_wait3A_283 = arith.constant 0 : i32
    %dma_wait3A_284 = tpu.memref_slice %arg4[%add3A_214, %dma_wait3A_283] : memref<8192x1024xf32, #tpu.memory_space<hbm>> -> memref<16x1024xf32, #tpu.memory_space<hbm>>
    %dma_wait3A_285 = arith.constant 0 : i32
    %dma_wait3A_286 = tpu.memref_slice %arg4[%add3A_214, %dma_wait3A_285] : memref<8192x1024xf32, #tpu.memory_space<hbm>> -> memref<16x1024xf32, #tpu.memory_space<hbm>>
    tpu.wait_dma2 semaphore(%arg20 : memref<!tpu.dma_semaphore, #tpu.memory_space<semaphore_mem>>) src(%arg8 : memref<16x1024xf32, #tpu.memory_space<vmem>>) dst(%dma_wait3A_286 : memref<16x1024xf32, #tpu.memory_space<hbm>>)
    %add3A_287 = arith.constant 6144 : i32
    %add3A_288 = arith.addi %add3A_287, %mul3A_2 : i32
    %add3A_289 = arith.constant 32 : i32
    %add3A_290 = arith.addi %add3A_288, %add3A_289 : i32
    %dma_start3A_291 = arith.constant 0 : i32
    %dma_start3A_292 = tpu.memref_slice %arg2[%add3A_290, %dma_start3A_291] : memref<8192x1024xf32, #tpu.memory_space<hbm>> -> memref<16x1024xf32, #tpu.memory_space<hbm>>
    %dma_start3A_293 = arith.constant 0 : i32
    %dma_start3A_294 = tpu.memref_slice %arg2[%add3A_290, %dma_start3A_293] : memref<8192x1024xf32, #tpu.memory_space<hbm>> -> memref<16x1024xf32, #tpu.memory_space<hbm>>
    tpu.enqueue_dma source(%dma_start3A_294 : memref<16x1024xf32, #tpu.memory_space<hbm>>) target(%arg8 : memref<16x1024xf32, #tpu.memory_space<vmem>>) target_semaphore(%arg15 : memref<!tpu.dma_semaphore, #tpu.memory_space<semaphore_mem>>)
    %dma_wait3A_295 = arith.constant 0 : i32
    %dma_wait3A_296 = tpu.memref_slice %arg2[%add3A_226, %dma_wait3A_295] : memref<8192x1024xf32, #tpu.memory_space<hbm>> -> memref<16x1024xf32, #tpu.memory_space<hbm>>
    %dma_wait3A_297 = arith.constant 0 : i32
    %dma_wait3A_298 = tpu.memref_slice %arg2[%add3A_226, %dma_wait3A_297] : memref<8192x1024xf32, #tpu.memory_space<hbm>> -> memref<16x1024xf32, #tpu.memory_space<hbm>>
    tpu.wait_dma2 semaphore(%arg18 : memref<!tpu.dma_semaphore, #tpu.memory_space<semaphore_mem>>) src(%dma_wait3A_298 : memref<16x1024xf32, #tpu.memory_space<hbm>>) dst(%arg11 : memref<16x1024xf32, #tpu.memory_space<vmem>>)
    %parallel_loop3A_299 = arith.constant 0 : i32
    %parallel_loop3A_300 = arith.constant 1024 : i32
    %parallel_loop3A_301 = arith.constant 1 : i32
    scf.for %parallel_loop3A_472 = %parallel_loop3A_299 to %parallel_loop3A_300 step %parallel_loop3A_301  : i32 {
      %parallel_loop3A_473 = arith.constant 6 : i32
      %parallel_loop3A_474 = arith.shrsi %parallel_loop3A_472, %parallel_loop3A_473 : i32
      %parallel_loop3A_475 = arith.constant 63 : i32
      %parallel_loop3A_476 = arith.andi %parallel_loop3A_472, %parallel_loop3A_475 : i32
      %parallel_loop3A_477 = arith.constant 16 : i32
      %parallel_loop3A_478 = arith.muli %parallel_loop3A_476, %parallel_loop3A_477 : i32
      %parallel_loop3A_479 = tpu.assume_multiple %parallel_loop3A_478, 16 : i32
      %parallel_loop3A_480 = arith.index_cast %parallel_loop3A_474 : i32 to index
      %parallel_loop3A_481 = arith.index_cast %parallel_loop3A_479 : i32 to index
      %parallel_loop3A_482 = tpu.vector_load %arg11[%parallel_loop3A_480, %parallel_loop3A_481] {strides = array<i32>} : memref<16x1024xf32, #tpu.memory_space<vmem>>, vector<1x16xf32>,
      %parallel_loop3A_483 = vector.shape_cast %parallel_loop3A_482 : vector<1x16xf32> to vector<16xf32>
      %parallel_loop3A_484 = arith.index_cast %parallel_loop3A_474 : i32 to index
      %parallel_loop3A_485 = arith.index_cast %parallel_loop3A_479 : i32 to index
      %parallel_loop3A_486 = tpu.vector_load %arg5[%parallel_loop3A_484, %parallel_loop3A_485] {strides = array<i32>} : memref<16x1024xf32, #tpu.memory_space<vmem>>, vector<1x16xf32>,
      %parallel_loop3A_487 = vector.shape_cast %parallel_loop3A_486 : vector<1x16xf32> to vector<16xf32>
      %parallel_loop3A_488 = arith.addf %parallel_loop3A_483, %parallel_loop3A_487 : vector<16xf32>
      %parallel_loop3A_489 = arith.index_cast %parallel_loop3A_474 : i32 to index
      %parallel_loop3A_490 = arith.index_cast %parallel_loop3A_479 : i32 to index
      %parallel_loop3A_491 = tpu.vector_load %arg11[%parallel_loop3A_489, %parallel_loop3A_490] {strides = array<i32>} : memref<16x1024xf32, #tpu.memory_space<vmem>>, vector<1x16xf32>,
      %parallel_loop3A_492 = vector.shape_cast %parallel_loop3A_491 : vector<1x16xf32> to vector<16xf32>
      %parallel_loop3A_493 = vector.shape_cast %parallel_loop3A_488 : vector<16xf32> to vector<1x16xf32>
      tpu.vector_store %arg11[%parallel_loop3A_489, %parallel_loop3A_490], %parallel_loop3A_493 {strides = array<i32>} : memref<16x1024xf32, #tpu.memory_space<vmem>>, vector<1x16xf32>,
    } {sc.loop_unroll_factor = 16 : i64, sc.parallel_access}
    %add3A_302 = arith.constant 2048 : i32
    %add3A_303 = arith.addi %add3A_302, %mul3A_2 : i32
    %add3A_304 = arith.constant 32 : i32
    %add3A_305 = arith.addi %add3A_303, %add3A_304 : i32
    %dma_start3A_306 = arith.constant 0 : i32
    %dma_start3A_307 = tpu.memref_slice %arg4[%add3A_305, %dma_start3A_306] : memref<8192x1024xf32, #tpu.memory_space<hbm>> -> memref<16x1024xf32, #tpu.memory_space<hbm>>
    %dma_start3A_308 = arith.constant 0 : i32
    %dma_start3A_309 = tpu.memref_slice %arg4[%add3A_305, %dma_start3A_308] : memref<8192x1024xf32, #tpu.memory_space<hbm>> -> memref<16x1024xf32, #tpu.memory_space<hbm>>
    tpu.enqueue_dma source(%arg11 : memref<16x1024xf32, #tpu.memory_space<vmem>>) target(%dma_start3A_309 : memref<16x1024xf32, #tpu.memory_space<hbm>>) target_semaphore(%arg23 : memref<!tpu.dma_semaphore, #tpu.memory_space<semaphore_mem>>)
    %dma_wait3A_310 = arith.constant 0 : i32
    %dma_wait3A_311 = tpu.memref_slice %arg4[%add3A_241, %dma_wait3A_310] : memref<8192x1024xf32, #tpu.memory_space<hbm>> -> memref<16x1024xf32, #tpu.memory_space<hbm>>
    %dma_wait3A_312 = arith.constant 0 : i32
    %dma_wait3A_313 = tpu.memref_slice %arg4[%add3A_241, %dma_wait3A_312] : memref<8192x1024xf32, #tpu.memory_space<hbm>> -> memref<16x1024xf32, #tpu.memory_space<hbm>>
    tpu.wait_dma2 semaphore(%arg21 : memref<!tpu.dma_semaphore, #tpu.memory_space<semaphore_mem>>) src(%arg9 : memref<16x1024xf32, #tpu.memory_space<vmem>>) dst(%dma_wait3A_313 : memref<16x1024xf32, #tpu.memory_space<hbm>>)
    %add3A_314 = arith.constant 0 : i32
    %add3A_315 = arith.addi %add3A_314, %mul3A_2 : i32
    %add3A_316 = arith.constant 48 : i32
    %add3A_317 = arith.addi %add3A_315, %add3A_316 : i32
    %dma_start3A_318 = arith.constant 0 : i32
    %dma_start3A_319 = tpu.memref_slice %arg2[%add3A_317, %dma_start3A_318] : memref<8192x1024xf32, #tpu.memory_space<hbm>> -> memref<16x1024xf32, #tpu.memory_space<hbm>>
    %dma_start3A_320 = arith.constant 0 : i32
    %dma_start3A_321 = tpu.memref_slice %arg2[%add3A_317, %dma_start3A_320] : memref<8192x1024xf32, #tpu.memory_space<hbm>> -> memref<16x1024xf32, #tpu.memory_space<hbm>>
    tpu.enqueue_dma source(%dma_start3A_321 : memref<16x1024xf32, #tpu.memory_space<hbm>>) target(%arg9 : memref<16x1024xf32, #tpu.memory_space<vmem>>) target_semaphore(%arg16 : memref<!tpu.dma_semaphore, #tpu.memory_space<semaphore_mem>>)
    %dma_wait3A_322 = arith.constant 0 : i32
    %dma_wait3A_323 = tpu.memref_slice %arg2[%add3A_253, %dma_wait3A_322] : memref<8192x1024xf32, #tpu.memory_space<hbm>> -> memref<16x1024xf32, #tpu.memory_space<hbm>>
    %dma_wait3A_324 = arith.constant 0 : i32
    %dma_wait3A_325 = tpu.memref_slice %arg2[%add3A_253, %dma_wait3A_324] : memref<8192x1024xf32, #tpu.memory_space<hbm>> -> memref<16x1024xf32, #tpu.memory_space<hbm>>
    tpu.wait_dma2 semaphore(%arg14 : memref<!tpu.dma_semaphore, #tpu.memory_space<semaphore_mem>>) src(%dma_wait3A_325 : memref<16x1024xf32, #tpu.memory_space<hbm>>) dst(%arg7 : memref<16x1024xf32, #tpu.memory_space<vmem>>)
    %parallel_loop3A_326 = arith.constant 0 : i32
    %parallel_loop3A_327 = arith.constant 1024 : i32
    %parallel_loop3A_328 = arith.constant 1 : i32
    scf.for %parallel_loop3A_472 = %parallel_loop3A_326 to %parallel_loop3A_327 step %parallel_loop3A_328  : i32 {
      %parallel_loop3A_473 = arith.constant 6 : i32
      %parallel_loop3A_474 = arith.shrsi %parallel_loop3A_472, %parallel_loop3A_473 : i32
      %parallel_loop3A_475 = arith.constant 63 : i32
      %parallel_loop3A_476 = arith.andi %parallel_loop3A_472, %parallel_loop3A_475 : i32
      %parallel_loop3A_477 = arith.constant 16 : i32
      %parallel_loop3A_478 = arith.muli %parallel_loop3A_476, %parallel_loop3A_477 : i32
      %parallel_loop3A_479 = tpu.assume_multiple %parallel_loop3A_478, 16 : i32
      %parallel_loop3A_480 = arith.index_cast %parallel_loop3A_474 : i32 to index
      %parallel_loop3A_481 = arith.index_cast %parallel_loop3A_479 : i32 to index
      %parallel_loop3A_482 = tpu.vector_load %arg7[%parallel_loop3A_480, %parallel_loop3A_481] {strides = array<i32>} : memref<16x1024xf32, #tpu.memory_space<vmem>>, vector<1x16xf32>,
      %parallel_loop3A_483 = vector.shape_cast %parallel_loop3A_482 : vector<1x16xf32> to vector<16xf32>
      %parallel_loop3A_484 = arith.index_cast %parallel_loop3A_474 : i32 to index
      %parallel_loop3A_485 = arith.index_cast %parallel_loop3A_479 : i32 to index
      %parallel_loop3A_486 = tpu.vector_load %arg5[%parallel_loop3A_484, %parallel_loop3A_485] {strides = array<i32>} : memref<16x1024xf32, #tpu.memory_space<vmem>>, vector<1x16xf32>,
      %parallel_loop3A_487 = vector.shape_cast %parallel_loop3A_486 : vector<1x16xf32> to vector<16xf32>
      %parallel_loop3A_488 = arith.addf %parallel_loop3A_483, %parallel_loop3A_487 : vector<16xf32>
      %parallel_loop3A_489 = arith.index_cast %parallel_loop3A_474 : i32 to index
      %parallel_loop3A_490 = arith.index_cast %parallel_loop3A_479 : i32 to index
      %parallel_loop3A_491 = tpu.vector_load %arg7[%parallel_loop3A_489, %parallel_loop3A_490] {strides = array<i32>} : memref<16x1024xf32, #tpu.memory_space<vmem>>, vector<1x16xf32>,
      %parallel_loop3A_492 = vector.shape_cast %parallel_loop3A_491 : vector<1x16xf32> to vector<16xf32>
      %parallel_loop3A_493 = vector.shape_cast %parallel_loop3A_488 : vector<16xf32> to vector<1x16xf32>
      tpu.vector_store %arg7[%parallel_loop3A_489, %parallel_loop3A_490], %parallel_loop3A_493 {strides = array<i32>} : memref<16x1024xf32, #tpu.memory_space<vmem>>, vector<1x16xf32>,
    } {sc.loop_unroll_factor = 16 : i64, sc.parallel_access}
    %add3A_329 = arith.constant 4096 : i32
    %add3A_330 = arith.addi %add3A_329, %mul3A_2 : i32
    %add3A_331 = arith.constant 32 : i32
    %add3A_332 = arith.addi %add3A_330, %add3A_331 : i32
    %dma_start3A_333 = arith.constant 0 : i32
    %dma_start3A_334 = tpu.memref_slice %arg4[%add3A_332, %dma_start3A_333] : memref<8192x1024xf32, #tpu.memory_space<hbm>> -> memref<16x1024xf32, #tpu.memory_space<hbm>>
    %dma_start3A_335 = arith.constant 0 : i32
    %dma_start3A_336 = tpu.memref_slice %arg4[%add3A_332, %dma_start3A_335] : memref<8192x1024xf32, #tpu.memory_space<hbm>> -> memref<16x1024xf32, #tpu.memory_space<hbm>>
    tpu.enqueue_dma source(%arg7 : memref<16x1024xf32, #tpu.memory_space<vmem>>) target(%dma_start3A_336 : memref<16x1024xf32, #tpu.memory_space<hbm>>) target_semaphore(%arg19 : memref<!tpu.dma_semaphore, #tpu.memory_space<semaphore_mem>>)
    %dma_wait3A_337 = arith.constant 0 : i32
    %dma_wait3A_338 = tpu.memref_slice %arg4[%add3A_278, %dma_wait3A_337] : memref<8192x1024xf32, #tpu.memory_space<hbm>> -> memref<16x1024xf32, #tpu.memory_space<hbm>>
    %dma_wait3A_339 = arith.constant 0 : i32
    %dma_wait3A_340 = tpu.memref_slice %arg4[%add3A_278, %dma_wait3A_339] : memref<8192x1024xf32, #tpu.memory_space<hbm>> -> memref<16x1024xf32, #tpu.memory_space<hbm>>
    tpu.wait_dma2 semaphore(%arg22 : memref<!tpu.dma_semaphore, #tpu.memory_space<semaphore_mem>>) src(%arg10 : memref<16x1024xf32, #tpu.memory_space<vmem>>) dst(%dma_wait3A_340 : memref<16x1024xf32, #tpu.memory_space<hbm>>)
    %add3A_341 = arith.constant 2048 : i32
    %add3A_342 = arith.addi %add3A_341, %mul3A_2 : i32
    %add3A_343 = arith.constant 48 : i32
    %add3A_344 = arith.addi %add3A_342, %add3A_343 : i32
    %dma_start3A_345 = arith.constant 0 : i32
    %dma_start3A_346 = tpu.memref_slice %arg2[%add3A_344, %dma_start3A_345] : memref<8192x1024xf32, #tpu.memory_space<hbm>> -> memref<16x1024xf32, #tpu.memory_space<hbm>>
    %dma_start3A_347 = arith.constant 0 : i32
    %dma_start3A_348 = tpu.memref_slice %arg2[%add3A_344, %dma_start3A_347] : memref<8192x1024xf32, #tpu.memory_space<hbm>> -> memref<16x1024xf32, #tpu.memory_space<hbm>>
    tpu.enqueue_dma source(%dma_start3A_348 : memref<16x1024xf32, #tpu.memory_space<hbm>>) target(%arg10 : memref<16x1024xf32, #tpu.memory_space<vmem>>) target_semaphore(%arg17 : memref<!tpu.dma_semaphore, #tpu.memory_space<semaphore_mem>>)
    %dma_wait3A_349 = arith.constant 0 : i32
    %dma_wait3A_350 = tpu.memref_slice %arg2[%add3A_290, %dma_wait3A_349] : memref<8192x1024xf32, #tpu.memory_space<hbm>> -> memref<16x1024xf32, #tpu.memory_space<hbm>>
    %dma_wait3A_351 = arith.constant 0 : i32
    %dma_wait3A_352 = tpu.memref_slice %arg2[%add3A_290, %dma_wait3A_351] : memref<8192x1024xf32, #tpu.memory_space<hbm>> -> memref<16x1024xf32, #tpu.memory_space<hbm>>
    tpu.wait_dma2 semaphore(%arg15 : memref<!tpu.dma_semaphore, #tpu.memory_space<semaphore_mem>>) src(%dma_wait3A_352 : memref<16x1024xf32, #tpu.memory_space<hbm>>) dst(%arg8 : memref<16x1024xf32, #tpu.memory_space<vmem>>)
    %parallel_loop3A_353 = arith.constant 0 : i32
    %parallel_loop3A_354 = arith.constant 1024 : i32
    %parallel_loop3A_355 = arith.constant 1 : i32
    scf.for %parallel_loop3A_472 = %parallel_loop3A_353 to %parallel_loop3A_354 step %parallel_loop3A_355  : i32 {
      %parallel_loop3A_473 = arith.constant 6 : i32
      %parallel_loop3A_474 = arith.shrsi %parallel_loop3A_472, %parallel_loop3A_473 : i32
      %parallel_loop3A_475 = arith.constant 63 : i32
      %parallel_loop3A_476 = arith.andi %parallel_loop3A_472, %parallel_loop3A_475 : i32
      %parallel_loop3A_477 = arith.constant 16 : i32
      %parallel_loop3A_478 = arith.muli %parallel_loop3A_476, %parallel_loop3A_477 : i32
      %parallel_loop3A_479 = tpu.assume_multiple %parallel_loop3A_478, 16 : i32
      %parallel_loop3A_480 = arith.index_cast %parallel_loop3A_474 : i32 to index
      %parallel_loop3A_481 = arith.index_cast %parallel_loop3A_479 : i32 to index
      %parallel_loop3A_482 = tpu.vector_load %arg8[%parallel_loop3A_480, %parallel_loop3A_481] {strides = array<i32>} : memref<16x1024xf32, #tpu.memory_space<vmem>>, vector<1x16xf32>,
      %parallel_loop3A_483 = vector.shape_cast %parallel_loop3A_482 : vector<1x16xf32> to vector<16xf32>
      %parallel_loop3A_484 = arith.index_cast %parallel_loop3A_474 : i32 to index
      %parallel_loop3A_485 = arith.index_cast %parallel_loop3A_479 : i32 to index
      %parallel_loop3A_486 = tpu.vector_load %arg5[%parallel_loop3A_484, %parallel_loop3A_485] {strides = array<i32>} : memref<16x1024xf32, #tpu.memory_space<vmem>>, vector<1x16xf32>,
      %parallel_loop3A_487 = vector.shape_cast %parallel_loop3A_486 : vector<1x16xf32> to vector<16xf32>
      %parallel_loop3A_488 = arith.addf %parallel_loop3A_483, %parallel_loop3A_487 : vector<16xf32>
      %parallel_loop3A_489 = arith.index_cast %parallel_loop3A_474 : i32 to index
      %parallel_loop3A_490 = arith.index_cast %parallel_loop3A_479 : i32 to index
      %parallel_loop3A_491 = tpu.vector_load %arg8[%parallel_loop3A_489, %parallel_loop3A_490] {strides = array<i32>} : memref<16x1024xf32, #tpu.memory_space<vmem>>, vector<1x16xf32>,
      %parallel_loop3A_492 = vector.shape_cast %parallel_loop3A_491 : vector<1x16xf32> to vector<16xf32>
      %parallel_loop3A_493 = vector.shape_cast %parallel_loop3A_488 : vector<16xf32> to vector<1x16xf32>
      tpu.vector_store %arg8[%parallel_loop3A_489, %parallel_loop3A_490], %parallel_loop3A_493 {strides = array<i32>} : memref<16x1024xf32, #tpu.memory_space<vmem>>, vector<1x16xf32>,
    } {sc.loop_unroll_factor = 16 : i64, sc.parallel_access}
    %add3A_356 = arith.constant 6144 : i32
    %add3A_357 = arith.addi %add3A_356, %mul3A_2 : i32
    %add3A_358 = arith.constant 32 : i32
    %add3A_359 = arith.addi %add3A_357, %add3A_358 : i32
    %dma_start3A_360 = arith.constant 0 : i32
    %dma_start3A_361 = tpu.memref_slice %arg4[%add3A_359, %dma_start3A_360] : memref<8192x1024xf32, #tpu.memory_space<hbm>> -> memref<16x1024xf32, #tpu.memory_space<hbm>>
    %dma_start3A_362 = arith.constant 0 : i32
    %dma_start3A_363 = tpu.memref_slice %arg4[%add3A_359, %dma_start3A_362] : memref<8192x1024xf32, #tpu.memory_space<hbm>> -> memref<16x1024xf32, #tpu.memory_space<hbm>>
    tpu.enqueue_dma source(%arg8 : memref<16x1024xf32, #tpu.memory_space<vmem>>) target(%dma_start3A_363 : memref<16x1024xf32, #tpu.memory_space<hbm>>) target_semaphore(%arg20 : memref<!tpu.dma_semaphore, #tpu.memory_space<semaphore_mem>>)
    %dma_wait3A_364 = arith.constant 0 : i32
    %dma_wait3A_365 = tpu.memref_slice %arg4[%add3A_305, %dma_wait3A_364] : memref<8192x1024xf32, #tpu.memory_space<hbm>> -> memref<16x1024xf32, #tpu.memory_space<hbm>>
    %dma_wait3A_366 = arith.constant 0 : i32
    %dma_wait3A_367 = tpu.memref_slice %arg4[%add3A_305, %dma_wait3A_366] : memref<8192x1024xf32, #tpu.memory_space<hbm>> -> memref<16x1024xf32, #tpu.memory_space<hbm>>
    tpu.wait_dma2 semaphore(%arg23 : memref<!tpu.dma_semaphore, #tpu.memory_space<semaphore_mem>>) src(%arg11 : memref<16x1024xf32, #tpu.memory_space<vmem>>) dst(%dma_wait3A_367 : memref<16x1024xf32, #tpu.memory_space<hbm>>)
    %add3A_368 = arith.constant 4096 : i32
    %add3A_369 = arith.addi %add3A_368, %mul3A_2 : i32
    %add3A_370 = arith.constant 48 : i32
    %add3A_371 = arith.addi %add3A_369, %add3A_370 : i32
    %dma_start3A_372 = arith.constant 0 : i32
    %dma_start3A_373 = tpu.memref_slice %arg2[%add3A_371, %dma_start3A_372] : memref<8192x1024xf32, #tpu.memory_space<hbm>> -> memref<16x1024xf32, #tpu.memory_space<hbm>>
    %dma_start3A_374 = arith.constant 0 : i32
    %dma_start3A_375 = tpu.memref_slice %arg2[%add3A_371, %dma_start3A_374] : memref<8192x1024xf32, #tpu.memory_space<hbm>> -> memref<16x1024xf32, #tpu.memory_space<hbm>>
    tpu.enqueue_dma source(%dma_start3A_375 : memref<16x1024xf32, #tpu.memory_space<hbm>>) target(%arg11 : memref<16x1024xf32, #tpu.memory_space<vmem>>) target_semaphore(%arg18 : memref<!tpu.dma_semaphore, #tpu.memory_space<semaphore_mem>>)
    %dma_wait3A_376 = arith.constant 0 : i32
    %dma_wait3A_377 = tpu.memref_slice %arg3[%add3A_263, %dma_wait3A_376] : memref<2048x1024xf32, #tpu.memory_space<hbm>> -> memref<16x1024xf32, #tpu.memory_space<hbm>>
    %dma_wait3A_378 = arith.constant 0 : i32
    %dma_wait3A_379 = tpu.memref_slice %arg3[%add3A_263, %dma_wait3A_378] : memref<2048x1024xf32, #tpu.memory_space<hbm>> -> memref<16x1024xf32, #tpu.memory_space<hbm>>
    tpu.wait_dma2 semaphore(%arg13 : memref<!tpu.dma_semaphore, #tpu.memory_space<semaphore_mem>>) src(%dma_wait3A_379 : memref<16x1024xf32, #tpu.memory_space<hbm>>) dst(%arg6 : memref<16x1024xf32, #tpu.memory_space<vmem>>)
    %dma_wait3A_380 = arith.constant 0 : i32
    %dma_wait3A_381 = tpu.memref_slice %arg2[%add3A_317, %dma_wait3A_380] : memref<8192x1024xf32, #tpu.memory_space<hbm>> -> memref<16x1024xf32, #tpu.memory_space<hbm>>
    %dma_wait3A_382 = arith.constant 0 : i32
    %dma_wait3A_383 = tpu.memref_slice %arg2[%add3A_317, %dma_wait3A_382] : memref<8192x1024xf32, #tpu.memory_space<hbm>> -> memref<16x1024xf32, #tpu.memory_space<hbm>>
    tpu.wait_dma2 semaphore(%arg16 : memref<!tpu.dma_semaphore, #tpu.memory_space<semaphore_mem>>) src(%dma_wait3A_383 : memref<16x1024xf32, #tpu.memory_space<hbm>>) dst(%arg9 : memref<16x1024xf32, #tpu.memory_space<vmem>>)
    %parallel_loop3A_384 = arith.constant 0 : i32
    %parallel_loop3A_385 = arith.constant 1024 : i32
    %parallel_loop3A_386 = arith.constant 1 : i32
    scf.for %parallel_loop3A_472 = %parallel_loop3A_384 to %parallel_loop3A_385 step %parallel_loop3A_386  : i32 {
      %parallel_loop3A_473 = arith.constant 6 : i32
      %parallel_loop3A_474 = arith.shrsi %parallel_loop3A_472, %parallel_loop3A_473 : i32
      %parallel_loop3A_475 = arith.constant 63 : i32
      %parallel_loop3A_476 = arith.andi %parallel_loop3A_472, %parallel_loop3A_475 : i32
      %parallel_loop3A_477 = arith.constant 16 : i32
      %parallel_loop3A_478 = arith.muli %parallel_loop3A_476, %parallel_loop3A_477 : i32
      %parallel_loop3A_479 = tpu.assume_multiple %parallel_loop3A_478, 16 : i32
      %parallel_loop3A_480 = arith.index_cast %parallel_loop3A_474 : i32 to index
      %parallel_loop3A_481 = arith.index_cast %parallel_loop3A_479 : i32 to index
      %parallel_loop3A_482 = tpu.vector_load %arg9[%parallel_loop3A_480, %parallel_loop3A_481] {strides = array<i32>} : memref<16x1024xf32, #tpu.memory_space<vmem>>, vector<1x16xf32>,
      %parallel_loop3A_483 = vector.shape_cast %parallel_loop3A_482 : vector<1x16xf32> to vector<16xf32>
      %parallel_loop3A_484 = arith.index_cast %parallel_loop3A_474 : i32 to index
      %parallel_loop3A_485 = arith.index_cast %parallel_loop3A_479 : i32 to index
      %parallel_loop3A_486 = tpu.vector_load %arg6[%parallel_loop3A_484, %parallel_loop3A_485] {strides = array<i32>} : memref<16x1024xf32, #tpu.memory_space<vmem>>, vector<1x16xf32>,
      %parallel_loop3A_487 = vector.shape_cast %parallel_loop3A_486 : vector<1x16xf32> to vector<16xf32>
      %parallel_loop3A_488 = arith.addf %parallel_loop3A_483, %parallel_loop3A_487 : vector<16xf32>
      %parallel_loop3A_489 = arith.index_cast %parallel_loop3A_474 : i32 to index
      %parallel_loop3A_490 = arith.index_cast %parallel_loop3A_479 : i32 to index
      %parallel_loop3A_491 = tpu.vector_load %arg9[%parallel_loop3A_489, %parallel_loop3A_490] {strides = array<i32>} : memref<16x1024xf32, #tpu.memory_space<vmem>>, vector<1x16xf32>,
      %parallel_loop3A_492 = vector.shape_cast %parallel_loop3A_491 : vector<1x16xf32> to vector<16xf32>
      %parallel_loop3A_493 = vector.shape_cast %parallel_loop3A_488 : vector<16xf32> to vector<1x16xf32>
      tpu.vector_store %arg9[%parallel_loop3A_489, %parallel_loop3A_490], %parallel_loop3A_493 {strides = array<i32>} : memref<16x1024xf32, #tpu.memory_space<vmem>>, vector<1x16xf32>,
    } {sc.loop_unroll_factor = 16 : i64, sc.parallel_access}
    %add3A_387 = arith.constant 0 : i32
    %add3A_388 = arith.addi %add3A_387, %mul3A_2 : i32
    %add3A_389 = arith.constant 48 : i32
    %add3A_390 = arith.addi %add3A_388, %add3A_389 : i32
    %dma_start3A_391 = arith.constant 0 : i32
    %dma_start3A_392 = tpu.memref_slice %arg4[%add3A_390, %dma_start3A_391] : memref<8192x1024xf32, #tpu.memory_space<hbm>> -> memref<16x1024xf32, #tpu.memory_space<hbm>>
    %dma_start3A_393 = arith.constant 0 : i32
    %dma_start3A_394 = tpu.memref_slice %arg4[%add3A_390, %dma_start3A_393] : memref<8192x1024xf32, #tpu.memory_space<hbm>> -> memref<16x1024xf32, #tpu.memory_space<hbm>>
    tpu.enqueue_dma source(%arg9 : memref<16x1024xf32, #tpu.memory_space<vmem>>) target(%dma_start3A_394 : memref<16x1024xf32, #tpu.memory_space<hbm>>) target_semaphore(%arg21 : memref<!tpu.dma_semaphore, #tpu.memory_space<semaphore_mem>>)
    %dma_wait3A_395 = arith.constant 0 : i32
    %dma_wait3A_396 = tpu.memref_slice %arg4[%add3A_332, %dma_wait3A_395] : memref<8192x1024xf32, #tpu.memory_space<hbm>> -> memref<16x1024xf32, #tpu.memory_space<hbm>>
    %dma_wait3A_397 = arith.constant 0 : i32
    %dma_wait3A_398 = tpu.memref_slice %arg4[%add3A_332, %dma_wait3A_397] : memref<8192x1024xf32, #tpu.memory_space<hbm>> -> memref<16x1024xf32, #tpu.memory_space<hbm>>
    tpu.wait_dma2 semaphore(%arg19 : memref<!tpu.dma_semaphore, #tpu.memory_space<semaphore_mem>>) src(%arg7 : memref<16x1024xf32, #tpu.memory_space<vmem>>) dst(%dma_wait3A_398 : memref<16x1024xf32, #tpu.memory_space<hbm>>)
    %add3A_399 = arith.constant 6144 : i32
    %add3A_400 = arith.addi %add3A_399, %mul3A_2 : i32
    %add3A_401 = arith.constant 48 : i32
    %add3A_402 = arith.addi %add3A_400, %add3A_401 : i32
    %dma_start3A_403 = arith.constant 0 : i32
    %dma_start3A_404 = tpu.memref_slice %arg2[%add3A_402, %dma_start3A_403] : memref<8192x1024xf32, #tpu.memory_space<hbm>> -> memref<16x1024xf32, #tpu.memory_space<hbm>>
    %dma_start3A_405 = arith.constant 0 : i32
    %dma_start3A_406 = tpu.memref_slice %arg2[%add3A_402, %dma_start3A_405] : memref<8192x1024xf32, #tpu.memory_space<hbm>> -> memref<16x1024xf32, #tpu.memory_space<hbm>>
    tpu.enqueue_dma source(%dma_start3A_406 : memref<16x1024xf32, #tpu.memory_space<hbm>>) target(%arg7 : memref<16x1024xf32, #tpu.memory_space<vmem>>) target_semaphore(%arg14 : memref<!tpu.dma_semaphore, #tpu.memory_space<semaphore_mem>>)
    %dma_wait3A_407 = arith.constant 0 : i32
    %dma_wait3A_408 = tpu.memref_slice %arg2[%add3A_344, %dma_wait3A_407] : memref<8192x1024xf32, #tpu.memory_space<hbm>> -> memref<16x1024xf32, #tpu.memory_space<hbm>>
    %dma_wait3A_409 = arith.constant 0 : i32
    %dma_wait3A_410 = tpu.memref_slice %arg2[%add3A_344, %dma_wait3A_409] : memref<8192x1024xf32, #tpu.memory_space<hbm>> -> memref<16x1024xf32, #tpu.memory_space<hbm>>
    tpu.wait_dma2 semaphore(%arg17 : memref<!tpu.dma_semaphore, #tpu.memory_space<semaphore_mem>>) src(%dma_wait3A_410 : memref<16x1024xf32, #tpu.memory_space<hbm>>) dst(%arg10 : memref<16x1024xf32, #tpu.memory_space<vmem>>)
    %parallel_loop3A_411 = arith.constant 0 : i32
    %parallel_loop3A_412 = arith.constant 1024 : i32
    %parallel_loop3A_413 = arith.constant 1 : i32
    scf.for %parallel_loop3A_472 = %parallel_loop3A_411 to %parallel_loop3A_412 step %parallel_loop3A_413  : i32 {
      %parallel_loop3A_473 = arith.constant 6 : i32
      %parallel_loop3A_474 = arith.shrsi %parallel_loop3A_472, %parallel_loop3A_473 : i32
      %parallel_loop3A_475 = arith.constant 63 : i32
      %parallel_loop3A_476 = arith.andi %parallel_loop3A_472, %parallel_loop3A_475 : i32
      %parallel_loop3A_477 = arith.constant 16 : i32
      %parallel_loop3A_478 = arith.muli %parallel_loop3A_476, %parallel_loop3A_477 : i32
      %parallel_loop3A_479 = tpu.assume_multiple %parallel_loop3A_478, 16 : i32
      %parallel_loop3A_480 = arith.index_cast %parallel_loop3A_474 : i32 to index
      %parallel_loop3A_481 = arith.index_cast %parallel_loop3A_479 : i32 to index
      %parallel_loop3A_482 = tpu.vector_load %arg10[%parallel_loop3A_480, %parallel_loop3A_481] {strides = array<i32>} : memref<16x1024xf32, #tpu.memory_space<vmem>>, vector<1x16xf32>,
      %parallel_loop3A_483 = vector.shape_cast %parallel_loop3A_482 : vector<1x16xf32> to vector<16xf32>
      %parallel_loop3A_484 = arith.index_cast %parallel_loop3A_474 : i32 to index
      %parallel_loop3A_485 = arith.index_cast %parallel_loop3A_479 : i32 to index
      %parallel_loop3A_486 = tpu.vector_load %arg6[%parallel_loop3A_484, %parallel_loop3A_485] {strides = array<i32>} : memref<16x1024xf32, #tpu.memory_space<vmem>>, vector<1x16xf32>,
      %parallel_loop3A_487 = vector.shape_cast %parallel_loop3A_486 : vector<1x16xf32> to vector<16xf32>
      %parallel_loop3A_488 = arith.addf %parallel_loop3A_483, %parallel_loop3A_487 : vector<16xf32>
      %parallel_loop3A_489 = arith.index_cast %parallel_loop3A_474 : i32 to index
      %parallel_loop3A_490 = arith.index_cast %parallel_loop3A_479 : i32 to index
      %parallel_loop3A_491 = tpu.vector_load %arg10[%parallel_loop3A_489, %parallel_loop3A_490] {strides = array<i32>} : memref<16x1024xf32, #tpu.memory_space<vmem>>, vector<1x16xf32>,
      %parallel_loop3A_492 = vector.shape_cast %parallel_loop3A_491 : vector<1x16xf32> to vector<16xf32>
      %parallel_loop3A_493 = vector.shape_cast %parallel_loop3A_488 : vector<16xf32> to vector<1x16xf32>
      tpu.vector_store %arg10[%parallel_loop3A_489, %parallel_loop3A_490], %parallel_loop3A_493 {strides = array<i32>} : memref<16x1024xf32, #tpu.memory_space<vmem>>, vector<1x16xf32>,
    } {sc.loop_unroll_factor = 16 : i64, sc.parallel_access}
    %add3A_414 = arith.constant 2048 : i32
    %add3A_415 = arith.addi %add3A_414, %mul3A_2 : i32
    %add3A_416 = arith.constant 48 : i32
    %add3A_417 = arith.addi %add3A_415, %add3A_416 : i32
    %dma_start3A_418 = arith.constant 0 : i32
    %dma_start3A_419 = tpu.memref_slice %arg4[%add3A_417, %dma_start3A_418] : memref<8192x1024xf32, #tpu.memory_space<hbm>> -> memref<16x1024xf32, #tpu.memory_space<hbm>>
    %dma_start3A_420 = arith.constant 0 : i32
    %dma_start3A_421 = tpu.memref_slice %arg4[%add3A_417, %dma_start3A_420] : memref<8192x1024xf32, #tpu.memory_space<hbm>> -> memref<16x1024xf32, #tpu.memory_space<hbm>>
    tpu.enqueue_dma source(%arg10 : memref<16x1024xf32, #tpu.memory_space<vmem>>) target(%dma_start3A_421 : memref<16x1024xf32, #tpu.memory_space<hbm>>) target_semaphore(%arg22 : memref<!tpu.dma_semaphore, #tpu.memory_space<semaphore_mem>>)
    %dma_wait3A_422 = arith.constant 0 : i32
    %dma_wait3A_423 = tpu.memref_slice %arg2[%add3A_371, %dma_wait3A_422] : memref<8192x1024xf32, #tpu.memory_space<hbm>> -> memref<16x1024xf32, #tpu.memory_space<hbm>>
    %dma_wait3A_424 = arith.constant 0 : i32
    %dma_wait3A_425 = tpu.memref_slice %arg2[%add3A_371, %dma_wait3A_424] : memref<8192x1024xf32, #tpu.memory_space<hbm>> -> memref<16x1024xf32, #tpu.memory_space<hbm>>
    tpu.wait_dma2 semaphore(%arg18 : memref<!tpu.dma_semaphore, #tpu.memory_space<semaphore_mem>>) src(%dma_wait3A_425 : memref<16x1024xf32, #tpu.memory_space<hbm>>) dst(%arg11 : memref<16x1024xf32, #tpu.memory_space<vmem>>)
    %parallel_loop3A_426 = arith.constant 0 : i32
    %parallel_loop3A_427 = arith.constant 1024 : i32
    %parallel_loop3A_428 = arith.constant 1 : i32
    scf.for %parallel_loop3A_472 = %parallel_loop3A_426 to %parallel_loop3A_427 step %parallel_loop3A_428  : i32 {
      %parallel_loop3A_473 = arith.constant 6 : i32
      %parallel_loop3A_474 = arith.shrsi %parallel_loop3A_472, %parallel_loop3A_473 : i32
      %parallel_loop3A_475 = arith.constant 63 : i32
      %parallel_loop3A_476 = arith.andi %parallel_loop3A_472, %parallel_loop3A_475 : i32
      %parallel_loop3A_477 = arith.constant 16 : i32
      %parallel_loop3A_478 = arith.muli %parallel_loop3A_476, %parallel_loop3A_477 : i32
      %parallel_loop3A_479 = tpu.assume_multiple %parallel_loop3A_478, 16 : i32
      %parallel_loop3A_480 = arith.index_cast %parallel_loop3A_474 : i32 to index
      %parallel_loop3A_481 = arith.index_cast %parallel_loop3A_479 : i32 to index
      %parallel_loop3A_482 = tpu.vector_load %arg11[%parallel_loop3A_480, %parallel_loop3A_481] {strides = array<i32>} : memref<16x1024xf32, #tpu.memory_space<vmem>>, vector<1x16xf32>,
      %parallel_loop3A_483 = vector.shape_cast %parallel_loop3A_482 : vector<1x16xf32> to vector<16xf32>
      %parallel_loop3A_484 = arith.index_cast %parallel_loop3A_474 : i32 to index
      %parallel_loop3A_485 = arith.index_cast %parallel_loop3A_479 : i32 to index
      %parallel_loop3A_486 = tpu.vector_load %arg6[%parallel_loop3A_484, %parallel_loop3A_485] {strides = array<i32>} : memref<16x1024xf32, #tpu.memory_space<vmem>>, vector<1x16xf32>,
      %parallel_loop3A_487 = vector.shape_cast %parallel_loop3A_486 : vector<1x16xf32> to vector<16xf32>
      %parallel_loop3A_488 = arith.addf %parallel_loop3A_483, %parallel_loop3A_487 : vector<16xf32>
      %parallel_loop3A_489 = arith.index_cast %parallel_loop3A_474 : i32 to index
      %parallel_loop3A_490 = arith.index_cast %parallel_loop3A_479 : i32 to index
      %parallel_loop3A_491 = tpu.vector_load %arg11[%parallel_loop3A_489, %parallel_loop3A_490] {strides = array<i32>} : memref<16x1024xf32, #tpu.memory_space<vmem>>, vector<1x16xf32>,
      %parallel_loop3A_492 = vector.shape_cast %parallel_loop3A_491 : vector<1x16xf32> to vector<16xf32>
      %parallel_loop3A_493 = vector.shape_cast %parallel_loop3A_488 : vector<16xf32> to vector<1x16xf32>
      tpu.vector_store %arg11[%parallel_loop3A_489, %parallel_loop3A_490], %parallel_loop3A_493 {strides = array<i32>} : memref<16x1024xf32, #tpu.memory_space<vmem>>, vector<1x16xf32>,
    } {sc.loop_unroll_factor = 16 : i64, sc.parallel_access}
    %add3A_429 = arith.constant 4096 : i32
    %add3A_430 = arith.addi %add3A_429, %mul3A_2 : i32
    %add3A_431 = arith.constant 48 : i32
    %add3A_432 = arith.addi %add3A_430, %add3A_431 : i32
    %dma_start3A_433 = arith.constant 0 : i32
    %dma_start3A_434 = tpu.memref_slice %arg4[%add3A_432, %dma_start3A_433] : memref<8192x1024xf32, #tpu.memory_space<hbm>> -> memref<16x1024xf32, #tpu.memory_space<hbm>>
    %dma_start3A_435 = arith.constant 0 : i32
    %dma_start3A_436 = tpu.memref_slice %arg4[%add3A_432, %dma_start3A_435] : memref<8192x1024xf32, #tpu.memory_space<hbm>> -> memref<16x1024xf32, #tpu.memory_space<hbm>>
    tpu.enqueue_dma source(%arg11 : memref<16x1024xf32, #tpu.memory_space<vmem>>) target(%dma_start3A_436 : memref<16x1024xf32, #tpu.memory_space<hbm>>) target_semaphore(%arg23 : memref<!tpu.dma_semaphore, #tpu.memory_space<semaphore_mem>>)
    %dma_wait3A_437 = arith.constant 0 : i32
    %dma_wait3A_438 = tpu.memref_slice %arg2[%add3A_402, %dma_wait3A_437] : memref<8192x1024xf32, #tpu.memory_space<hbm>> -> memref<16x1024xf32, #tpu.memory_space<hbm>>
    %dma_wait3A_439 = arith.constant 0 : i32
    %dma_wait3A_440 = tpu.memref_slice %arg2[%add3A_402, %dma_wait3A_439] : memref<8192x1024xf32, #tpu.memory_space<hbm>> -> memref<16x1024xf32, #tpu.memory_space<hbm>>
    tpu.wait_dma2 semaphore(%arg14 : memref<!tpu.dma_semaphore, #tpu.memory_space<semaphore_mem>>) src(%dma_wait3A_440 : memref<16x1024xf32, #tpu.memory_space<hbm>>) dst(%arg7 : memref<16x1024xf32, #tpu.memory_space<vmem>>)
    %parallel_loop3A_441 = arith.constant 0 : i32
    %parallel_loop3A_442 = arith.constant 1024 : i32
    %parallel_loop3A_443 = arith.constant 1 : i32
    scf.for %parallel_loop3A_472 = %parallel_loop3A_441 to %parallel_loop3A_442 step %parallel_loop3A_443  : i32 {
      %parallel_loop3A_473 = arith.constant 6 : i32
      %parallel_loop3A_474 = arith.shrsi %parallel_loop3A_472, %parallel_loop3A_473 : i32
      %parallel_loop3A_475 = arith.constant 63 : i32
      %parallel_loop3A_476 = arith.andi %parallel_loop3A_472, %parallel_loop3A_475 : i32
      %parallel_loop3A_477 = arith.constant 16 : i32
      %parallel_loop3A_478 = arith.muli %parallel_loop3A_476, %parallel_loop3A_477 : i32
      %parallel_loop3A_479 = tpu.assume_multiple %parallel_loop3A_478, 16 : i32
      %parallel_loop3A_480 = arith.index_cast %parallel_loop3A_474 : i32 to index
      %parallel_loop3A_481 = arith.index_cast %parallel_loop3A_479 : i32 to index
      %parallel_loop3A_482 = tpu.vector_load %arg7[%parallel_loop3A_480, %parallel_loop3A_481] {strides = array<i32>} : memref<16x1024xf32, #tpu.memory_space<vmem>>, vector<1x16xf32>,
      %parallel_loop3A_483 = vector.shape_cast %parallel_loop3A_482 : vector<1x16xf32> to vector<16xf32>
      %parallel_loop3A_484 = arith.index_cast %parallel_loop3A_474 : i32 to index
      %parallel_loop3A_485 = arith.index_cast %parallel_loop3A_479 : i32 to index
      %parallel_loop3A_486 = tpu.vector_load %arg6[%parallel_loop3A_484, %parallel_loop3A_485] {strides = array<i32>} : memref<16x1024xf32, #tpu.memory_space<vmem>>, vector<1x16xf32>,
      %parallel_loop3A_487 = vector.shape_cast %parallel_loop3A_486 : vector<1x16xf32> to vector<16xf32>
      %parallel_loop3A_488 = arith.addf %parallel_loop3A_483, %parallel_loop3A_487 : vector<16xf32>
      %parallel_loop3A_489 = arith.index_cast %parallel_loop3A_474 : i32 to index
      %parallel_loop3A_490 = arith.index_cast %parallel_loop3A_479 : i32 to index
      %parallel_loop3A_491 = tpu.vector_load %arg7[%parallel_loop3A_489, %parallel_loop3A_490] {strides = array<i32>} : memref<16x1024xf32, #tpu.memory_space<vmem>>, vector<1x16xf32>,
      %parallel_loop3A_492 = vector.shape_cast %parallel_loop3A_491 : vector<1x16xf32> to vector<16xf32>
      %parallel_loop3A_493 = vector.shape_cast %parallel_loop3A_488 : vector<16xf32> to vector<1x16xf32>
      tpu.vector_store %arg7[%parallel_loop3A_489, %parallel_loop3A_490], %parallel_loop3A_493 {strides = array<i32>} : memref<16x1024xf32, #tpu.memory_space<vmem>>, vector<1x16xf32>,
    } {sc.loop_unroll_factor = 16 : i64, sc.parallel_access}
    %add3A_444 = arith.constant 6144 : i32
    %add3A_445 = arith.addi %add3A_444, %mul3A_2 : i32
    %add3A_446 = arith.constant 48 : i32
    %add3A_447 = arith.addi %add3A_445, %add3A_446 : i32
    %dma_start3A_448 = arith.constant 0 : i32
    %dma_start3A_449 = tpu.memref_slice %arg4[%add3A_447, %dma_start3A_448] : memref<8192x1024xf32, #tpu.memory_space<hbm>> -> memref<16x1024xf32, #tpu.memory_space<hbm>>
    %dma_start3A_450 = arith.constant 0 : i32
    %dma_start3A_451 = tpu.memref_slice %arg4[%add3A_447, %dma_start3A_450] : memref<8192x1024xf32, #tpu.memory_space<hbm>> -> memref<16x1024xf32, #tpu.memory_space<hbm>>
    tpu.enqueue_dma source(%arg7 : memref<16x1024xf32, #tpu.memory_space<vmem>>) target(%dma_start3A_451 : memref<16x1024xf32, #tpu.memory_space<hbm>>) target_semaphore(%arg19 : memref<!tpu.dma_semaphore, #tpu.memory_space<semaphore_mem>>)
    %dma_wait3A_452 = arith.constant 0 : i32
    %dma_wait3A_453 = tpu.memref_slice %arg4[%add3A_359, %dma_wait3A_452] : memref<8192x1024xf32, #tpu.memory_space<hbm>> -> memref<16x1024xf32, #tpu.memory_space<hbm>>
    %dma_wait3A_454 = arith.constant 0 : i32
    %dma_wait3A_455 = tpu.memref_slice %arg4[%add3A_359, %dma_wait3A_454] : memref<8192x1024xf32, #tpu.memory_space<hbm>> -> memref<16x1024xf32, #tpu.memory_space<hbm>>
    tpu.wait_dma2 semaphore(%arg20 : memref<!tpu.dma_semaphore, #tpu.memory_space<semaphore_mem>>) src(%arg8 : memref<16x1024xf32, #tpu.memory_space<vmem>>) dst(%dma_wait3A_455 : memref<16x1024xf32, #tpu.memory_space<hbm>>)
    %dma_wait3A_456 = arith.constant 0 : i32
    %dma_wait3A_457 = tpu.memref_slice %arg4[%add3A_390, %dma_wait3A_456] : memref<8192x1024xf32, #tpu.memory_space<hbm>> -> memref<16x1024xf32, #tpu.memory_space<hbm>>
    %dma_wait3A_458 = arith.constant 0 : i32
    %dma_wait3A_459 = tpu.memref_slice %arg4[%add3A_390, %dma_wait3A_458] : memref<8192x1024xf32, #tpu.memory_space<hbm>> -> memref<16x1024xf32, #tpu.memory_space<hbm>>
    tpu.wait_dma2 semaphore(%arg21 : memref<!tpu.dma_semaphore, #tpu.memory_space<semaphore_mem>>) src(%arg9 : memref<16x1024xf32, #tpu.memory_space<vmem>>) dst(%dma_wait3A_459 : memref<16x1024xf32, #tpu.memory_space<hbm>>)
    %dma_wait3A_460 = arith.constant 0 : i32
    %dma_wait3A_461 = tpu.memref_slice %arg4[%add3A_417, %dma_wait3A_460] : memref<8192x1024xf32, #tpu.memory_space<hbm>> -> memref<16x1024xf32, #tpu.memory_space<hbm>>
    %dma_wait3A_462 = arith.constant 0 : i32
    %dma_wait3A_463 = tpu.memref_slice %arg4[%add3A_417, %dma_wait3A_462] : memref<8192x1024xf32, #tpu.memory_space<hbm>> -> memref<16x1024xf32, #tpu.memory_space<hbm>>
    tpu.wait_dma2 semaphore(%arg22 : memref<!tpu.dma_semaphore, #tpu.memory_space<semaphore_mem>>) src(%arg10 : memref<16x1024xf32, #tpu.memory_space<vmem>>) dst(%dma_wait3A_463 : memref<16x1024xf32, #tpu.memory_space<hbm>>)
    %dma_wait3A_464 = arith.constant 0 : i32
    %dma_wait3A_465 = tpu.memref_slice %arg4[%add3A_432, %dma_wait3A_464] : memref<8192x1024xf32, #tpu.memory_space<hbm>> -> memref<16x1024xf32, #tpu.memory_space<hbm>>
    %dma_wait3A_466 = arith.constant 0 : i32
    %dma_wait3A_467 = tpu.memref_slice %arg4[%add3A_432, %dma_wait3A_466] : memref<8192x1024xf32, #tpu.memory_space<hbm>> -> memref<16x1024xf32, #tpu.memory_space<hbm>>
    tpu.wait_dma2 semaphore(%arg23 : memref<!tpu.dma_semaphore, #tpu.memory_space<semaphore_mem>>) src(%arg11 : memref<16x1024xf32, #tpu.memory_space<vmem>>) dst(%dma_wait3A_467 : memref<16x1024xf32, #tpu.memory_space<hbm>>)
    %dma_wait3A_468 = arith.constant 0 : i32
    %dma_wait3A_469 = tpu.memref_slice %arg4[%add3A_447, %dma_wait3A_468] : memref<8192x1024xf32, #tpu.memory_space<hbm>> -> memref<16x1024xf32, #tpu.memory_space<hbm>>
    %dma_wait3A_470 = arith.constant 0 : i32
    %dma_wait3A_471 = tpu.memref_slice %arg4[%add3A_447, %dma_wait3A_470] : memref<8192x1024xf32, #tpu.memory_space<hbm>> -> memref<16x1024xf32, #tpu.memory_space<hbm>>
    tpu.wait_dma2 semaphore(%arg19 : memref<!tpu.dma_semaphore, #tpu.memory_space<semaphore_mem>>) src(%arg7 : memref<16x1024xf32, #tpu.memory_space<vmem>>) dst(%dma_wait3A_471 : memref<16x1024xf32, #tpu.memory_space<hbm>>)
    return
  }
}

</mosaic_0001>

<sc_bundles>
// kernel: _pos_add.3.cloned.1.call-start
scs
__scs_entry_jumppad:
0x0: {  	(pc) =	sbr.rel $0x88, $3  }
0x1: {  	(tag) =	ssettag $0x0;
	lr =	simm.s32 $0x1  }
0x2: {  	[smem:$0x3F9F] =	sst lr;
	_ =	strace $0xD0000000  }
0x3: {  	_ = 	snop  }
0x4: {  	_ = 	snop  }
0x5: {  	_ = 	snop  }
0x6: {  	_ = 	snop  }
0x7: {  	_ = 	snop  }
__scs_overlays_trampoline_lowered:
0x8: {  	[smem:$0x3FAE] =	sst s0  }
0x9: {  	[smem:$0x3FAF] =	sst s1  }
0xa: {  	[smem:$0x3FB0] =	sst s2  }
0xb: {  	[smem:$0x3FB1] =	sst s3  }
0xc: {  	[smem:$0x3FB2] =	sst s4  }
0xd: {  	[smem:$0x3FB3] =	sst s5  }
0xe: {  	[smem:$0x3FB4] =	sst s6  }
0xf: {  	[smem:$0x3FB5] =	sst s7  }
0x10: {  	[smem:$0x3FB6] =	sst s8  }
0x11: {  	[smem:$0x3FB7] =	sst s9;
	s0 =	simm.s32 @!p0 $0x0  }
0x12: {  	s1 =	sld [smem:$0x3F9D];
	s0 =	simm.s32 @p0 $0x1  }
0x13: {  	[smem:$0x3FB8] =	sst s0;
	s0 =	simm.s32 @!p1 $0x0  }
0x14: {  	s2 =	sld [smem:$0x3F9C];
	s0 =	simm.s32 @p1 $0x1  }
0x15: {  	[smem:$0x3FB9] =	sst s0;
	s0 =	simm.s32 @!p2 $0x0  }
0x16: {  	s3 =	sld [smem:$0x3FDB];
	s0 =	simm.s32 @p2 $0x1  }
0x17: {  	s4 =	simm.s32 $0x1BF5;
	[smem:$0x3FBB] =	sst s0  }
0x18: {  	s0 =	sld [smem:$0x3F9E];
	_ =	swait.ge [sflag:s4], $0x0  }
0x19: {  	s7 =	sld [smem:$0x3F9F]  }
0x1a: {  	s8 =	sadd.s32 $0xFFFFE003, lr  }
0x1b: {  	s9 =	sadd.s32 $0xFFFFFEF7, lr;
	s5 =	simm.s32 $0xFFFFFFFF;
	p2 =	slt.u32 s8, $0xFFFFF086  }
0x1c: {  	p1 =	slt.u32 s9, $0xF7A;
	s5 =	simm.s32 @!p2 $0x0  }
0x1d: {  	s5 =	simm.s32 @p1 $0x1;
	p0 =	seq.s32 s7, s2  }
0x1e: {  	s7 =	smul.u32 @!p0 $0xF7A, s2;
	p2 =	seq.s32 @!p0 s5, $0x0  }
0x1f: {  	s9 =	smul.u32 $0xF7A, s1;
	s8 =	simm.s32 @!p0 $0x1BF5;
	p2 =	por !p2, p0  }
0x20: {  	[sflag:s8] =	ssyncset.s32 @!p0 $0xFFFFF086;
	s6 =	sadd.s32 @!p0 s3, s7;
	s7 =	simm.s32 @!p0 $0x108  }
0x21: {  	s3 =	sadd.s32 s3, s9;
	s6 =	sadd.s32 @!p0 $0x88, s6;
	s7 =	simm.s32 @p2 $0x1082  }
0x22: {  	[simem:s7], [sflag:s8] =	dma.local @!p0 [hbm:s6], $0xF7A  }
0x23: {  	s9 =	sor.u32 $0xD0000000, s2;
	s6 =	simm.s32 $0x108;
	_ =	swait.ge @!p0 [sflag:s8], $0x0  }
0x24: {  	s3 =	sadd.s32 $0x88, s3;
	s6 =	simm.s32 @!p1 $0x1082;
	[sflag:s4] =	ssyncset.s32 $0xFFFFF086  }
0x25: {  	[simem:s6], [sflag:s4] =	dma.local [hbm:s3], $0xF7A  }
0x26: {  	[smem:$0x3F9F] =	sst s1;
	(tag) =	ssettag s2;
	_ =	strace s9  }
0x27: {  	s1 =	sld [smem:$0x3FAF]  }
0x28: {  	s2 =	sld [smem:$0x3FB0]  }
0x29: {  	s4 =	sld [smem:$0x3FB2]  }
0x2a: {  	p0 =	seq.s32 s5, $0x0;
	s5 =	sld [smem:$0x3FB3]  }
0x2b: {  	s6 =	sld [smem:$0x3FB4]  }
0x2c: {  	s7 =	sld [smem:$0x3FB5]  }
0x2d: {  	s3 =	simm.s32 $0x108;
	s8 =	sld [smem:$0x3FB6]  }
0x2e: {  	s3 =	simm.s32 @!p0 $0x1082;
	s9 =	sld [smem:$0x3FB7]  }
0x2f: {  	lr =	sadd.s32 s0, s3;
	s0 =	sld [smem:$0x3FAE]  }
0x30: {  	s3 =	sld [smem:$0x3FB1]  }
0x31: {  	[smem:$0x3FBA] =	sst s10  }
0x32: {  	s10 =	sld [smem:$0x3FB8];
	_ =	sdelay $0x3  }
0x33: {  	p0 =	seq.s32 s10, $0x1;
	s10 =	sld [smem:$0x3FBA];
	_ =	sdelay $0x3  }
0x34: {  	[smem:$0x3FBA] =	sst s10  }
0x35: {  	s10 =	sld [smem:$0x3FB9];
	_ =	sdelay $0x3  }
0x36: {  	p1 =	seq.s32 s10, $0x1;
	s10 =	sld [smem:$0x3FBA];
	_ =	sdelay $0x3  }
0x37: {  	[smem:$0x3FBA] =	sst s10  }
0x38: {  	s10 =	sld [smem:$0x3FBB]  }
0x39: {  	_ = 	snop;
	(pc) =	sbr.ind lr, $3  }
0x3a: {  	_ = 	snop  }
0x3b: {  	_ = 	snop  }
0x3c: {  	p2 =	seq.s32 s10, $0x1;
	s10 =	sld [smem:$0x3FBA]  }
0x3d: {  	_ =	shalt  }
0x3e: {  	_ =	shalt  }
0x3f: {  	_ =	shalt  }
0x40: {  	_ =	shalt  }
0x41: {  	_ =	shalt  }
0x42: {  	_ =	shalt  }
0x43: {  	_ =	shalt  }
0x44: {  	_ =	shalt  }
0x45: {  	_ =	shalt  }
0x46: {  	_ =	shalt  }
0x47: {  	_ =	shalt  }
0x48: {  	_ =	shalt  }
0x49: {  	_ =	shalt  }
0x4a: {  	_ =	shalt  }
0x4b: {  	_ =	shalt  }
0x4c: {  	_ =	shalt  }
0x4d: {  	_ =	shalt  }
0x4e: {  	_ =	shalt  }
0x4f: {  	_ =	shalt  }
0x50: {  	_ =	shalt  }
0x51: {  	_ =	shalt  }
0x52: {  	_ =	shalt  }
0x53: {  	_ =	shalt  }
0x54: {  	_ =	shalt  }
0x55: {  	_ =	shalt  }
0x56: {  	_ =	shalt  }
0x57: {  	_ =	shalt  }
0x58: {  	_ =	shalt  }
0x59: {  	_ =	shalt  }
0x5a: {  	_ =	shalt  }
0x5b: {  	_ =	shalt  }
0x5c: {  	_ =	shalt  }
0x5d: {  	_ =	shalt  }
0x5e: {  	_ =	shalt  }
0x5f: {  	_ =	shalt  }
0x60: {  	_ =	shalt  }
0x61: {  	_ =	shalt  }
0x62: {  	_ =	shalt  }
0x63: {  	_ =	shalt  }
0x64: {  	_ =	shalt  }
0x65: {  	_ =	shalt  }
0x66: {  	_ =	shalt  }
0x67: {  	_ =	shalt  }
0x68: {  	_ =	shalt  }
0x69: {  	_ =	shalt  }
0x6a: {  	_ =	shalt  }
0x6b: {  	_ =	shalt  }
0x6c: {  	_ =	shalt  }
0x6d: {  	_ =	shalt  }
0x6e: {  	_ =	shalt  }
0x6f: {  	_ =	shalt  }
0x70: {  	_ =	shalt  }
0x71: {  	_ =	shalt  }
0x72: {  	_ =	shalt  }
0x73: {  	_ =	shalt  }
0x74: {  	_ =	shalt  }
0x75: {  	_ =	shalt  }
0x76: {  	_ =	shalt  }
0x77: {  	_ =	shalt  }
0x78: {  	_ =	shalt  }
0x79: {  	_ =	shalt  }
0x7a: {  	_ =	shalt  }
0x7b: {  	_ =	shalt  }
0x7c: {  	_ =	shalt  }
0x7d: {  	_ =	shalt  }
0x7e: {  	_ =	shalt  }
0x7f: {  	_ =	shalt  }
0x80: {  	_ =	shalt  }
0x81: {  	_ =	shalt  }
0x82: {  	_ =	shalt  }
0x83: {  	_ =	shalt  }
0x84: {  	_ =	shalt  }
0x85: {  	_ =	shalt  }
0x86: {  	_ =	shalt  }
0x87: {  	_ =	shalt  }
.Lfunc_end0:
.L_simem_size_0:
called_computation_lowered:
.L_overlay_start_0:
0x88: {  	s2 =	sld [smem:$0x3FD9]  }
0x89: {  	s3 =	sld [smem:$0x3FFE];
	_ =	sdelay $0x1  }
0x8a: {  	s1 =	srdreg.scid  }
0x8b: {  	s0 =	sand.u32 $0x1, s1  }
0x8c: {  	s18 =	sshll.u32 s0, $0xA;
	s2 =	sadd.s32 s3, s2  }
0x8d: {  	s2 =	sadd.s32 s2, s18  }
0x8e: {  	[smem:$0x3FC6] =	sst s2  }
0x8f: {  	_ = 	snop  }
0x90: {  	s2 =	sld [smem:$0x3FC9]  }
0x91: {  	s19 =	sld [smem:$0x3FC8]  }
0x92: {  	s4 =	sld [smem:$0x3FD0];
	(tm) =	ssettm $0x1  }
0x93: {  	s5 =	sld [smem:$0x3FFB];
	_ =	sdelay $0x3  }
0x94: {  	_ =	strace s5  }
0x95: {  	s5 =	sld [smem:$0x3FFC];
	_ =	sdelay $0x3  }
0x96: {  	_ =	strace s5  }
0x97: {  	s5 =	sld [smem:$0x3FFD];
	_ =	sdelay $0x3  }
0x98: {  	_ =	strace s5  }
0x99: {  	_ =	strace $0x8FFFFFFF  }
0x9a: {  	s20 =	sld [smem:$0x3FDB];
	_ =	sdelay $0x1  }
0x9b: {  	s6 =	simm.s32 $_scs_section_size  }
0x9c: {  	s7 =	simm.s32 $_size__tile_overlayer_lowered;
	s8 =	simm.s32 $_tile_overlayer_lowered  }
0x9d: {  	s23 =	simm.s32 $0x1BFF;
	s22 =	sshll.u32 s8, $0x1;
	s5 =	sadd.s32 s6, s20  }
0x9e: {  	s9 =	simm.s32 $0x0;
	s21 =	sshll.u32 s7, $0x1;
	s7 =	sadd.s32 s22, s5  }
0x9f: {  	[timem:s9], [sflag:s23] =	dma.local [hbm:s7], s21  }
0xa0: {  	_ =	swait.ge [sflag:s23], s21  }
0xa1: {  	s6 =	ssub.s32 $0x0, s21;
	[sflag:s23] =	ssyncset.done $0x0  }
0xa2: {  	[sflag:s23] =	ssyncadd.s32 s6;
	_ =	sdelay $0x1  }
0xa3: {  	s24 =	simm.s32 $0x1B8B  }
0xa4: {  	_ =	swait.ge [sflag:s24], $0x1  }
0xa5: {  	[sflag:s24] =	ssyncset.done $0x0  }
0xa6: {  	s25 =	simm.s32 $0x1B8E;
	[sflag:s24] =	ssyncadd.s32 $0xFFFFFFFF  }
0xa7: {  	s26 =	simm.s32 $execute0_lowered;
	[smem:$0x3FD2] =	sst s25  }
0xa8: {  	s6 =	sshll.u32 s26, $0x1;
	_ =	strace $0x80000046;
	[dreg:$0x1] =	wrdreg $0xFFFFFFFF  }
0xa9: {  	s28 =	simm.s32 $_size_execute0_lowered;
	s5 =	sadd.s32 s5, s6;
	[dreg:$0x0] =	wrdreg $0x0  }
0xaa: {  	s6 =	sshll.u32 s28, $0x1;
	[dreg:$0x2] =	wrdreg s5  }
0xab: {  	[dreg:$0x3] =	wrdreg s6  }
0xac: {  	[dreg:$0x4] =	wrdreg $0xC0  }
0xad: {  	_ =	task [dreg:s9], $0x5FFFF  }
0xae: {  	[dreg:$0x1] =	wrdreg $0xFFFFFFFF  }
0xaf: {  	[dreg:$0x0] =	wrdreg $0x60  }
0xb0: {  	[dreg:$0x2] =	wrdreg s2  }
0xb1: {  	[dreg:$0x3] =	wrdreg s19  }
0xb2: {  	[dreg:$0x4] =	wrdreg s4  }
0xb3: {  	[dreg:$0x5] =	wrdreg $0x9  }
0xb4: {  	_ =	task.clear_ibuf [dreg:s9], $0x6FFFF;
	_ =	strace $0x90000046  }
0xb5: {  	s29 =	simm.s32 $0x9;
	_ =	strace $0x80000048  }
0xb6: {  	_ =	swait.ge [sflag:s29], $0x1  }
0xb7: {  	[sflag:s29] =	ssyncadd.s32 $0xFFFFFFFF  }
0xb8: {  	_ =	strace $0x90000048  }
0xb9: {  	_ =	sfence  }
0xba: {  	s30 =	sld [smem:$0x0];
	_ =	sdelay $0x2  }
0xbb: {  	s31 =	sshll.u32 s1, $0xD;
	s1 =	sshrl.u32 s1, $0x2  }
0xbc: {  	s3 =	sand.u32 $0x4000, s31;
	s1 =	sadd.s32 s1, s30  }
0xbd: {  	s0 =	sor.u32 s3, s0;
	s1 =	sshll.u32 s1, $0x11  }
0xbe: {  	s0 =	sor.u32 s1, s0  }
0xbf: {  	s0 =	sadd.s32 $0x8F2B, s0  }
0xc0: {  	[sflag:s0] =	ssyncadd.remote.s32 $0x1  }
0xc1: {  	_ =	sfence.sel $0xFFFF  }
0xc2: {  	[dreg:$0x0] =	wrdreg $0xFFFFFFFF;
	(pc) =	sbr.abs _section_cstart, $3  }
0xc3: {  	[dreg:$0x1] =	wrdreg $0xFFFFFFFF  }
0xc4: {  	_ =	task.clear_ibuf [dreg:s9], $0x2FFFF;
	_ =	strace $0x9FFFFFFF  }
0xc5: {  	(tm) =	ssettm $0x7FFFFFFF  }
tec
execute0_lowered:
.L_overlay_start_1:
0x0: {  	(tag) =	ssettag $0x1  }
0x1: {  	s4 =	rddreg [dreg:$0x0];
	s1 =	srdreg.scid  }
0x2: {  	s0 =	rddreg [dreg:$0x1];
	s3 =	stileid.u32;
	s1 =	sand.u32 $0x1, s1  }
0x3: {  	s7 =	rddreg [dreg:$0x2];
	s3 =	sshll.u32 s3, $0xE;
	s5 =	sshll.u32 s1, $0xD  }
0x4: {  	s2 =	ssub.s32 $0x2, s1;
	s1 =	simm.s32 $0x0;
	s3 =	sor.u32 s5, s3  }
0x5: {  	[smem:$0x7FF] =	sst s1;
	s15 =	sor.u32 $0x40000, s3;
	s5 =	sadd.s32 s0, s3  }
0x6: {  	s17 =	sor.u32 $0x80000, s3;
	[dreg:$0x4] =	wrdreg s5;
	s16 =	sadd.s32 s4, s15  }
0x7: {  	s19 =	sor.u32 $0x800, s3;
	s18 =	sadd.s32 s4, s17;
	[dreg:$0x5] =	wrdreg s16  }
0x8: {  	s9 =	sor.u32 $0xC0000, s3;
	s10 =	sadd.s32 s0, s19;
	[dreg:$0x6] =	wrdreg s18  }
0x9: {  	s6 =	sshrl.u32 s2, $0x1;
	s20 =	sadd.s32 s4, s9;
	[dreg:$0x7] =	wrdreg s10  }
0xa: {  	s8 =	ssub.s32 s2, s6;
	s2 =	sadd.s32 s7, s15;
	[dreg:$0x8] =	wrdreg s20  }
0xb: {  	s23 =	sor.u32 $0x40800, s3;
	s21 =	sadd.s32 s4, s19;
	[dreg:$0x9] =	wrdreg s2  }
0xc: {  	s26 =	sor.u32 $0x80800, s3;
	s22 =	sadd.s32 s7, s17;
	[dreg:$0xa] =	wrdreg s21  }
0xd: {  	s29 =	sor.u32 $0x1000, s3;
	s24 =	sadd.s32 s4, s23;
	[dreg:$0xb] =	wrdreg s22  }
0xe: {  	s30 =	sor.u32 $0xC0800, s3;
	s25 =	sadd.s32 s7, s9;
	[dreg:$0xc] =	wrdreg s24  }
0xf: {  	s12 =	sor.u32 $0x1800, s3;
	s28 =	sadd.s32 s4, s26;
	[dreg:$0xd] =	wrdreg s25  }
0x10: {  	s14 =	sor.u32 $0x41000, s3;
	s11 =	sadd.s32 s0, s29;
	[dreg:$0xe] =	wrdreg s28  }
0x11: {  	s6 =	sadd.s32 s7, s19;
	s31 =	sadd.s32 s4, s30;
	[dreg:$0xf] =	wrdreg s11  }
0x12: {  	s13 =	sadd.s32 s7, s30;
	s0 =	sadd.s32 s0, s12;
	[dreg:$0x10] =	wrdreg s6  }
0x13: {  	s15 =	sadd.s32 s4, s29;
	s17 =	sadd.s32 s4, s14;
	[dreg:$0x11] =	wrdreg s31  }
0x14: {  	s19 =	sor.u32 $0xC1000, s3;
	s30 =	sor.u32 $0xC1800, s3;
	[dreg:$0x14] =	wrdreg s13  }
0x15: {  	s8 =	smax.u32 s8, $0x1;
	s9 =	simm.s32 $0x8000;
	[dreg:$0x15] =	wrdreg s0  }
0x16: {  	s2 =	sadd.s32 s7, s23;
	s11 =	sadd.s32 s7, s26;
	[dreg:$0x16] =	wrdreg s15  }
0x17: {  	s16 =	sadd.s32 s7, s29;
	[dreg:$0x18] =	wrdreg s17;
	s0 =	sadd.s32 s7, s14  }
0x18: {  	s18 =	sor.u32 $0x81000, s3;
	s21 =	sadd.s32 s4, s19;
	[dreg:$0x12] =	wrdreg s2  }
0x19: {  	s22 =	sadd.s32 s7, s19;
	s23 =	sadd.s32 s4, s12;
	[dreg:$0x13] =	wrdreg s11  }
0x1a: {  	s24 =	sadd.s32 s7, s12;
	s25 =	sadd.s32 s4, s3;
	[dreg:$0x17] =	wrdreg s16  }
0x1b: {  	s26 =	sadd.s32 s7, s3;
	s28 =	sor.u32 $0x41800, s3;
	[dreg:$0x19] =	wrdreg s0  }
0x1c: {  	s29 =	sor.u32 $0x81800, s3;
	s10 =	simm.s32 $0xC000;
	[dreg:$0x1c] =	wrdreg s21  }
0x1d: {  	s12 =	simm.s32 $0x1;
	s13 =	simm.s32 $0x3;
	[dreg:$0x1d] =	wrdreg s22  }
0x1e: {  	s14 =	simm.s32 $0x14000;
	s15 =	simm.s32 $0x4;
	[dreg:$0x1e] =	wrdreg s23  }
0x1f: {  	s17 =	simm.s32 $0x5;
	s19 =	simm.s32 $0x6;
	[dreg:$0x1f] =	wrdreg s24  }
0x20: {  	s20 =	sadd.s32 s4, s18;
	s0 =	sadd.s32 s7, s18;
	[smem:$0x7FB] =	sst s25  }
0x21: {  	[smem:$0x7FC] =	sst s26;
	s31 =	sadd.s32 s4, s28;
	s3 =	sadd.s32 s4, s29  }
0x22: {  	s4 =	sadd.s32 s4, s30;
	s5 =	sadd.s32 s7, s28;
	s6 =	sadd.s32 s7, s29  }
0x23: {  	s7 =	sadd.s32 s7, s30;
	s11 =	simm.s32 $0x10000;
	s16 =	simm.s32 $0x18000  }
0x24: {  	s18 =	simm.s32 $0x8;
	s21 =	simm.s32 $0x2;
	[dreg:$0x1a] =	wrdreg s20  }
0x25: {  	s22 =	simm.s32 $0x7;
	s23 =	simm.s32 $0xA;
	[dreg:$0x1b] =	wrdreg s0  }
0x26: {  	s24 =	simm.s32 $0xB;
	s25 =	simm.s32 $0xC;
	[smem:$0x7FD] =	sst s31  }
0x27: {  	s26 =	simm.s32 $0x0;
	s20 =	simm.s32 $0x9;
	_ =	strace $0x80000047  }
.LBB2_1:
0x28: {  	s0 =	rddreg [dreg:$0x4]  }
0x29: {  	s2 =	sld [smem:$0x7FB]  }
0x2a: {  	[tilespmem:s1], [sflag:$0x1] =	stream.linear.gather [hbm4b:s0+s1], $0x4000, $0x38;
	[tilespmem:$0x1C000] =	vst v63  }
0x2b: {  	_ = 	snop  }
0x2c: {  	[tilespmem:s9], [sflag:$0x3] =	stream.linear.gather [hbm4b:s2+s1], $0x4000, $0x38;
	[tilespmem:$0x1C000] =	vst v63  }
0x2d: {  	s31 =	rddreg [dreg:$0x5]  }
0x2e: {  	[tilespmem:s10], [sflag:$0x4] =	stream.linear.gather [hbm4b:s31+s1], $0x4000, $0x38;
	[tilespmem:$0x1C000] =	vst v63  }
0x2f: {  	s2 =	rddreg [dreg:$0x6]  }
0x30: {  	[tilespmem:s11], [sflag:$0x5] =	stream.linear.gather [hbm4b:s2+s1], $0x4000, $0x38;
	[tilespmem:$0x1C000] =	vst v63  }
0x31: {  	_ =	swait.ge [sflag:s12], $0x4000  }
0x32: {  	s28 =	simm.s32 $0x0;
	s29 =	sand.u32 $0x1800, s1;
	[sflag:s12] =	ssyncset.done $0x0  }
0x33: {  	s2 =	simm.s32 $0x4000;
	s31 =	rddreg [dreg:$0x7];
	[sflag:s12] =	ssyncadd.s32 $0xFFFFC000  }
0x34: {  	[tilespmem:s2], [sflag:$0x2] =	stream.linear.gather [hbm4b:s31+s1], $0x4000, $0x38;
	[tilespmem:$0x1C000] =	vst v63  }
0x35: {  	s30 =	simm.s32 $0x0;
	s28 =	sand.u32 $0x2000, s28;
	_ =	swait.ge [sflag:s13], $0x4000  }
0x36: {  	s28 =	sor.u32 s29, s28;
	s29 =	sand.u32 $0x380, s30;
	[sflag:s13] =	ssyncset.done $0x0  }
0x37: {  	s28 =	sor.u32 s29, s28;
	[sflag:s13] =	ssyncadd.s32 $0xFFFFC000  }
0x38: {  	v0 =	vld [tilespmem:s28+$0x8470]  }
0x39: {  	v1 =	vld [tilespmem:s28+$0x470]  }
0x3a: {  	v2 =	vld [tilespmem:s28+$0x8000]  }
0x3b: {  	v3 =	vld [tilespmem:s28+$0x0]  }
0x3c: {  	v4 =	vld [tilespmem:s28+$0x8010]  }
0x3d: {  	v5 =	vld [tilespmem:s28+$0x10]  }
0x3e: {  	v6 =	vld [tilespmem:s28+$0x8020]  }
0x3f: {  	v7 =	vld [tilespmem:s28+$0x20]  }
0x40: {  	v8 =	vld [tilespmem:s28+$0x8030]  }
0x41: {  	v9 =	vld [tilespmem:s28+$0x30]  }
0x42: {  	v10 =	vld [tilespmem:s28+$0x8040]  }
0x43: {  	v11 =	vld [tilespmem:s28+$0x40]  }
0x44: {  	v12 =	vld [tilespmem:s28+$0x8050]  }
0x45: {  	v13 =	vld [tilespmem:s28+$0x50]  }
0x46: {  	v14 =	vld [tilespmem:s28+$0x8060]  }
0x47: {  	v0 =	vadd.f32 v1, v0;
	v1 =	vld [tilespmem:s28+$0x60]  }
0x48: {  	v2 =	vadd.f32 v3, v2;
	v3 =	vld [tilespmem:s28+$0x8070]  }
0x49: {  	[tilespmem:s28+$0x8470] =	vst v0;
	v0 =	vadd.f32 v5, v4;
	v4 =	vld [tilespmem:s28+$0x70]  }
0x4a: {  	[tilespmem:s28+$0x8000] =	vst v2;
	v2 =	vadd.f32 v7, v6;
	v5 =	vld [tilespmem:s28+$0x8400]  }
0x4b: {  	v6 =	vld [tilespmem:s28+$0x400];
	[tilespmem:s28+$0x8010] =	vst v0;
	v0 =	vadd.f32 v9, v8  }
0x4c: {  	v63 =	vld [tilespmem:s28+$0x410];
	[tilespmem:s28+$0x8020] =	vst v2;
	v2 =	vadd.f32 v11, v10  }
0x4d: {  	v7 =	vld [tilespmem:s28+$0x8410];
	[tilespmem:s28+$0x8030] =	vst v0;
	v0 =	vadd.f32 v13, v12  }
0x4e: {  	[tilespmem:s28+$0x8040] =	vst v2;
	v2 =	vadd.f32 v1, v14;
	v1 =	vld [tilespmem:s28+$0x8420]  }
0x4f: {  	v3 =	vadd.f32 v4, v3;
	v4 =	vld [tilespmem:s28+$0x420];
	[tilespmem:s28+$0x8050] =	vst v0  }
0x50: {  	[tilespmem:s28+$0x8060] =	vst v2;
	v2 =	vadd.f32 v6, v5;
	v0 =	vld [tilespmem:s28+$0x8430]  }
0x51: {  	[tilespmem:s28+$0x8070] =	vst v3;
	v3 =	vld [tilespmem:s28+$0x430]  }
0x52: {  	s30 =	simm.s32 $0x0;
	s29 =	simm.s32 $0x0;
	v5 =	vadd.f32 v63, v7;
	[tilespmem:s28+$0x8400] =	vst v2;
	v2 =	vld [tilespmem:s28+$0x8440]  }
.LBB2_2:
0x53: {  	s29 =	sadd.s32 $0x10, s29;
	v6 =	vld [tilespmem:s28+$0x440]  }
0x54: {  	s30 =	sadd.s32 $0x800, s30;
	s31 =	sshll.u32 s29, $0x4;
	p0 =	slt.u32 s29, $0x3F0;
	[tilespmem:s28+$0x8410] =	vst v5;
	v1 =	vadd.f32 v4, v1;
	v4 =	vld [tilespmem:s28+$0x8450]  }
0x55: {  	s0 =	sand.u32 $0x1800, s30;
	s2 =	sshll.u32 s29, $0x1;
	s31 =	sand.u32 $0x2000, s31;
	v5 =	vld [tilespmem:s28+$0x450]  }
0x56: {  	s2 =	sand.u32 $0x380, s2;
	s0 =	sor.u32 s0, s31;
	[tilespmem:s28+$0x8420] =	vst v1;
	v0 =	vadd.f32 v3, v0;
	v1 =	vld [tilespmem:s28+$0x8460]  }
0x57: {  	s0 =	sor.u32 s2, s0;
	v3 =	vld [tilespmem:s28+$0x460]  }
0x58: {  	v7 =	vld [tilespmem:s0+$0x8470];
	[tilespmem:s28+$0x8430] =	vst v0;
	v0 =	vadd.f32 v6, v2  }
0x59: {  	v2 =	vld [tilespmem:s0+$0x470]  }
0x5a: {  	v6 =	vld [tilespmem:s0+$0x8000];
	[tilespmem:s28+$0x8440] =	vst v0;
	v0 =	vadd.f32 v5, v4  }
0x5b: {  	v4 =	vld [tilespmem:s0+$0x0]  }
0x5c: {  	v5 =	vld [tilespmem:s0+$0x8010];
	[tilespmem:s28+$0x8450] =	vst v0;
	v0 =	vadd.f32 v3, v1  }
0x5d: {  	v1 =	vld [tilespmem:s0+$0x10]  }
0x5e: {  	v3 =	vld [tilespmem:s0+$0x8020];
	v2 =	vadd.f32 v2, v7;
	[tilespmem:s28+$0x8460] =	vst v0;
	s28 =	smov.u32 s0  }
0x5f: {  	v0 =	vld [tilespmem:s28+$0x20]  }
0x60: {  	v4 =	vadd.f32 v4, v6;
	v6 =	vld [tilespmem:s28+$0x8030];
	[tilespmem:s28+$0x8470] =	vst v2  }
0x61: {  	v2 =	vld [tilespmem:s28+$0x30]  }
0x62: {  	[tilespmem:s28+$0x8000] =	vst v4;
	v1 =	vadd.f32 v1, v5;
	v4 =	vld [tilespmem:s28+$0x8040]  }
0x63: {  	v5 =	vld [tilespmem:s28+$0x40]  }
0x64: {  	[tilespmem:s28+$0x8010] =	vst v1;
	v0 =	vadd.f32 v0, v3;
	v1 =	vld [tilespmem:s28+$0x8050]  }
0x65: {  	v3 =	vld [tilespmem:s28+$0x50]  }
0x66: {  	[tilespmem:s28+$0x8020] =	vst v0;
	v0 =	vadd.f32 v2, v6;
	v2 =	vld [tilespmem:s28+$0x8060]  }
0x67: {  	v6 =	vld [tilespmem:s28+$0x60]  }
0x68: {  	[tilespmem:s28+$0x8030] =	vst v0;
	v0 =	vadd.f32 v5, v4;
	v4 =	vld [tilespmem:s28+$0x8070]  }
0x69: {  	v5 =	vld [tilespmem:s28+$0x70]  }
0x6a: {  	[tilespmem:s28+$0x8040] =	vst v0;
	v0 =	vadd.f32 v3, v1;
	v3 =	vld [tilespmem:s28+$0x8400]  }
0x6b: {  	v7 =	vld [tilespmem:s28+$0x400]  }
0x6c: {  	[tilespmem:s28+$0x8050] =	vst v0;
	v0 =	vadd.f32 v6, v2;
	v2 =	vld [tilespmem:s28+$0x8410]  }
0x6d: {  	v6 =	vld [tilespmem:s28+$0x410]  }
.Ltmp0:
0x6e: {  	[tilespmem:s28+$0x8060] =	vst v0;
	v0 =	vadd.f32 v5, v4;
	v1 =	vld [tilespmem:s28+$0x8420];
	(pc) =	sbr.rel @p0 .LBB2_2-.Ltmp0, $4  }
0x6f: {  	v4 =	vld [tilespmem:s28+$0x420]  }
0x70: {  	[tilespmem:s28+$0x8070] =	vst v0;
	v5 =	vadd.f32 v7, v3;
	v0 =	vld [tilespmem:s28+$0x8430]  }
0x71: {  	v3 =	vld [tilespmem:s28+$0x430]  }
0x72: {  	[tilespmem:s28+$0x8400] =	vst v5;
	v5 =	vadd.f32 v6, v2;
	v2 =	vld [tilespmem:s28+$0x8440]  }
0x73: {  	v6 =	vld [tilespmem:s28+$0x440]  }
0x74: {  	v7 =	vld [tilespmem:s28+$0x8450]  }
0x75: {  	v8 =	vld [tilespmem:s28+$0x450]  }
0x76: {  	v9 =	vld [tilespmem:s28+$0x8460]  }
0x77: {  	v10 =	vld [tilespmem:s28+$0x460]  }
0x78: {  	v1 =	vadd.f32 v4, v1  }
0x79: {  	[tilespmem:s28+$0x8410] =	vst v5;
	v0 =	vadd.f32 v3, v0  }
0x7a: {  	[tilespmem:s28+$0x8420] =	vst v1;
	v1 =	vadd.f32 v6, v2  }
0x7b: {  	[tilespmem:s28+$0x8430] =	vst v0;
	v0 =	vadd.f32 v8, v7  }
0x7c: {  	[tilespmem:s28+$0x8440] =	vst v1;
	v1 =	vadd.f32 v10, v9  }
0x7d: {  	[tilespmem:s28+$0x8450] =	vst v0  }
0x7e: {  	[tilespmem:s28+$0x8460] =	vst v1  }
0x7f: {  	s0 =	sld [smem:$0x7FC];
	_ =	sdelay $0x1  }
0x80: {  	s29 =	simm.s32 $0x0  }
0x81: {  	[hbm4b:s0+s29] =	stream.linear.scatter [tilespmem:s9], [sflag:$0x8], $0x4000, $0x38;
	[tilespmem:$0x1C000] =	vst v63  }
0x82: {  	s2 =	simm.s32 $0x0;
	s28 =	simm.s32 $0x0;
	s31 =	rddreg [dreg:$0x8]  }
0x83: {  	[tilespmem:s14], [sflag:$0x6] =	stream.linear.gather [hbm4b:s31+s29], $0x4000, $0x38;
	[tilespmem:$0x1C000] =	vst v63  }
0x84: {  	s0 =	sand.u32 $0x2000, s2;
	s2 =	sand.u32 $0x1800, s29;
	_ =	swait.ge [sflag:s15], $0x4000  }
0x85: {  	s0 =	sor.u32 s2, s0;
	s31 =	sand.u32 $0x380, s28;
	[sflag:s15] =	ssyncset.done $0x0  }
0x86: {  	s28 =	sor.u32 s31, s0;
	[sflag:s15] =	ssyncadd.s32 $0xFFFFC000  }
0x87: {  	v0 =	vld [tilespmem:s28+$0xC470]  }
0x88: {  	v1 =	vld [tilespmem:s28+$0x470]  }
0x89: {  	v2 =	vld [tilespmem:s28+$0xC000]  }
0x8a: {  	v3 =	vld [tilespmem:s28+$0x0]  }
0x8b: {  	v4 =	vld [tilespmem:s28+$0xC010]  }
0x8c: {  	v5 =	vld [tilespmem:s28+$0x10]  }
0x8d: {  	v6 =	vld [tilespmem:s28+$0xC020]  }
0x8e: {  	v7 =	vld [tilespmem:s28+$0x20]  }
0x8f: {  	v60 =	vld [tilespmem:s28+$0xC030]  }
0x90: {  	v61 =	vld [tilespmem:s28+$0x30]  }
0x91: {  	v62 =	vld [tilespmem:s28+$0xC040]  }
0x92: {  	v11 =	vld [tilespmem:s28+$0x40]  }
0x93: {  	v12 =	vld [tilespmem:s28+$0xC050]  }
0x94: {  	v13 =	vld [tilespmem:s28+$0x50]  }
0x95: {  	v14 =	vld [tilespmem:s28+$0xC060]  }
0x96: {  	v0 =	vadd.f32 v1, v0;
	v1 =	vld [tilespmem:s28+$0x60]  }
0x97: {  	v2 =	vadd.f32 v3, v2;
	v3 =	vld [tilespmem:s28+$0xC070]  }
0x98: {  	[tilespmem:s28+$0xC470] =	vst v0;
	v0 =	vadd.f32 v5, v4;
	v4 =	vld [tilespmem:s28+$0x70]  }
0x99: {  	[tilespmem:s28+$0xC000] =	vst v2;
	v2 =	vadd.f32 v7, v6;
	v5 =	vld [tilespmem:s28+$0xC400]  }
0x9a: {  	v6 =	vld [tilespmem:s28+$0x400];
	[tilespmem:s28+$0xC010] =	vst v0;
	v0 =	vadd.f32 v61, v60  }
0x9b: {  	v63 =	vld [tilespmem:s28+$0x410];
	[tilespmem:s28+$0xC020] =	vst v2;
	v2 =	vadd.f32 v11, v62  }
0x9c: {  	v7 =	vld [tilespmem:s28+$0xC410];
	[tilespmem:s28+$0xC030] =	vst v0;
	v0 =	vadd.f32 v13, v12  }
0x9d: {  	[tilespmem:s28+$0xC040] =	vst v2;
	v2 =	vadd.f32 v1, v14;
	v1 =	vld [tilespmem:s28+$0xC420]  }
0x9e: {  	v3 =	vadd.f32 v4, v3;
	v4 =	vld [tilespmem:s28+$0x420];
	[tilespmem:s28+$0xC050] =	vst v0  }
0x9f: {  	[tilespmem:s28+$0xC060] =	vst v2;
	v2 =	vadd.f32 v6, v5;
	v0 =	vld [tilespmem:s28+$0xC430]  }
0xa0: {  	[tilespmem:s28+$0xC070] =	vst v3;
	v3 =	vld [tilespmem:s28+$0x430]  }
0xa1: {  	s30 =	simm.s32 $0x0;
	v5 =	vadd.f32 v63, v7;
	[tilespmem:s28+$0xC400] =	vst v2;
	v2 =	vld [tilespmem:s28+$0xC440]  }
.LBB2_4:
0xa2: {  	s30 =	sadd.s32 $0x10, s30;
	v6 =	vld [tilespmem:s28+$0x440]  }
0xa3: {  	s29 =	sadd.s32 $0x800, s29;
	s0 =	sshll.u32 s30, $0x4;
	p0 =	slt.u32 s30, $0x3F0;
	[tilespmem:s28+$0xC410] =	vst v5;
	v1 =	vadd.f32 v4, v1;
	v4 =	vld [tilespmem:s28+$0xC450]  }
0xa4: {  	s2 =	sand.u32 $0x1800, s29;
	s31 =	sshll.u32 s30, $0x1;
	s0 =	sand.u32 $0x2000, s0;
	v5 =	vld [tilespmem:s28+$0x450]  }
0xa5: {  	s0 =	sor.u32 s2, s0;
	s2 =	sand.u32 $0x380, s31;
	[tilespmem:s28+$0xC420] =	vst v1;
	v0 =	vadd.f32 v3, v0;
	v1 =	vld [tilespmem:s28+$0xC460]  }
0xa6: {  	s0 =	sor.u32 s2, s0;
	v3 =	vld [tilespmem:s28+$0x460]  }
0xa7: {  	v7 =	vld [tilespmem:s0+$0xC470];
	[tilespmem:s28+$0xC430] =	vst v0;
	v0 =	vadd.f32 v6, v2  }
0xa8: {  	v2 =	vld [tilespmem:s0+$0x470]  }
0xa9: {  	v6 =	vld [tilespmem:s0+$0xC000];
	[tilespmem:s28+$0xC440] =	vst v0;
	v0 =	vadd.f32 v5, v4  }
0xaa: {  	v4 =	vld [tilespmem:s0+$0x0]  }
0xab: {  	v5 =	vld [tilespmem:s0+$0xC010];
	[tilespmem:s28+$0xC450] =	vst v0;
	v0 =	vadd.f32 v3, v1  }
0xac: {  	v1 =	vld [tilespmem:s0+$0x10]  }
0xad: {  	v3 =	vld [tilespmem:s0+$0xC020];
	v2 =	vadd.f32 v2, v7;
	[tilespmem:s28+$0xC460] =	vst v0;
	s28 =	smov.u32 s0  }
0xae: {  	v0 =	vld [tilespmem:s28+$0x20]  }
0xaf: {  	v4 =	vadd.f32 v4, v6;
	v6 =	vld [tilespmem:s28+$0xC030];
	[tilespmem:s28+$0xC470] =	vst v2  }
0xb0: {  	v2 =	vld [tilespmem:s28+$0x30]  }
0xb1: {  	[tilespmem:s28+$0xC000] =	vst v4;
	v1 =	vadd.f32 v1, v5;
	v4 =	vld [tilespmem:s28+$0xC040]  }
0xb2: {  	v5 =	vld [tilespmem:s28+$0x40]  }
0xb3: {  	[tilespmem:s28+$0xC010] =	vst v1;
	v0 =	vadd.f32 v0, v3;
	v1 =	vld [tilespmem:s28+$0xC050]  }
0xb4: {  	v3 =	vld [tilespmem:s28+$0x50]  }
0xb5: {  	[tilespmem:s28+$0xC020] =	vst v0;
	v0 =	vadd.f32 v2, v6;
	v2 =	vld [tilespmem:s28+$0xC060]  }
0xb6: {  	v6 =	vld [tilespmem:s28+$0x60]  }
0xb7: {  	[tilespmem:s28+$0xC030] =	vst v0;
	v0 =	vadd.f32 v5, v4;
	v4 =	vld [tilespmem:s28+$0xC070]  }
0xb8: {  	v5 =	vld [tilespmem:s28+$0x70]  }
0xb9: {  	[tilespmem:s28+$0xC040] =	vst v0;
	v0 =	vadd.f32 v3, v1;
	v3 =	vld [tilespmem:s28+$0xC400]  }
0xba: {  	v7 =	vld [tilespmem:s28+$0x400]  }
0xbb: {  	[tilespmem:s28+$0xC050] =	vst v0;
	v0 =	vadd.f32 v6, v2;
	v2 =	vld [tilespmem:s28+$0xC410]  }
0xbc: {  	v6 =	vld [tilespmem:s28+$0x410]  }
.Ltmp1:
0xbd: {  	[tilespmem:s28+$0xC060] =	vst v0;
	v0 =	vadd.f32 v5, v4;
	v1 =	vld [tilespmem:s28+$0xC420];
	(pc) =	sbr.rel @p0 .LBB2_4-.Ltmp1, $4  }
0xbe: {  	v4 =	vld [tilespmem:s28+$0x420]  }
0xbf: {  	[tilespmem:s28+$0xC070] =	vst v0;
	v5 =	vadd.f32 v7, v3;
	v0 =	vld [tilespmem:s28+$0xC430]  }
0xc0: {  	v3 =	vld [tilespmem:s28+$0x430]  }
0xc1: {  	[tilespmem:s28+$0xC400] =	vst v5;
	v5 =	vadd.f32 v6, v2;
	v2 =	vld [tilespmem:s28+$0xC440]  }
0xc2: {  	v6 =	vld [tilespmem:s28+$0x440]  }
0xc3: {  	v7 =	vld [tilespmem:s28+$0xC450]  }
0xc4: {  	v8 =	vld [tilespmem:s28+$0x450]  }
0xc5: {  	v9 =	vld [tilespmem:s28+$0xC460]  }
0xc6: {  	v10 =	vld [tilespmem:s28+$0x460]  }
0xc7: {  	v1 =	vadd.f32 v4, v1  }
0xc8: {  	[tilespmem:s28+$0xC410] =	vst v5;
	v0 =	vadd.f32 v3, v0  }
0xc9: {  	[tilespmem:s28+$0xC420] =	vst v1;
	v1 =	vadd.f32 v6, v2  }
0xca: {  	[tilespmem:s28+$0xC430] =	vst v0;
	v0 =	vadd.f32 v8, v7  }
0xcb: {  	[tilespmem:s28+$0xC440] =	vst v1;
	v1 =	vadd.f32 v10, v9  }
0xcc: {  	[tilespmem:s28+$0xC450] =	vst v0  }
0xcd: {  	[tilespmem:s28+$0xC460] =	vst v1  }
0xce: {  	s29 =	simm.s32 $0x0;
	s0 =	rddreg [dreg:$0x9]  }
0xcf: {  	[hbm4b:s0+s29] =	stream.linear.scatter [tilespmem:s10], [sflag:$0x9], $0x4000, $0x38;
	[tilespmem:$0x1C000] =	vst v63  }
0xd0: {  	s2 =	simm.s32 $0x0;
	s28 =	simm.s32 $0x0;
	s31 =	rddreg [dreg:$0xa]  }
0xd1: {  	[tilespmem:s16], [sflag:$0x7] =	stream.linear.gather [hbm4b:s31+s29], $0x4000, $0x38;
	[tilespmem:$0x1C000] =	vst v63  }
0xd2: {  	s0 =	sand.u32 $0x2000, s2;
	s2 =	sand.u32 $0x1800, s29;
	_ =	swait.ge [sflag:s17], $0x4000  }
0xd3: {  	s0 =	sor.u32 s2, s0;
	s31 =	sand.u32 $0x380, s28;
	[sflag:s17] =	ssyncset.done $0x0  }
0xd4: {  	s28 =	sor.u32 s31, s0;
	[sflag:s17] =	ssyncadd.s32 $0xFFFFC000  }
0xd5: {  	v0 =	vld [tilespmem:s28+$0x10470]  }
0xd6: {  	v1 =	vld [tilespmem:s28+$0x470]  }
0xd7: {  	v2 =	vld [tilespmem:s28+$0x10000]  }
0xd8: {  	v3 =	vld [tilespmem:s28+$0x0]  }
0xd9: {  	v4 =	vld [tilespmem:s28+$0x10010]  }
0xda: {  	v5 =	vld [tilespmem:s28+$0x10]  }
0xdb: {  	v6 =	vld [tilespmem:s28+$0x10020]  }
0xdc: {  	v7 =	vld [tilespmem:s28+$0x20]  }
0xdd: {  	v60 =	vld [tilespmem:s28+$0x10030]  }
0xde: {  	v61 =	vld [tilespmem:s28+$0x30]  }
0xdf: {  	v62 =	vld [tilespmem:s28+$0x10040]  }
0xe0: {  	v11 =	vld [tilespmem:s28+$0x40]  }
0xe1: {  	v12 =	vld [tilespmem:s28+$0x10050]  }
0xe2: {  	v13 =	vld [tilespmem:s28+$0x50]  }
0xe3: {  	v14 =	vld [tilespmem:s28+$0x10060]  }
0xe4: {  	v0 =	vadd.f32 v1, v0;
	v1 =	vld [tilespmem:s28+$0x60]  }
0xe5: {  	v2 =	vadd.f32 v3, v2;
	v3 =	vld [tilespmem:s28+$0x10070]  }
0xe6: {  	[tilespmem:s28+$0x10470] =	vst v0;
	v0 =	vadd.f32 v5, v4;
	v4 =	vld [tilespmem:s28+$0x70]  }
0xe7: {  	[tilespmem:s28+$0x10000] =	vst v2;
	v2 =	vadd.f32 v7, v6;
	v5 =	vld [tilespmem:s28+$0x10400]  }
0xe8: {  	v6 =	vld [tilespmem:s28+$0x400];
	[tilespmem:s28+$0x10010] =	vst v0;
	v0 =	vadd.f32 v61, v60  }
0xe9: {  	v63 =	vld [tilespmem:s28+$0x410];
	[tilespmem:s28+$0x10020] =	vst v2;
	v2 =	vadd.f32 v11, v62  }
0xea: {  	v7 =	vld [tilespmem:s28+$0x10410];
	[tilespmem:s28+$0x10030] =	vst v0;
	v0 =	vadd.f32 v13, v12  }
0xeb: {  	[tilespmem:s28+$0x10040] =	vst v2;
	v2 =	vadd.f32 v1, v14;
	v1 =	vld [tilespmem:s28+$0x10420]  }
0xec: {  	v3 =	vadd.f32 v4, v3;
	v4 =	vld [tilespmem:s28+$0x420];
	[tilespmem:s28+$0x10050] =	vst v0  }
0xed: {  	[tilespmem:s28+$0x10060] =	vst v2;
	v2 =	vadd.f32 v6, v5;
	v0 =	vld [tilespmem:s28+$0x10430]  }
0xee: {  	[tilespmem:s28+$0x10070] =	vst v3;
	v3 =	vld [tilespmem:s28+$0x430]  }
0xef: {  	s30 =	simm.s32 $0x0;
	v5 =	vadd.f32 v63, v7;
	[tilespmem:s28+$0x10400] =	vst v2;
	v2 =	vld [tilespmem:s28+$0x10440]  }
.LBB2_6:
0xf0: {  	s30 =	sadd.s32 $0x10, s30;
	v6 =	vld [tilespmem:s28+$0x440]  }
0xf1: {  	s29 =	sadd.s32 $0x800, s29;
	s0 =	sshll.u32 s30, $0x4;
	p0 =	slt.u32 s30, $0x3F0;
	[tilespmem:s28+$0x10410] =	vst v5;
	v1 =	vadd.f32 v4, v1;
	v4 =	vld [tilespmem:s28+$0x10450]  }
0xf2: {  	s2 =	sand.u32 $0x1800, s29;
	s31 =	sshll.u32 s30, $0x1;
	s0 =	sand.u32 $0x2000, s0;
	v5 =	vld [tilespmem:s28+$0x450]  }
0xf3: {  	s0 =	sor.u32 s2, s0;
	s2 =	sand.u32 $0x380, s31;
	[tilespmem:s28+$0x10420] =	vst v1;
	v0 =	vadd.f32 v3, v0;
	v1 =	vld [tilespmem:s28+$0x10460]  }
0xf4: {  	s0 =	sor.u32 s2, s0;
	v3 =	vld [tilespmem:s28+$0x460]  }
0xf5: {  	v7 =	vld [tilespmem:s0+$0x10470];
	[tilespmem:s28+$0x10430] =	vst v0;
	v0 =	vadd.f32 v6, v2  }
0xf6: {  	v2 =	vld [tilespmem:s0+$0x470]  }
0xf7: {  	v6 =	vld [tilespmem:s0+$0x10000];
	[tilespmem:s28+$0x10440] =	vst v0;
	v0 =	vadd.f32 v5, v4  }
0xf8: {  	v4 =	vld [tilespmem:s0+$0x0]  }
0xf9: {  	v5 =	vld [tilespmem:s0+$0x10010];
	[tilespmem:s28+$0x10450] =	vst v0;
	v0 =	vadd.f32 v3, v1  }
0xfa: {  	v1 =	vld [tilespmem:s0+$0x10]  }
0xfb: {  	v3 =	vld [tilespmem:s0+$0x10020];
	v2 =	vadd.f32 v2, v7;
	[tilespmem:s28+$0x10460] =	vst v0;
	s28 =	smov.u32 s0  }
0xfc: {  	v0 =	vld [tilespmem:s28+$0x20]  }
0xfd: {  	v4 =	vadd.f32 v4, v6;
	v6 =	vld [tilespmem:s28+$0x10030];
	[tilespmem:s28+$0x10470] =	vst v2  }
0xfe: {  	v2 =	vld [tilespmem:s28+$0x30]  }
0xff: {  	[tilespmem:s28+$0x10000] =	vst v4;
	v1 =	vadd.f32 v1, v5;
	v4 =	vld [tilespmem:s28+$0x10040]  }
0x100: {  	v5 =	vld [tilespmem:s28+$0x40]  }
0x101: {  	[tilespmem:s28+$0x10010] =	vst v1;
	v0 =	vadd.f32 v0, v3;
	v1 =	vld [tilespmem:s28+$0x10050]  }
0x102: {  	v3 =	vld [tilespmem:s28+$0x50]  }
0x103: {  	[tilespmem:s28+$0x10020] =	vst v0;
	v0 =	vadd.f32 v2, v6;
	v2 =	vld [tilespmem:s28+$0x10060]  }
0x104: {  	v6 =	vld [tilespmem:s28+$0x60]  }
0x105: {  	[tilespmem:s28+$0x10030] =	vst v0;
	v0 =	vadd.f32 v5, v4;
	v4 =	vld [tilespmem:s28+$0x10070]  }
0x106: {  	v5 =	vld [tilespmem:s28+$0x70]  }
0x107: {  	[tilespmem:s28+$0x10040] =	vst v0;
	v0 =	vadd.f32 v3, v1;
	v3 =	vld [tilespmem:s28+$0x10400]  }
0x108: {  	v7 =	vld [tilespmem:s28+$0x400]  }
0x109: {  	[tilespmem:s28+$0x10050] =	vst v0;
	v0 =	vadd.f32 v6, v2;
	v2 =	vld [tilespmem:s28+$0x10410]  }
0x10a: {  	v6 =	vld [tilespmem:s28+$0x410]  }
.Ltmp2:
0x10b: {  	[tilespmem:s28+$0x10060] =	vst v0;
	v0 =	vadd.f32 v5, v4;
	v1 =	vld [tilespmem:s28+$0x10420];
	(pc) =	sbr.rel @p0 .LBB2_6-.Ltmp2, $4  }
0x10c: {  	v4 =	vld [tilespmem:s28+$0x420]  }
0x10d: {  	[tilespmem:s28+$0x10070] =	vst v0;
	v5 =	vadd.f32 v7, v3;
	v0 =	vld [tilespmem:s28+$0x10430]  }
0x10e: {  	v3 =	vld [tilespmem:s28+$0x430]  }
0x10f: {  	[tilespmem:s28+$0x10400] =	vst v5;
	v5 =	vadd.f32 v6, v2;
	v2 =	vld [tilespmem:s28+$0x10440]  }
0x110: {  	v6 =	vld [tilespmem:s28+$0x440]  }
0x111: {  	v7 =	vld [tilespmem:s28+$0x10450]  }
0x112: {  	v8 =	vld [tilespmem:s28+$0x450]  }
0x113: {  	v9 =	vld [tilespmem:s28+$0x10460]  }
0x114: {  	v10 =	vld [tilespmem:s28+$0x460]  }
0x115: {  	v1 =	vadd.f32 v4, v1  }
0x116: {  	[tilespmem:s28+$0x10410] =	vst v5;
	v0 =	vadd.f32 v3, v0  }
0x117: {  	[tilespmem:s28+$0x10420] =	vst v1;
	v1 =	vadd.f32 v6, v2  }
0x118: {  	[tilespmem:s28+$0x10430] =	vst v0;
	v0 =	vadd.f32 v8, v7  }
0x119: {  	[tilespmem:s28+$0x10440] =	vst v1;
	v1 =	vadd.f32 v10, v9  }
0x11a: {  	[tilespmem:s28+$0x10450] =	vst v0  }
0x11b: {  	[tilespmem:s28+$0x10460] =	vst v1  }
0x11c: {  	s29 =	simm.s32 $0x0;
	s0 =	rddreg [dreg:$0xb]  }
0x11d: {  	[hbm4b:s0+s29] =	stream.linear.scatter [tilespmem:s11], [sflag:$0xA], $0x4000, $0x38;
	[tilespmem:$0x1C000] =	vst v63  }
0x11e: {  	_ =	swait.ge [sflag:s18], $0x4000  }
0x11f: {  	s2 =	simm.s32 $0x0;
	[sflag:s18] =	ssyncset.done $0x0  }
0x120: {  	s28 =	simm.s32 $0x0;
	s31 =	rddreg [dreg:$0xc];
	[sflag:s18] =	ssyncadd.s32 $0xFFFFC000  }
0x121: {  	[tilespmem:s9], [sflag:$0x3] =	stream.linear.gather [hbm4b:s31+s29], $0x4000, $0x38;
	[tilespmem:$0x1C000] =	vst v63  }
0x122: {  	s0 =	sand.u32 $0x2000, s2;
	s2 =	sand.u32 $0x1800, s29;
	_ =	swait.ge [sflag:s19], $0x4000  }
0x123: {  	s0 =	sor.u32 s2, s0;
	s31 =	sand.u32 $0x380, s28;
	[sflag:s19] =	ssyncset.done $0x0  }
0x124: {  	s28 =	sor.u32 s31, s0;
	[sflag:s19] =	ssyncadd.s32 $0xFFFFC000  }
0x125: {  	v0 =	vld [tilespmem:s28+$0x14470]  }
0x126: {  	v1 =	vld [tilespmem:s28+$0x470]  }
0x127: {  	v2 =	vld [tilespmem:s28+$0x14000]  }
0x128: {  	v3 =	vld [tilespmem:s28+$0x0]  }
0x129: {  	v4 =	vld [tilespmem:s28+$0x14010]  }
0x12a: {  	v5 =	vld [tilespmem:s28+$0x10]  }
0x12b: {  	v6 =	vld [tilespmem:s28+$0x14020]  }
0x12c: {  	v7 =	vld [tilespmem:s28+$0x20]  }
0x12d: {  	v60 =	vld [tilespmem:s28+$0x14030]  }
0x12e: {  	v61 =	vld [tilespmem:s28+$0x30]  }
0x12f: {  	v62 =	vld [tilespmem:s28+$0x14040]  }
0x130: {  	v11 =	vld [tilespmem:s28+$0x40]  }
0x131: {  	v12 =	vld [tilespmem:s28+$0x14050]  }
0x132: {  	v13 =	vld [tilespmem:s28+$0x50]  }
0x133: {  	v14 =	vld [tilespmem:s28+$0x14060]  }
0x134: {  	v0 =	vadd.f32 v1, v0;
	v1 =	vld [tilespmem:s28+$0x60]  }
0x135: {  	v2 =	vadd.f32 v3, v2;
	v3 =	vld [tilespmem:s28+$0x14070]  }
0x136: {  	[tilespmem:s28+$0x14470] =	vst v0;
	v0 =	vadd.f32 v5, v4;
	v4 =	vld [tilespmem:s28+$0x70]  }
0x137: {  	[tilespmem:s28+$0x14000] =	vst v2;
	v2 =	vadd.f32 v7, v6;
	v5 =	vld [tilespmem:s28+$0x14400]  }
0x138: {  	v6 =	vld [tilespmem:s28+$0x400];
	[tilespmem:s28+$0x14010] =	vst v0;
	v0 =	vadd.f32 v61, v60  }
0x139: {  	v63 =	vld [tilespmem:s28+$0x410];
	[tilespmem:s28+$0x14020] =	vst v2;
	v2 =	vadd.f32 v11, v62  }
0x13a: {  	v7 =	vld [tilespmem:s28+$0x14410];
	[tilespmem:s28+$0x14030] =	vst v0;
	v0 =	vadd.f32 v13, v12  }
0x13b: {  	[tilespmem:s28+$0x14040] =	vst v2;
	v2 =	vadd.f32 v1, v14;
	v1 =	vld [tilespmem:s28+$0x14420]  }
0x13c: {  	v3 =	vadd.f32 v4, v3;
	v4 =	vld [tilespmem:s28+$0x420];
	[tilespmem:s28+$0x14050] =	vst v0  }
0x13d: {  	[tilespmem:s28+$0x14060] =	vst v2;
	v2 =	vadd.f32 v6, v5;
	v0 =	vld [tilespmem:s28+$0x14430]  }
0x13e: {  	[tilespmem:s28+$0x14070] =	vst v3;
	v3 =	vld [tilespmem:s28+$0x430]  }
0x13f: {  	s30 =	simm.s32 $0x0;
	v5 =	vadd.f32 v63, v7;
	[tilespmem:s28+$0x14400] =	vst v2;
	v2 =	vld [tilespmem:s28+$0x14440]  }
.LBB2_8:
0x140: {  	s30 =	sadd.s32 $0x10, s30;
	v6 =	vld [tilespmem:s28+$0x440]  }
0x141: {  	s29 =	sadd.s32 $0x800, s29;
	s0 =	sshll.u32 s30, $0x4;
	p0 =	slt.u32 s30, $0x3F0;
	[tilespmem:s28+$0x14410] =	vst v5;
	v1 =	vadd.f32 v4, v1;
	v4 =	vld [tilespmem:s28+$0x14450]  }
0x142: {  	s2 =	sand.u32 $0x1800, s29;
	s31 =	sshll.u32 s30, $0x1;
	s0 =	sand.u32 $0x2000, s0;
	v5 =	vld [tilespmem:s28+$0x450]  }
0x143: {  	s0 =	sor.u32 s2, s0;
	s2 =	sand.u32 $0x380, s31;
	[tilespmem:s28+$0x14420] =	vst v1;
	v0 =	vadd.f32 v3, v0;
	v1 =	vld [tilespmem:s28+$0x14460]  }
0x144: {  	s0 =	sor.u32 s2, s0;
	v3 =	vld [tilespmem:s28+$0x460]  }
0x145: {  	v7 =	vld [tilespmem:s0+$0x14470];
	[tilespmem:s28+$0x14430] =	vst v0;
	v0 =	vadd.f32 v6, v2  }
0x146: {  	v2 =	vld [tilespmem:s0+$0x470]  }
0x147: {  	v6 =	vld [tilespmem:s0+$0x14000];
	[tilespmem:s28+$0x14440] =	vst v0;
	v0 =	vadd.f32 v5, v4  }
0x148: {  	v4 =	vld [tilespmem:s0+$0x0]  }
0x149: {  	v5 =	vld [tilespmem:s0+$0x14010];
	[tilespmem:s28+$0x14450] =	vst v0;
	v0 =	vadd.f32 v3, v1  }
0x14a: {  	v1 =	vld [tilespmem:s0+$0x10]  }
0x14b: {  	v3 =	vld [tilespmem:s0+$0x14020];
	v2 =	vadd.f32 v2, v7;
	[tilespmem:s28+$0x14460] =	vst v0;
	s28 =	smov.u32 s0  }
0x14c: {  	v0 =	vld [tilespmem:s28+$0x20]  }
0x14d: {  	v4 =	vadd.f32 v4, v6;
	v6 =	vld [tilespmem:s28+$0x14030];
	[tilespmem:s28+$0x14470] =	vst v2  }
0x14e: {  	v2 =	vld [tilespmem:s28+$0x30]  }
0x14f: {  	[tilespmem:s28+$0x14000] =	vst v4;
	v1 =	vadd.f32 v1, v5;
	v4 =	vld [tilespmem:s28+$0x14040]  }
0x150: {  	v5 =	vld [tilespmem:s28+$0x40]  }
0x151: {  	[tilespmem:s28+$0x14010] =	vst v1;
	v0 =	vadd.f32 v0, v3;
	v1 =	vld [tilespmem:s28+$0x14050]  }
0x152: {  	v3 =	vld [tilespmem:s28+$0x50]  }
0x153: {  	[tilespmem:s28+$0x14020] =	vst v0;
	v0 =	vadd.f32 v2, v6;
	v2 =	vld [tilespmem:s28+$0x14060]  }
0x154: {  	v6 =	vld [tilespmem:s28+$0x60]  }
0x155: {  	[tilespmem:s28+$0x14030] =	vst v0;
	v0 =	vadd.f32 v5, v4;
	v4 =	vld [tilespmem:s28+$0x14070]  }
0x156: {  	v5 =	vld [tilespmem:s28+$0x70]  }
0x157: {  	[tilespmem:s28+$0x14040] =	vst v0;
	v0 =	vadd.f32 v3, v1;
	v3 =	vld [tilespmem:s28+$0x14400]  }
0x158: {  	v7 =	vld [tilespmem:s28+$0x400]  }
0x159: {  	[tilespmem:s28+$0x14050] =	vst v0;
	v0 =	vadd.f32 v6, v2;
	v2 =	vld [tilespmem:s28+$0x14410]  }
0x15a: {  	v6 =	vld [tilespmem:s28+$0x410]  }
.Ltmp3:
0x15b: {  	[tilespmem:s28+$0x14060] =	vst v0;
	v0 =	vadd.f32 v5, v4;
	v1 =	vld [tilespmem:s28+$0x14420];
	(pc) =	sbr.rel @p0 .LBB2_8-.Ltmp3, $4  }
0x15c: {  	v4 =	vld [tilespmem:s28+$0x420]  }
0x15d: {  	[tilespmem:s28+$0x14070] =	vst v0;
	v5 =	vadd.f32 v7, v3;
	v0 =	vld [tilespmem:s28+$0x14430]  }
0x15e: {  	v3 =	vld [tilespmem:s28+$0x430]  }
0x15f: {  	[tilespmem:s28+$0x14400] =	vst v5;
	v5 =	vadd.f32 v6, v2;
	v2 =	vld [tilespmem:s28+$0x14440]  }
0x160: {  	v6 =	vld [tilespmem:s28+$0x440]  }
0x161: {  	v7 =	vld [tilespmem:s28+$0x14450]  }
0x162: {  	v8 =	vld [tilespmem:s28+$0x450]  }
0x163: {  	v9 =	vld [tilespmem:s28+$0x14460]  }
0x164: {  	v10 =	vld [tilespmem:s28+$0x460]  }
0x165: {  	v1 =	vadd.f32 v4, v1  }
0x166: {  	[tilespmem:s28+$0x14410] =	vst v5;
	v0 =	vadd.f32 v3, v0  }
0x167: {  	[tilespmem:s28+$0x14420] =	vst v1;
	v1 =	vadd.f32 v6, v2  }
0x168: {  	[tilespmem:s28+$0x14430] =	vst v0;
	v0 =	vadd.f32 v8, v7  }
0x169: {  	[tilespmem:s28+$0x14440] =	vst v1;
	v1 =	vadd.f32 v10, v9  }
0x16a: {  	[tilespmem:s28+$0x14450] =	vst v0  }
0x16b: {  	[tilespmem:s28+$0x14460] =	vst v1  }
0x16c: {  	s28 =	simm.s32 $0x0;
	s0 =	rddreg [dreg:$0xd]  }
0x16d: {  	[hbm4b:s0+s28] =	stream.linear.scatter [tilespmem:s14], [sflag:$0xB], $0x4000, $0x38;
	[tilespmem:$0x1C000] =	vst v63  }
0x16e: {  	_ =	swait.ge [sflag:s20], $0x4000  }
0x16f: {  	[sflag:s20] =	ssyncset.done $0x0  }
0x170: {  	s2 =	rddreg [dreg:$0xe];
	[sflag:s20] =	ssyncadd.s32 $0xFFFFC000  }
0x171: {  	[tilespmem:s10], [sflag:$0x4] =	stream.linear.gather [hbm4b:s2+s28], $0x4000, $0x38;
	[tilespmem:$0x1C000] =	vst v63  }
0x172: {  	_ =	swait.ge [sflag:s21], $0x4000  }
0x173: {  	s29 =	simm.s32 $0x0;
	[sflag:s21] =	ssyncset.done $0x0  }
0x174: {  	s2 =	simm.s32 $0x0;
	s31 =	rddreg [dreg:$0xf];
	[sflag:s21] =	ssyncadd.s32 $0xFFFFC000  }
0x175: {  	[tilespmem:s28], [sflag:$0x1] =	stream.linear.gather [hbm4b:s31+s28], $0x4000, $0x38;
	[tilespmem:$0x1C000] =	vst v63  }
0x176: {  	s0 =	sand.u32 $0x2000, s2;
	s2 =	sand.u32 $0x1800, s28;
	_ =	swait.ge [sflag:s22], $0x4000  }
0x177: {  	s0 =	sor.u32 s2, s0;
	s31 =	sand.u32 $0x380, s29;
	[sflag:s22] =	ssyncset.done $0x0  }
0x178: {  	s29 =	sor.u32 s31, s0;
	[sflag:s22] =	ssyncadd.s32 $0xFFFFC000  }
0x179: {  	v0 =	vld [tilespmem:s29+$0x18470]  }
0x17a: {  	v1 =	vld [tilespmem:s29+$0x4470]  }
0x17b: {  	v2 =	vld [tilespmem:s29+$0x18000]  }
0x17c: {  	v3 =	vld [tilespmem:s29+$0x4000]  }
0x17d: {  	v4 =	vld [tilespmem:s29+$0x18010]  }
0x17e: {  	v5 =	vld [tilespmem:s29+$0x4010]  }
0x17f: {  	v6 =	vld [tilespmem:s29+$0x18020]  }
0x180: {  	v7 =	vld [tilespmem:s29+$0x4020]  }
0x181: {  	v60 =	vld [tilespmem:s29+$0x18030]  }
0x182: {  	v61 =	vld [tilespmem:s29+$0x4030]  }
0x183: {  	v62 =	vld [tilespmem:s29+$0x18040]  }
0x184: {  	v11 =	vld [tilespmem:s29+$0x4040]  }
0x185: {  	v12 =	vld [tilespmem:s29+$0x18050]  }
0x186: {  	v13 =	vld [tilespmem:s29+$0x4050]  }
0x187: {  	v14 =	vld [tilespmem:s29+$0x18060]  }
0x188: {  	v0 =	vadd.f32 v1, v0;
	v1 =	vld [tilespmem:s29+$0x4060]  }
0x189: {  	v2 =	vadd.f32 v3, v2;
	v3 =	vld [tilespmem:s29+$0x18070]  }
0x18a: {  	[tilespmem:s29+$0x18470] =	vst v0;
	v0 =	vadd.f32 v5, v4;
	v4 =	vld [tilespmem:s29+$0x4070]  }
0x18b: {  	[tilespmem:s29+$0x18000] =	vst v2;
	v2 =	vadd.f32 v7, v6;
	v5 =	vld [tilespmem:s29+$0x18400]  }
0x18c: {  	v6 =	vld [tilespmem:s29+$0x4400];
	[tilespmem:s29+$0x18010] =	vst v0;
	v0 =	vadd.f32 v61, v60  }
0x18d: {  	v63 =	vld [tilespmem:s29+$0x4410];
	[tilespmem:s29+$0x18020] =	vst v2;
	v2 =	vadd.f32 v11, v62  }
0x18e: {  	v7 =	vld [tilespmem:s29+$0x18410];
	[tilespmem:s29+$0x18030] =	vst v0;
	v0 =	vadd.f32 v13, v12  }
0x18f: {  	[tilespmem:s29+$0x18040] =	vst v2;
	v2 =	vadd.f32 v1, v14;
	v1 =	vld [tilespmem:s29+$0x18420]  }
0x190: {  	v3 =	vadd.f32 v4, v3;
	v4 =	vld [tilespmem:s29+$0x4420];
	[tilespmem:s29+$0x18050] =	vst v0  }
0x191: {  	[tilespmem:s29+$0x18060] =	vst v2;
	v2 =	vadd.f32 v6, v5;
	v0 =	vld [tilespmem:s29+$0x18430]  }
0x192: {  	[tilespmem:s29+$0x18070] =	vst v3;
	v3 =	vld [tilespmem:s29+$0x4430]  }
0x193: {  	s30 =	simm.s32 $0x0;
	v5 =	vadd.f32 v63, v7;
	[tilespmem:s29+$0x18400] =	vst v2;
	v2 =	vld [tilespmem:s29+$0x18440]  }
.LBB2_10:
0x194: {  	s30 =	sadd.s32 $0x10, s30;
	v6 =	vld [tilespmem:s29+$0x4440]  }
0x195: {  	s28 =	sadd.s32 $0x800, s28;
	s0 =	sshll.u32 s30, $0x4;
	p0 =	slt.u32 s30, $0x3F0;
	[tilespmem:s29+$0x18410] =	vst v5;
	v1 =	vadd.f32 v4, v1;
	v4 =	vld [tilespmem:s29+$0x18450]  }
0x196: {  	s2 =	sand.u32 $0x1800, s28;
	s31 =	sshll.u32 s30, $0x1;
	s0 =	sand.u32 $0x2000, s0;
	v5 =	vld [tilespmem:s29+$0x4450]  }
0x197: {  	s0 =	sor.u32 s2, s0;
	s2 =	sand.u32 $0x380, s31;
	[tilespmem:s29+$0x18420] =	vst v1;
	v0 =	vadd.f32 v3, v0;
	v1 =	vld [tilespmem:s29+$0x18460]  }
0x198: {  	s0 =	sor.u32 s2, s0;
	v3 =	vld [tilespmem:s29+$0x4460]  }
0x199: {  	v7 =	vld [tilespmem:s0+$0x18470];
	[tilespmem:s29+$0x18430] =	vst v0;
	v0 =	vadd.f32 v6, v2  }
0x19a: {  	v2 =	vld [tilespmem:s0+$0x4470]  }
0x19b: {  	v6 =	vld [tilespmem:s0+$0x18000];
	[tilespmem:s29+$0x18440] =	vst v0;
	v0 =	vadd.f32 v5, v4  }
0x19c: {  	v4 =	vld [tilespmem:s0+$0x4000]  }
0x19d: {  	v5 =	vld [tilespmem:s0+$0x18010];
	[tilespmem:s29+$0x18450] =	vst v0;
	v0 =	vadd.f32 v3, v1  }
0x19e: {  	v1 =	vld [tilespmem:s0+$0x4010]  }
0x19f: {  	v3 =	vld [tilespmem:s0+$0x18020];
	v2 =	vadd.f32 v2, v7;
	[tilespmem:s29+$0x18460] =	vst v0;
	s29 =	smov.u32 s0  }
0x1a0: {  	v0 =	vld [tilespmem:s29+$0x4020]  }
0x1a1: {  	v4 =	vadd.f32 v4, v6;
	v6 =	vld [tilespmem:s29+$0x18030];
	[tilespmem:s29+$0x18470] =	vst v2  }
0x1a2: {  	v2 =	vld [tilespmem:s29+$0x4030]  }
0x1a3: {  	[tilespmem:s29+$0x18000] =	vst v4;
	v1 =	vadd.f32 v1, v5;
	v4 =	vld [tilespmem:s29+$0x18040]  }
0x1a4: {  	v5 =	vld [tilespmem:s29+$0x4040]  }
0x1a5: {  	[tilespmem:s29+$0x18010] =	vst v1;
	v0 =	vadd.f32 v0, v3;
	v1 =	vld [tilespmem:s29+$0x18050]  }
0x1a6: {  	v3 =	vld [tilespmem:s29+$0x4050]  }
0x1a7: {  	[tilespmem:s29+$0x18020] =	vst v0;
	v0 =	vadd.f32 v2, v6;
	v2 =	vld [tilespmem:s29+$0x18060]  }
0x1a8: {  	v6 =	vld [tilespmem:s29+$0x4060]  }
0x1a9: {  	[tilespmem:s29+$0x18030] =	vst v0;
	v0 =	vadd.f32 v5, v4;
	v4 =	vld [tilespmem:s29+$0x18070]  }
0x1aa: {  	v5 =	vld [tilespmem:s29+$0x4070]  }
0x1ab: {  	[tilespmem:s29+$0x18040] =	vst v0;
	v0 =	vadd.f32 v3, v1;
	v3 =	vld [tilespmem:s29+$0x18400]  }
0x1ac: {  	v7 =	vld [tilespmem:s29+$0x4400]  }
0x1ad: {  	[tilespmem:s29+$0x18050] =	vst v0;
	v0 =	vadd.f32 v6, v2;
	v2 =	vld [tilespmem:s29+$0x18410]  }
0x1ae: {  	v6 =	vld [tilespmem:s29+$0x4410]  }
.Ltmp4:
0x1af: {  	[tilespmem:s29+$0x18060] =	vst v0;
	v0 =	vadd.f32 v5, v4;
	v1 =	vld [tilespmem:s29+$0x18420];
	(pc) =	sbr.rel @p0 .LBB2_10-.Ltmp4, $4  }
0x1b0: {  	v4 =	vld [tilespmem:s29+$0x4420]  }
0x1b1: {  	[tilespmem:s29+$0x18070] =	vst v0;
	v5 =	vadd.f32 v7, v3;
	v0 =	vld [tilespmem:s29+$0x18430]  }
0x1b2: {  	v3 =	vld [tilespmem:s29+$0x4430]  }
0x1b3: {  	[tilespmem:s29+$0x18400] =	vst v5;
	v5 =	vadd.f32 v6, v2;
	v2 =	vld [tilespmem:s29+$0x18440]  }
0x1b4: {  	v6 =	vld [tilespmem:s29+$0x4440]  }
0x1b5: {  	v7 =	vld [tilespmem:s29+$0x18450]  }
0x1b6: {  	v8 =	vld [tilespmem:s29+$0x4450]  }
0x1b7: {  	v9 =	vld [tilespmem:s29+$0x18460]  }
0x1b8: {  	v10 =	vld [tilespmem:s29+$0x4460]  }
0x1b9: {  	v1 =	vadd.f32 v4, v1  }
0x1ba: {  	[tilespmem:s29+$0x18410] =	vst v5;
	v0 =	vadd.f32 v3, v0  }
0x1bb: {  	[tilespmem:s29+$0x18420] =	vst v1;
	v1 =	vadd.f32 v6, v2  }
0x1bc: {  	[tilespmem:s29+$0x18430] =	vst v0;
	v0 =	vadd.f32 v8, v7  }
0x1bd: {  	[tilespmem:s29+$0x18440] =	vst v1;
	v1 =	vadd.f32 v10, v9  }
0x1be: {  	[tilespmem:s29+$0x18450] =	vst v0  }
0x1bf: {  	[tilespmem:s29+$0x18460] =	vst v1  }
0x1c0: {  	s29 =	simm.s32 $0x0;
	s0 =	rddreg [dreg:$0x10]  }
0x1c1: {  	[hbm4b:s0+s29] =	stream.linear.scatter [tilespmem:s16], [sflag:$0xC], $0x4000, $0x38;
	[tilespmem:$0x1C000] =	vst v63  }
0x1c2: {  	_ =	swait.ge [sflag:s23], $0x4000  }
0x1c3: {  	s2 =	simm.s32 $0x0;
	[sflag:s23] =	ssyncset.done $0x0  }
0x1c4: {  	s28 =	simm.s32 $0x0;
	s31 =	rddreg [dreg:$0x11];
	[sflag:s23] =	ssyncadd.s32 $0xFFFFC000  }
0x1c5: {  	[tilespmem:s11], [sflag:$0x5] =	stream.linear.gather [hbm4b:s31+s29], $0x4000, $0x38;
	[tilespmem:$0x1C000] =	vst v63  }
0x1c6: {  	s0 =	sand.u32 $0x2000, s2;
	s2 =	sand.u32 $0x1800, s29;
	_ =	swait.ge [sflag:s13], $0x4000  }
0x1c7: {  	s0 =	sor.u32 s2, s0;
	s31 =	sand.u32 $0x380, s28;
	[sflag:s13] =	ssyncset.done $0x0  }
0x1c8: {  	s28 =	sor.u32 s31, s0;
	[sflag:s13] =	ssyncadd.s32 $0xFFFFC000  }
0x1c9: {  	v0 =	vld [tilespmem:s28+$0x8470]  }
0x1ca: {  	v1 =	vld [tilespmem:s28+$0x4470]  }
0x1cb: {  	v2 =	vld [tilespmem:s28+$0x8000]  }
0x1cc: {  	v3 =	vld [tilespmem:s28+$0x4000]  }
0x1cd: {  	v4 =	vld [tilespmem:s28+$0x8010]  }
0x1ce: {  	v5 =	vld [tilespmem:s28+$0x4010]  }
0x1cf: {  	v6 =	vld [tilespmem:s28+$0x8020]  }
0x1d0: {  	v7 =	vld [tilespmem:s28+$0x4020]  }
0x1d1: {  	v60 =	vld [tilespmem:s28+$0x8030]  }
0x1d2: {  	v61 =	vld [tilespmem:s28+$0x4030]  }
0x1d3: {  	v62 =	vld [tilespmem:s28+$0x8040]  }
0x1d4: {  	v11 =	vld [tilespmem:s28+$0x4040]  }
0x1d5: {  	v12 =	vld [tilespmem:s28+$0x8050]  }
0x1d6: {  	v13 =	vld [tilespmem:s28+$0x4050]  }
0x1d7: {  	v14 =	vld [tilespmem:s28+$0x8060]  }
0x1d8: {  	v0 =	vadd.f32 v1, v0;
	v1 =	vld [tilespmem:s28+$0x4060]  }
0x1d9: {  	v2 =	vadd.f32 v3, v2;
	v3 =	vld [tilespmem:s28+$0x8070]  }
0x1da: {  	[tilespmem:s28+$0x8470] =	vst v0;
	v0 =	vadd.f32 v5, v4;
	v4 =	vld [tilespmem:s28+$0x4070]  }
0x1db: {  	[tilespmem:s28+$0x8000] =	vst v2;
	v2 =	vadd.f32 v7, v6;
	v5 =	vld [tilespmem:s28+$0x8400]  }
0x1dc: {  	v6 =	vld [tilespmem:s28+$0x4400];
	[tilespmem:s28+$0x8010] =	vst v0;
	v0 =	vadd.f32 v61, v60  }
0x1dd: {  	v63 =	vld [tilespmem:s28+$0x4410];
	[tilespmem:s28+$0x8020] =	vst v2;
	v2 =	vadd.f32 v11, v62  }
0x1de: {  	v7 =	vld [tilespmem:s28+$0x8410];
	[tilespmem:s28+$0x8030] =	vst v0;
	v0 =	vadd.f32 v13, v12  }
0x1df: {  	[tilespmem:s28+$0x8040] =	vst v2;
	v2 =	vadd.f32 v1, v14;
	v1 =	vld [tilespmem:s28+$0x8420]  }
0x1e0: {  	v3 =	vadd.f32 v4, v3;
	v4 =	vld [tilespmem:s28+$0x4420];
	[tilespmem:s28+$0x8050] =	vst v0  }
0x1e1: {  	[tilespmem:s28+$0x8060] =	vst v2;
	v2 =	vadd.f32 v6, v5;
	v0 =	vld [tilespmem:s28+$0x8430]  }
0x1e2: {  	[tilespmem:s28+$0x8070] =	vst v3;
	v3 =	vld [tilespmem:s28+$0x4430]  }
0x1e3: {  	s30 =	simm.s32 $0x0;
	v5 =	vadd.f32 v63, v7;
	[tilespmem:s28+$0x8400] =	vst v2;
	v2 =	vld [tilespmem:s28+$0x8440]  }
.LBB2_12:
0x1e4: {  	s30 =	sadd.s32 $0x10, s30;
	v6 =	vld [tilespmem:s28+$0x4440]  }
0x1e5: {  	s29 =	sadd.s32 $0x800, s29;
	s0 =	sshll.u32 s30, $0x4;
	p0 =	slt.u32 s30, $0x3F0;
	[tilespmem:s28+$0x8410] =	vst v5;
	v1 =	vadd.f32 v4, v1;
	v4 =	vld [tilespmem:s28+$0x8450]  }
0x1e6: {  	s2 =	sand.u32 $0x1800, s29;
	s31 =	sshll.u32 s30, $0x1;
	s0 =	sand.u32 $0x2000, s0;
	v5 =	vld [tilespmem:s28+$0x4450]  }
0x1e7: {  	s0 =	sor.u32 s2, s0;
	s2 =	sand.u32 $0x380, s31;
	[tilespmem:s28+$0x8420] =	vst v1;
	v0 =	vadd.f32 v3, v0;
	v1 =	vld [tilespmem:s28+$0x8460]  }
0x1e8: {  	s0 =	sor.u32 s2, s0;
	v3 =	vld [tilespmem:s28+$0x4460]  }
0x1e9: {  	v7 =	vld [tilespmem:s0+$0x8470];
	[tilespmem:s28+$0x8430] =	vst v0;
	v0 =	vadd.f32 v6, v2  }
0x1ea: {  	v2 =	vld [tilespmem:s0+$0x4470]  }
0x1eb: {  	v6 =	vld [tilespmem:s0+$0x8000];
	[tilespmem:s28+$0x8440] =	vst v0;
	v0 =	vadd.f32 v5, v4  }
0x1ec: {  	v4 =	vld [tilespmem:s0+$0x4000]  }
0x1ed: {  	v5 =	vld [tilespmem:s0+$0x8010];
	[tilespmem:s28+$0x8450] =	vst v0;
	v0 =	vadd.f32 v3, v1  }
0x1ee: {  	v1 =	vld [tilespmem:s0+$0x4010]  }
0x1ef: {  	v3 =	vld [tilespmem:s0+$0x8020];
	v2 =	vadd.f32 v2, v7;
	[tilespmem:s28+$0x8460] =	vst v0;
	s28 =	smov.u32 s0  }
0x1f0: {  	v0 =	vld [tilespmem:s28+$0x4020]  }
0x1f1: {  	v4 =	vadd.f32 v4, v6;
	v6 =	vld [tilespmem:s28+$0x8030];
	[tilespmem:s28+$0x8470] =	vst v2  }
0x1f2: {  	v2 =	vld [tilespmem:s28+$0x4030]  }
0x1f3: {  	[tilespmem:s28+$0x8000] =	vst v4;
	v1 =	vadd.f32 v1, v5;
	v4 =	vld [tilespmem:s28+$0x8040]  }
0x1f4: {  	v5 =	vld [tilespmem:s28+$0x4040]  }
0x1f5: {  	[tilespmem:s28+$0x8010] =	vst v1;
	v0 =	vadd.f32 v0, v3;
	v1 =	vld [tilespmem:s28+$0x8050]  }
0x1f6: {  	v3 =	vld [tilespmem:s28+$0x4050]  }
0x1f7: {  	[tilespmem:s28+$0x8020] =	vst v0;
	v0 =	vadd.f32 v2, v6;
	v2 =	vld [tilespmem:s28+$0x8060]  }
0x1f8: {  	v6 =	vld [tilespmem:s28+$0x4060]  }
0x1f9: {  	[tilespmem:s28+$0x8030] =	vst v0;
	v0 =	vadd.f32 v5, v4;
	v4 =	vld [tilespmem:s28+$0x8070]  }
0x1fa: {  	v5 =	vld [tilespmem:s28+$0x4070]  }
0x1fb: {  	[tilespmem:s28+$0x8040] =	vst v0;
	v0 =	vadd.f32 v3, v1;
	v3 =	vld [tilespmem:s28+$0x8400]  }
0x1fc: {  	v7 =	vld [tilespmem:s28+$0x4400]  }
0x1fd: {  	[tilespmem:s28+$0x8050] =	vst v0;
	v0 =	vadd.f32 v6, v2;
	v2 =	vld [tilespmem:s28+$0x8410]  }
0x1fe: {  	v6 =	vld [tilespmem:s28+$0x4410]  }
.Ltmp5:
0x1ff: {  	[tilespmem:s28+$0x8060] =	vst v0;
	v0 =	vadd.f32 v5, v4;
	v1 =	vld [tilespmem:s28+$0x8420];
	(pc) =	sbr.rel @p0 .LBB2_12-.Ltmp5, $4  }
0x200: {  	v4 =	vld [tilespmem:s28+$0x4420]  }
0x201: {  	[tilespmem:s28+$0x8070] =	vst v0;
	v5 =	vadd.f32 v7, v3;
	v0 =	vld [tilespmem:s28+$0x8430]  }
0x202: {  	v3 =	vld [tilespmem:s28+$0x4430]  }
0x203: {  	[tilespmem:s28+$0x8400] =	vst v5;
	v5 =	vadd.f32 v6, v2;
	v2 =	vld [tilespmem:s28+$0x8440]  }
0x204: {  	v6 =	vld [tilespmem:s28+$0x4440]  }
0x205: {  	v7 =	vld [tilespmem:s28+$0x8450]  }
0x206: {  	v8 =	vld [tilespmem:s28+$0x4450]  }
0x207: {  	v9 =	vld [tilespmem:s28+$0x8460]  }
0x208: {  	v10 =	vld [tilespmem:s28+$0x4460]  }
0x209: {  	v1 =	vadd.f32 v4, v1  }
0x20a: {  	[tilespmem:s28+$0x8410] =	vst v5;
	v0 =	vadd.f32 v3, v0  }
0x20b: {  	[tilespmem:s28+$0x8420] =	vst v1;
	v1 =	vadd.f32 v6, v2  }
0x20c: {  	[tilespmem:s28+$0x8430] =	vst v0;
	v0 =	vadd.f32 v8, v7  }
0x20d: {  	[tilespmem:s28+$0x8440] =	vst v1;
	v1 =	vadd.f32 v10, v9  }
0x20e: {  	[tilespmem:s28+$0x8450] =	vst v0  }
0x20f: {  	[tilespmem:s28+$0x8460] =	vst v1  }
0x210: {  	s29 =	simm.s32 $0x0;
	s0 =	rddreg [dreg:$0x12]  }
0x211: {  	[hbm4b:s0+s29] =	stream.linear.scatter [tilespmem:s9], [sflag:$0x8], $0x4000, $0x38;
	[tilespmem:$0x1C000] =	vst v63  }
0x212: {  	_ =	swait.ge [sflag:s24], $0x4000  }
0x213: {  	s2 =	simm.s32 $0x0;
	[sflag:s24] =	ssyncset.done $0x0  }
0x214: {  	s28 =	simm.s32 $0x0;
	s31 =	rddreg [dreg:$0x16];
	[sflag:s24] =	ssyncadd.s32 $0xFFFFC000  }
0x215: {  	[tilespmem:s14], [sflag:$0x6] =	stream.linear.gather [hbm4b:s31+s29], $0x4000, $0x38;
	[tilespmem:$0x1C000] =	vst v63  }
0x216: {  	s0 =	sand.u32 $0x2000, s2;
	s2 =	sand.u32 $0x1800, s29;
	_ =	swait.ge [sflag:s15], $0x4000  }
0x217: {  	s0 =	sor.u32 s2, s0;
	s31 =	sand.u32 $0x380, s28;
	[sflag:s15] =	ssyncset.done $0x0  }
0x218: {  	s28 =	sor.u32 s31, s0;
	[sflag:s15] =	ssyncadd.s32 $0xFFFFC000  }
0x219: {  	v0 =	vld [tilespmem:s28+$0xC470]  }
0x21a: {  	v1 =	vld [tilespmem:s28+$0x4470]  }
0x21b: {  	v2 =	vld [tilespmem:s28+$0xC000]  }
0x21c: {  	v3 =	vld [tilespmem:s28+$0x4000]  }
0x21d: {  	v4 =	vld [tilespmem:s28+$0xC010]  }
0x21e: {  	v5 =	vld [tilespmem:s28+$0x4010]  }
0x21f: {  	v6 =	vld [tilespmem:s28+$0xC020]  }
0x220: {  	v7 =	vld [tilespmem:s28+$0x4020]  }
0x221: {  	v60 =	vld [tilespmem:s28+$0xC030]  }
0x222: {  	v61 =	vld [tilespmem:s28+$0x4030]  }
0x223: {  	v62 =	vld [tilespmem:s28+$0xC040]  }
0x224: {  	v11 =	vld [tilespmem:s28+$0x4040]  }
0x225: {  	v12 =	vld [tilespmem:s28+$0xC050]  }
0x226: {  	v13 =	vld [tilespmem:s28+$0x4050]  }
0x227: {  	v14 =	vld [tilespmem:s28+$0xC060]  }
0x228: {  	v0 =	vadd.f32 v1, v0;
	v1 =	vld [tilespmem:s28+$0x4060]  }
0x229: {  	v2 =	vadd.f32 v3, v2;
	v3 =	vld [tilespmem:s28+$0xC070]  }
0x22a: {  	[tilespmem:s28+$0xC470] =	vst v0;
	v0 =	vadd.f32 v5, v4;
	v4 =	vld [tilespmem:s28+$0x4070]  }
0x22b: {  	[tilespmem:s28+$0xC000] =	vst v2;
	v2 =	vadd.f32 v7, v6;
	v5 =	vld [tilespmem:s28+$0xC400]  }
0x22c: {  	v6 =	vld [tilespmem:s28+$0x4400];
	[tilespmem:s28+$0xC010] =	vst v0;
	v0 =	vadd.f32 v61, v60  }
0x22d: {  	v63 =	vld [tilespmem:s28+$0x4410];
	[tilespmem:s28+$0xC020] =	vst v2;
	v2 =	vadd.f32 v11, v62  }
0x22e: {  	v7 =	vld [tilespmem:s28+$0xC410];
	[tilespmem:s28+$0xC030] =	vst v0;
	v0 =	vadd.f32 v13, v12  }
0x22f: {  	[tilespmem:s28+$0xC040] =	vst v2;
	v2 =	vadd.f32 v1, v14;
	v1 =	vld [tilespmem:s28+$0xC420]  }
0x230: {  	v3 =	vadd.f32 v4, v3;
	v4 =	vld [tilespmem:s28+$0x4420];
	[tilespmem:s28+$0xC050] =	vst v0  }
0x231: {  	[tilespmem:s28+$0xC060] =	vst v2;
	v2 =	vadd.f32 v6, v5;
	v0 =	vld [tilespmem:s28+$0xC430]  }
0x232: {  	[tilespmem:s28+$0xC070] =	vst v3;
	v3 =	vld [tilespmem:s28+$0x4430]  }
0x233: {  	s30 =	simm.s32 $0x0;
	v5 =	vadd.f32 v63, v7;
	[tilespmem:s28+$0xC400] =	vst v2;
	v2 =	vld [tilespmem:s28+$0xC440]  }
.LBB2_14:
0x234: {  	s30 =	sadd.s32 $0x10, s30;
	v6 =	vld [tilespmem:s28+$0x4440]  }
0x235: {  	s29 =	sadd.s32 $0x800, s29;
	s0 =	sshll.u32 s30, $0x4;
	p0 =	slt.u32 s30, $0x3F0;
	[tilespmem:s28+$0xC410] =	vst v5;
	v1 =	vadd.f32 v4, v1;
	v4 =	vld [tilespmem:s28+$0xC450]  }
0x236: {  	s2 =	sand.u32 $0x1800, s29;
	s31 =	sshll.u32 s30, $0x1;
	s0 =	sand.u32 $0x2000, s0;
	v5 =	vld [tilespmem:s28+$0x4450]  }
0x237: {  	s0 =	sor.u32 s2, s0;
	s2 =	sand.u32 $0x380, s31;
	[tilespmem:s28+$0xC420] =	vst v1;
	v0 =	vadd.f32 v3, v0;
	v1 =	vld [tilespmem:s28+$0xC460]  }
0x238: {  	s0 =	sor.u32 s2, s0;
	v3 =	vld [tilespmem:s28+$0x4460]  }
0x239: {  	v7 =	vld [tilespmem:s0+$0xC470];
	[tilespmem:s28+$0xC430] =	vst v0;
	v0 =	vadd.f32 v6, v2  }
0x23a: {  	v2 =	vld [tilespmem:s0+$0x4470]  }
0x23b: {  	v6 =	vld [tilespmem:s0+$0xC000];
	[tilespmem:s28+$0xC440] =	vst v0;
	v0 =	vadd.f32 v5, v4  }
0x23c: {  	v4 =	vld [tilespmem:s0+$0x4000]  }
0x23d: {  	v5 =	vld [tilespmem:s0+$0xC010];
	[tilespmem:s28+$0xC450] =	vst v0;
	v0 =	vadd.f32 v3, v1  }
0x23e: {  	v1 =	vld [tilespmem:s0+$0x4010]  }
0x23f: {  	v3 =	vld [tilespmem:s0+$0xC020];
	v2 =	vadd.f32 v2, v7;
	[tilespmem:s28+$0xC460] =	vst v0;
	s28 =	smov.u32 s0  }
0x240: {  	v0 =	vld [tilespmem:s28+$0x4020]  }
0x241: {  	v4 =	vadd.f32 v4, v6;
	v6 =	vld [tilespmem:s28+$0xC030];
	[tilespmem:s28+$0xC470] =	vst v2  }
0x242: {  	v2 =	vld [tilespmem:s28+$0x4030]  }
0x243: {  	[tilespmem:s28+$0xC000] =	vst v4;
	v1 =	vadd.f32 v1, v5;
	v4 =	vld [tilespmem:s28+$0xC040]  }
0x244: {  	v5 =	vld [tilespmem:s28+$0x4040]  }
0x245: {  	[tilespmem:s28+$0xC010] =	vst v1;
	v0 =	vadd.f32 v0, v3;
	v1 =	vld [tilespmem:s28+$0xC050]  }
0x246: {  	v3 =	vld [tilespmem:s28+$0x4050]  }
0x247: {  	[tilespmem:s28+$0xC020] =	vst v0;
	v0 =	vadd.f32 v2, v6;
	v2 =	vld [tilespmem:s28+$0xC060]  }
0x248: {  	v6 =	vld [tilespmem:s28+$0x4060]  }
0x249: {  	[tilespmem:s28+$0xC030] =	vst v0;
	v0 =	vadd.f32 v5, v4;
	v4 =	vld [tilespmem:s28+$0xC070]  }
0x24a: {  	v5 =	vld [tilespmem:s28+$0x4070]  }
0x24b: {  	[tilespmem:s28+$0xC040] =	vst v0;
	v0 =	vadd.f32 v3, v1;
	v3 =	vld [tilespmem:s28+$0xC400]  }
0x24c: {  	v7 =	vld [tilespmem:s28+$0x4400]  }
0x24d: {  	[tilespmem:s28+$0xC050] =	vst v0;
	v0 =	vadd.f32 v6, v2;
	v2 =	vld [tilespmem:s28+$0xC410]  }
0x24e: {  	v6 =	vld [tilespmem:s28+$0x4410]  }
.Ltmp6:
0x24f: {  	[tilespmem:s28+$0xC060] =	vst v0;
	v0 =	vadd.f32 v5, v4;
	v1 =	vld [tilespmem:s28+$0xC420];
	(pc) =	sbr.rel @p0 .LBB2_14-.Ltmp6, $4  }
0x250: {  	v4 =	vld [tilespmem:s28+$0x4420]  }
0x251: {  	[tilespmem:s28+$0xC070] =	vst v0;
	v5 =	vadd.f32 v7, v3;
	v0 =	vld [tilespmem:s28+$0xC430]  }
0x252: {  	v3 =	vld [tilespmem:s28+$0x4430]  }
0x253: {  	[tilespmem:s28+$0xC400] =	vst v5;
	v5 =	vadd.f32 v6, v2;
	v2 =	vld [tilespmem:s28+$0xC440]  }
0x254: {  	v6 =	vld [tilespmem:s28+$0x4440]  }
0x255: {  	v7 =	vld [tilespmem:s28+$0xC450]  }
0x256: {  	v8 =	vld [tilespmem:s28+$0x4450]  }
0x257: {  	v9 =	vld [tilespmem:s28+$0xC460]  }
0x258: {  	v10 =	vld [tilespmem:s28+$0x4460]  }
0x259: {  	v1 =	vadd.f32 v4, v1  }
0x25a: {  	[tilespmem:s28+$0xC410] =	vst v5;
	v0 =	vadd.f32 v3, v0  }
0x25b: {  	[tilespmem:s28+$0xC420] =	vst v1;
	v1 =	vadd.f32 v6, v2  }
0x25c: {  	[tilespmem:s28+$0xC430] =	vst v0;
	v0 =	vadd.f32 v8, v7  }
0x25d: {  	[tilespmem:s28+$0xC440] =	vst v1;
	v1 =	vadd.f32 v10, v9  }
0x25e: {  	[tilespmem:s28+$0xC450] =	vst v0  }
0x25f: {  	[tilespmem:s28+$0xC460] =	vst v1  }
0x260: {  	s29 =	simm.s32 $0x0;
	s0 =	rddreg [dreg:$0x13]  }
0x261: {  	[hbm4b:s0+s29] =	stream.linear.scatter [tilespmem:s10], [sflag:$0x9], $0x4000, $0x38;
	[tilespmem:$0x1C000] =	vst v63  }
0x262: {  	_ =	swait.ge [sflag:s25], $0x4000  }
0x263: {  	s2 =	simm.s32 $0x0;
	[sflag:s25] =	ssyncset.done $0x0  }
0x264: {  	s28 =	simm.s32 $0x0;
	s31 =	rddreg [dreg:$0x18];
	[sflag:s25] =	ssyncadd.s32 $0xFFFFC000  }
0x265: {  	[tilespmem:s16], [sflag:$0x7] =	stream.linear.gather [hbm4b:s31+s29], $0x4000, $0x38;
	[tilespmem:$0x1C000] =	vst v63  }
0x266: {  	s0 =	sand.u32 $0x2000, s2;
	s2 =	sand.u32 $0x1800, s29;
	_ =	swait.ge [sflag:s17], $0x4000  }
0x267: {  	s0 =	sor.u32 s2, s0;
	s31 =	sand.u32 $0x380, s28;
	[sflag:s17] =	ssyncset.done $0x0  }
0x268: {  	s28 =	sor.u32 s31, s0;
	[sflag:s17] =	ssyncadd.s32 $0xFFFFC000  }
0x269: {  	v0 =	vld [tilespmem:s28+$0x10470]  }
0x26a: {  	v1 =	vld [tilespmem:s28+$0x4470]  }
0x26b: {  	v2 =	vld [tilespmem:s28+$0x10000]  }
0x26c: {  	v3 =	vld [tilespmem:s28+$0x4000]  }
0x26d: {  	v4 =	vld [tilespmem:s28+$0x10010]  }
0x26e: {  	v5 =	vld [tilespmem:s28+$0x4010]  }
0x26f: {  	v6 =	vld [tilespmem:s28+$0x10020]  }
0x270: {  	v7 =	vld [tilespmem:s28+$0x4020]  }
0x271: {  	v60 =	vld [tilespmem:s28+$0x10030]  }
0x272: {  	v61 =	vld [tilespmem:s28+$0x4030]  }
0x273: {  	v62 =	vld [tilespmem:s28+$0x10040]  }
0x274: {  	v11 =	vld [tilespmem:s28+$0x4040]  }
0x275: {  	v12 =	vld [tilespmem:s28+$0x10050]  }
0x276: {  	v13 =	vld [tilespmem:s28+$0x4050]  }
0x277: {  	v14 =	vld [tilespmem:s28+$0x10060]  }
0x278: {  	v0 =	vadd.f32 v1, v0;
	v1 =	vld [tilespmem:s28+$0x4060]  }
0x279: {  	v2 =	vadd.f32 v3, v2;
	v3 =	vld [tilespmem:s28+$0x10070]  }
0x27a: {  	[tilespmem:s28+$0x10470] =	vst v0;
	v0 =	vadd.f32 v5, v4;
	v4 =	vld [tilespmem:s28+$0x4070]  }
0x27b: {  	[tilespmem:s28+$0x10000] =	vst v2;
	v2 =	vadd.f32 v7, v6;
	v5 =	vld [tilespmem:s28+$0x10400]  }
0x27c: {  	v6 =	vld [tilespmem:s28+$0x4400];
	[tilespmem:s28+$0x10010] =	vst v0;
	v0 =	vadd.f32 v61, v60  }
0x27d: {  	v63 =	vld [tilespmem:s28+$0x4410];
	[tilespmem:s28+$0x10020] =	vst v2;
	v2 =	vadd.f32 v11, v62  }
0x27e: {  	v7 =	vld [tilespmem:s28+$0x10410];
	[tilespmem:s28+$0x10030] =	vst v0;
	v0 =	vadd.f32 v13, v12  }
0x27f: {  	[tilespmem:s28+$0x10040] =	vst v2;
	v2 =	vadd.f32 v1, v14;
	v1 =	vld [tilespmem:s28+$0x10420]  }
0x280: {  	v3 =	vadd.f32 v4, v3;
	v4 =	vld [tilespmem:s28+$0x4420];
	[tilespmem:s28+$0x10050] =	vst v0  }
0x281: {  	[tilespmem:s28+$0x10060] =	vst v2;
	v2 =	vadd.f32 v6, v5;
	v0 =	vld [tilespmem:s28+$0x10430]  }
0x282: {  	[tilespmem:s28+$0x10070] =	vst v3;
	v3 =	vld [tilespmem:s28+$0x4430]  }
0x283: {  	s30 =	simm.s32 $0x0;
	v5 =	vadd.f32 v63, v7;
	[tilespmem:s28+$0x10400] =	vst v2;
	v2 =	vld [tilespmem:s28+$0x10440]  }
.LBB2_16:
0x284: {  	s30 =	sadd.s32 $0x10, s30;
	v6 =	vld [tilespmem:s28+$0x4440]  }
0x285: {  	s29 =	sadd.s32 $0x800, s29;
	s0 =	sshll.u32 s30, $0x4;
	p0 =	slt.u32 s30, $0x3F0;
	[tilespmem:s28+$0x10410] =	vst v5;
	v1 =	vadd.f32 v4, v1;
	v4 =	vld [tilespmem:s28+$0x10450]  }
0x286: {  	s2 =	sand.u32 $0x1800, s29;
	s31 =	sshll.u32 s30, $0x1;
	s0 =	sand.u32 $0x2000, s0;
	v5 =	vld [tilespmem:s28+$0x4450]  }
0x287: {  	s0 =	sor.u32 s2, s0;
	s2 =	sand.u32 $0x380, s31;
	[tilespmem:s28+$0x10420] =	vst v1;
	v0 =	vadd.f32 v3, v0;
	v1 =	vld [tilespmem:s28+$0x10460]  }
0x288: {  	s0 =	sor.u32 s2, s0;
	v3 =	vld [tilespmem:s28+$0x4460]  }
0x289: {  	v7 =	vld [tilespmem:s0+$0x10470];
	[tilespmem:s28+$0x10430] =	vst v0;
	v0 =	vadd.f32 v6, v2  }
0x28a: {  	v2 =	vld [tilespmem:s0+$0x4470]  }
0x28b: {  	v6 =	vld [tilespmem:s0+$0x10000];
	[tilespmem:s28+$0x10440] =	vst v0;
	v0 =	vadd.f32 v5, v4  }
0x28c: {  	v4 =	vld [tilespmem:s0+$0x4000]  }
0x28d: {  	v5 =	vld [tilespmem:s0+$0x10010];
	[tilespmem:s28+$0x10450] =	vst v0;
	v0 =	vadd.f32 v3, v1  }
0x28e: {  	v1 =	vld [tilespmem:s0+$0x4010]  }
0x28f: {  	v3 =	vld [tilespmem:s0+$0x10020];
	v2 =	vadd.f32 v2, v7;
	[tilespmem:s28+$0x10460] =	vst v0;
	s28 =	smov.u32 s0  }
0x290: {  	v0 =	vld [tilespmem:s28+$0x4020]  }
0x291: {  	v4 =	vadd.f32 v4, v6;
	v6 =	vld [tilespmem:s28+$0x10030];
	[tilespmem:s28+$0x10470] =	vst v2  }
0x292: {  	v2 =	vld [tilespmem:s28+$0x4030]  }
0x293: {  	[tilespmem:s28+$0x10000] =	vst v4;
	v1 =	vadd.f32 v1, v5;
	v4 =	vld [tilespmem:s28+$0x10040]  }
0x294: {  	v5 =	vld [tilespmem:s28+$0x4040]  }
0x295: {  	[tilespmem:s28+$0x10010] =	vst v1;
	v0 =	vadd.f32 v0, v3;
	v1 =	vld [tilespmem:s28+$0x10050]  }
0x296: {  	v3 =	vld [tilespmem:s28+$0x4050]  }
0x297: {  	[tilespmem:s28+$0x10020] =	vst v0;
	v0 =	vadd.f32 v2, v6;
	v2 =	vld [tilespmem:s28+$0x10060]  }
0x298: {  	v6 =	vld [tilespmem:s28+$0x4060]  }
0x299: {  	[tilespmem:s28+$0x10030] =	vst v0;
	v0 =	vadd.f32 v5, v4;
	v4 =	vld [tilespmem:s28+$0x10070]  }
0x29a: {  	v5 =	vld [tilespmem:s28+$0x4070]  }
0x29b: {  	[tilespmem:s28+$0x10040] =	vst v0;
	v0 =	vadd.f32 v3, v1;
	v3 =	vld [tilespmem:s28+$0x10400]  }
0x29c: {  	v7 =	vld [tilespmem:s28+$0x4400]  }
0x29d: {  	[tilespmem:s28+$0x10050] =	vst v0;
	v0 =	vadd.f32 v6, v2;
	v2 =	vld [tilespmem:s28+$0x10410]  }
0x29e: {  	v6 =	vld [tilespmem:s28+$0x4410]  }
.Ltmp7:
0x29f: {  	[tilespmem:s28+$0x10060] =	vst v0;
	v0 =	vadd.f32 v5, v4;
	v1 =	vld [tilespmem:s28+$0x10420];
	(pc) =	sbr.rel @p0 .LBB2_16-.Ltmp7, $4  }
0x2a0: {  	v4 =	vld [tilespmem:s28+$0x4420]  }
0x2a1: {  	[tilespmem:s28+$0x10070] =	vst v0;
	v5 =	vadd.f32 v7, v3;
	v0 =	vld [tilespmem:s28+$0x10430]  }
0x2a2: {  	v3 =	vld [tilespmem:s28+$0x4430]  }
0x2a3: {  	[tilespmem:s28+$0x10400] =	vst v5;
	v5 =	vadd.f32 v6, v2;
	v2 =	vld [tilespmem:s28+$0x10440]  }
0x2a4: {  	v6 =	vld [tilespmem:s28+$0x4440]  }
0x2a5: {  	v7 =	vld [tilespmem:s28+$0x10450]  }
0x2a6: {  	v8 =	vld [tilespmem:s28+$0x4450]  }
0x2a7: {  	v9 =	vld [tilespmem:s28+$0x10460]  }
0x2a8: {  	v10 =	vld [tilespmem:s28+$0x4460]  }
0x2a9: {  	v1 =	vadd.f32 v4, v1  }
0x2aa: {  	[tilespmem:s28+$0x10410] =	vst v5;
	v0 =	vadd.f32 v3, v0  }
0x2ab: {  	[tilespmem:s28+$0x10420] =	vst v1;
	v1 =	vadd.f32 v6, v2  }
0x2ac: {  	[tilespmem:s28+$0x10430] =	vst v0;
	v0 =	vadd.f32 v8, v7  }
0x2ad: {  	[tilespmem:s28+$0x10440] =	vst v1;
	v1 =	vadd.f32 v10, v9  }
0x2ae: {  	[tilespmem:s28+$0x10450] =	vst v0  }
0x2af: {  	[tilespmem:s28+$0x10460] =	vst v1  }
0x2b0: {  	s28 =	simm.s32 $0x0;
	s0 =	rddreg [dreg:$0x14]  }
0x2b1: {  	[hbm4b:s0+s28] =	stream.linear.scatter [tilespmem:s11], [sflag:$0xA], $0x4000, $0x38;
	[tilespmem:$0x1C000] =	vst v63  }
0x2b2: {  	_ =	swait.ge [sflag:s18], $0x4000  }
0x2b3: {  	[sflag:s18] =	ssyncset.done $0x0  }
0x2b4: {  	s2 =	rddreg [dreg:$0x1a];
	[sflag:s18] =	ssyncadd.s32 $0xFFFFC000  }
0x2b5: {  	[tilespmem:s9], [sflag:$0x3] =	stream.linear.gather [hbm4b:s2+s28], $0x4000, $0x38;
	[tilespmem:$0x1C000] =	vst v63  }
0x2b6: {  	_ =	swait.ge [sflag:s12], $0x4000  }
0x2b7: {  	[sflag:s12] =	ssyncset.done $0x0  }
0x2b8: {  	s2 =	simm.s32 $0x4000;
	s31 =	rddreg [dreg:$0x15];
	[sflag:s12] =	ssyncadd.s32 $0xFFFFC000  }
0x2b9: {  	[tilespmem:s2], [sflag:$0x2] =	stream.linear.gather [hbm4b:s31+s28], $0x4000, $0x38;
	[tilespmem:$0x1C000] =	vst v63  }
0x2ba: {  	s29 =	simm.s32 $0x0;
	s2 =	simm.s32 $0x0  }
0x2bb: {  	s31 =	sand.u32 $0x1800, s28;
	_ =	swait.ge [sflag:s19], $0x4000;
	s0 =	sand.u32 $0x2000, s2  }
0x2bc: {  	[sflag:s19] =	ssyncset.done $0x0;
	s0 =	sor.u32 s31, s0;
	s31 =	sand.u32 $0x380, s29  }
0x2bd: {  	[sflag:s19] =	ssyncadd.s32 $0xFFFFC000;
	s29 =	sor.u32 s31, s0  }
0x2be: {  	v0 =	vld [tilespmem:s29+$0x14470]  }
0x2bf: {  	v1 =	vld [tilespmem:s29+$0x470]  }
0x2c0: {  	v2 =	vld [tilespmem:s29+$0x14000]  }
0x2c1: {  	v3 =	vld [tilespmem:s29+$0x0]  }
0x2c2: {  	v4 =	vld [tilespmem:s29+$0x14010]  }
0x2c3: {  	v5 =	vld [tilespmem:s29+$0x10]  }
0x2c4: {  	v6 =	vld [tilespmem:s29+$0x14020]  }
0x2c5: {  	v7 =	vld [tilespmem:s29+$0x20]  }
0x2c6: {  	v60 =	vld [tilespmem:s29+$0x14030]  }
0x2c7: {  	v61 =	vld [tilespmem:s29+$0x30]  }
0x2c8: {  	v62 =	vld [tilespmem:s29+$0x14040]  }
0x2c9: {  	v11 =	vld [tilespmem:s29+$0x40]  }
0x2ca: {  	v12 =	vld [tilespmem:s29+$0x14050]  }
0x2cb: {  	v13 =	vld [tilespmem:s29+$0x50]  }
0x2cc: {  	v14 =	vld [tilespmem:s29+$0x14060]  }
0x2cd: {  	v0 =	vadd.f32 v1, v0;
	v1 =	vld [tilespmem:s29+$0x60]  }
0x2ce: {  	v2 =	vadd.f32 v3, v2;
	v3 =	vld [tilespmem:s29+$0x14070]  }
0x2cf: {  	[tilespmem:s29+$0x14470] =	vst v0;
	v0 =	vadd.f32 v5, v4;
	v4 =	vld [tilespmem:s29+$0x70]  }
0x2d0: {  	[tilespmem:s29+$0x14000] =	vst v2;
	v2 =	vadd.f32 v7, v6;
	v5 =	vld [tilespmem:s29+$0x14400]  }
0x2d1: {  	v6 =	vld [tilespmem:s29+$0x400];
	[tilespmem:s29+$0x14010] =	vst v0;
	v0 =	vadd.f32 v61, v60  }
0x2d2: {  	v63 =	vld [tilespmem:s29+$0x410];
	[tilespmem:s29+$0x14020] =	vst v2;
	v2 =	vadd.f32 v11, v62  }
0x2d3: {  	v7 =	vld [tilespmem:s29+$0x14410];
	[tilespmem:s29+$0x14030] =	vst v0;
	v0 =	vadd.f32 v13, v12  }
0x2d4: {  	[tilespmem:s29+$0x14040] =	vst v2;
	v2 =	vadd.f32 v1, v14;
	v1 =	vld [tilespmem:s29+$0x14420]  }
0x2d5: {  	v3 =	vadd.f32 v4, v3;
	v4 =	vld [tilespmem:s29+$0x420];
	[tilespmem:s29+$0x14050] =	vst v0  }
0x2d6: {  	[tilespmem:s29+$0x14060] =	vst v2;
	v2 =	vadd.f32 v6, v5;
	v0 =	vld [tilespmem:s29+$0x14430]  }
0x2d7: {  	[tilespmem:s29+$0x14070] =	vst v3;
	v3 =	vld [tilespmem:s29+$0x430]  }
0x2d8: {  	s30 =	simm.s32 $0x0;
	v5 =	vadd.f32 v63, v7;
	[tilespmem:s29+$0x14400] =	vst v2;
	v2 =	vld [tilespmem:s29+$0x14440]  }
.LBB2_18:
0x2d9: {  	s30 =	sadd.s32 $0x10, s30;
	v6 =	vld [tilespmem:s29+$0x440]  }
0x2da: {  	s28 =	sadd.s32 $0x800, s28;
	s0 =	sshll.u32 s30, $0x4;
	p0 =	slt.u32 s30, $0x3F0;
	[tilespmem:s29+$0x14410] =	vst v5;
	v1 =	vadd.f32 v4, v1;
	v4 =	vld [tilespmem:s29+$0x14450]  }
0x2db: {  	s2 =	sand.u32 $0x1800, s28;
	s31 =	sshll.u32 s30, $0x1;
	s0 =	sand.u32 $0x2000, s0;
	v5 =	vld [tilespmem:s29+$0x450]  }
0x2dc: {  	s0 =	sor.u32 s2, s0;
	s2 =	sand.u32 $0x380, s31;
	[tilespmem:s29+$0x14420] =	vst v1;
	v0 =	vadd.f32 v3, v0;
	v1 =	vld [tilespmem:s29+$0x14460]  }
0x2dd: {  	s0 =	sor.u32 s2, s0;
	v3 =	vld [tilespmem:s29+$0x460]  }
0x2de: {  	v7 =	vld [tilespmem:s0+$0x14470];
	[tilespmem:s29+$0x14430] =	vst v0;
	v0 =	vadd.f32 v6, v2  }
0x2df: {  	v2 =	vld [tilespmem:s0+$0x470]  }
0x2e0: {  	v6 =	vld [tilespmem:s0+$0x14000];
	[tilespmem:s29+$0x14440] =	vst v0;
	v0 =	vadd.f32 v5, v4  }
0x2e1: {  	v4 =	vld [tilespmem:s0+$0x0]  }
0x2e2: {  	v5 =	vld [tilespmem:s0+$0x14010];
	[tilespmem:s29+$0x14450] =	vst v0;
	v0 =	vadd.f32 v3, v1  }
0x2e3: {  	v1 =	vld [tilespmem:s0+$0x10]  }
0x2e4: {  	v3 =	vld [tilespmem:s0+$0x14020];
	v2 =	vadd.f32 v2, v7;
	[tilespmem:s29+$0x14460] =	vst v0;
	s29 =	smov.u32 s0  }
0x2e5: {  	v0 =	vld [tilespmem:s29+$0x20]  }
0x2e6: {  	v4 =	vadd.f32 v4, v6;
	v6 =	vld [tilespmem:s29+$0x14030];
	[tilespmem:s29+$0x14470] =	vst v2  }
0x2e7: {  	v2 =	vld [tilespmem:s29+$0x30]  }
0x2e8: {  	[tilespmem:s29+$0x14000] =	vst v4;
	v1 =	vadd.f32 v1, v5;
	v4 =	vld [tilespmem:s29+$0x14040]  }
0x2e9: {  	v5 =	vld [tilespmem:s29+$0x40]  }
0x2ea: {  	[tilespmem:s29+$0x14010] =	vst v1;
	v0 =	vadd.f32 v0, v3;
	v1 =	vld [tilespmem:s29+$0x14050]  }
0x2eb: {  	v3 =	vld [tilespmem:s29+$0x50]  }
0x2ec: {  	[tilespmem:s29+$0x14020] =	vst v0;
	v0 =	vadd.f32 v2, v6;
	v2 =	vld [tilespmem:s29+$0x14060]  }
0x2ed: {  	v6 =	vld [tilespmem:s29+$0x60]  }
0x2ee: {  	[tilespmem:s29+$0x14030] =	vst v0;
	v0 =	vadd.f32 v5, v4;
	v4 =	vld [tilespmem:s29+$0x14070]  }
0x2ef: {  	v5 =	vld [tilespmem:s29+$0x70]  }
0x2f0: {  	[tilespmem:s29+$0x14040] =	vst v0;
	v0 =	vadd.f32 v3, v1;
	v3 =	vld [tilespmem:s29+$0x14400]  }
0x2f1: {  	v7 =	vld [tilespmem:s29+$0x400]  }
0x2f2: {  	[tilespmem:s29+$0x14050] =	vst v0;
	v0 =	vadd.f32 v6, v2;
	v2 =	vld [tilespmem:s29+$0x14410]  }
0x2f3: {  	v6 =	vld [tilespmem:s29+$0x410]  }
.Ltmp8:
0x2f4: {  	[tilespmem:s29+$0x14060] =	vst v0;
	v0 =	vadd.f32 v5, v4;
	v1 =	vld [tilespmem:s29+$0x14420];
	(pc) =	sbr.rel @p0 .LBB2_18-.Ltmp8, $4  }
0x2f5: {  	v4 =	vld [tilespmem:s29+$0x420]  }
0x2f6: {  	[tilespmem:s29+$0x14070] =	vst v0;
	v5 =	vadd.f32 v7, v3;
	v0 =	vld [tilespmem:s29+$0x14430]  }
0x2f7: {  	v3 =	vld [tilespmem:s29+$0x430]  }
0x2f8: {  	[tilespmem:s29+$0x14400] =	vst v5;
	v5 =	vadd.f32 v6, v2;
	v2 =	vld [tilespmem:s29+$0x14440]  }
0x2f9: {  	v6 =	vld [tilespmem:s29+$0x440]  }
0x2fa: {  	v7 =	vld [tilespmem:s29+$0x14450]  }
0x2fb: {  	v8 =	vld [tilespmem:s29+$0x450]  }
0x2fc: {  	v9 =	vld [tilespmem:s29+$0x14460]  }
0x2fd: {  	v10 =	vld [tilespmem:s29+$0x460]  }
0x2fe: {  	v1 =	vadd.f32 v4, v1  }
0x2ff: {  	[tilespmem:s29+$0x14410] =	vst v5;
	v0 =	vadd.f32 v3, v0  }
0x300: {  	[tilespmem:s29+$0x14420] =	vst v1;
	v1 =	vadd.f32 v6, v2  }
0x301: {  	[tilespmem:s29+$0x14430] =	vst v0;
	v0 =	vadd.f32 v8, v7  }
0x302: {  	[tilespmem:s29+$0x14440] =	vst v1;
	v1 =	vadd.f32 v10, v9  }
0x303: {  	[tilespmem:s29+$0x14450] =	vst v0  }
0x304: {  	[tilespmem:s29+$0x14460] =	vst v1  }
0x305: {  	s29 =	simm.s32 $0x0;
	s0 =	rddreg [dreg:$0x17]  }
0x306: {  	[hbm4b:s0+s29] =	stream.linear.scatter [tilespmem:s14], [sflag:$0xB], $0x4000, $0x38;
	[tilespmem:$0x1C000] =	vst v63  }
0x307: {  	_ =	swait.ge [sflag:s20], $0x4000  }
0x308: {  	s2 =	simm.s32 $0x0;
	[sflag:s20] =	ssyncset.done $0x0  }
0x309: {  	s28 =	simm.s32 $0x0;
	s31 =	rddreg [dreg:$0x1c];
	[sflag:s20] =	ssyncadd.s32 $0xFFFFC000  }
0x30a: {  	[tilespmem:s10], [sflag:$0x4] =	stream.linear.gather [hbm4b:s31+s29], $0x4000, $0x38;
	[tilespmem:$0x1C000] =	vst v63  }
0x30b: {  	s0 =	sand.u32 $0x2000, s2;
	s2 =	sand.u32 $0x1800, s29;
	_ =	swait.ge [sflag:s22], $0x4000  }
0x30c: {  	s0 =	sor.u32 s2, s0;
	s31 =	sand.u32 $0x380, s28;
	[sflag:s22] =	ssyncset.done $0x0  }
0x30d: {  	s28 =	sor.u32 s31, s0;
	[sflag:s22] =	ssyncadd.s32 $0xFFFFC000  }
0x30e: {  	v0 =	vld [tilespmem:s28+$0x18470]  }
0x30f: {  	v1 =	vld [tilespmem:s28+$0x470]  }
0x310: {  	v2 =	vld [tilespmem:s28+$0x18000]  }
0x311: {  	v3 =	vld [tilespmem:s28+$0x0]  }
0x312: {  	v4 =	vld [tilespmem:s28+$0x18010]  }
0x313: {  	v5 =	vld [tilespmem:s28+$0x10]  }
0x314: {  	v6 =	vld [tilespmem:s28+$0x18020]  }
0x315: {  	v7 =	vld [tilespmem:s28+$0x20]  }
0x316: {  	v60 =	vld [tilespmem:s28+$0x18030]  }
0x317: {  	v61 =	vld [tilespmem:s28+$0x30]  }
0x318: {  	v62 =	vld [tilespmem:s28+$0x18040]  }
0x319: {  	v11 =	vld [tilespmem:s28+$0x40]  }
0x31a: {  	v12 =	vld [tilespmem:s28+$0x18050]  }
0x31b: {  	v13 =	vld [tilespmem:s28+$0x50]  }
0x31c: {  	v14 =	vld [tilespmem:s28+$0x18060]  }
0x31d: {  	v0 =	vadd.f32 v1, v0;
	v1 =	vld [tilespmem:s28+$0x60]  }
0x31e: {  	v2 =	vadd.f32 v3, v2;
	v3 =	vld [tilespmem:s28+$0x18070]  }
0x31f: {  	[tilespmem:s28+$0x18470] =	vst v0;
	v0 =	vadd.f32 v5, v4;
	v4 =	vld [tilespmem:s28+$0x70]  }
0x320: {  	[tilespmem:s28+$0x18000] =	vst v2;
	v2 =	vadd.f32 v7, v6;
	v5 =	vld [tilespmem:s28+$0x18400]  }
0x321: {  	v6 =	vld [tilespmem:s28+$0x400];
	[tilespmem:s28+$0x18010] =	vst v0;
	v0 =	vadd.f32 v61, v60  }
0x322: {  	v63 =	vld [tilespmem:s28+$0x410];
	[tilespmem:s28+$0x18020] =	vst v2;
	v2 =	vadd.f32 v11, v62  }
0x323: {  	v7 =	vld [tilespmem:s28+$0x18410];
	[tilespmem:s28+$0x18030] =	vst v0;
	v0 =	vadd.f32 v13, v12  }
0x324: {  	[tilespmem:s28+$0x18040] =	vst v2;
	v2 =	vadd.f32 v1, v14;
	v1 =	vld [tilespmem:s28+$0x18420]  }
0x325: {  	v3 =	vadd.f32 v4, v3;
	v4 =	vld [tilespmem:s28+$0x420];
	[tilespmem:s28+$0x18050] =	vst v0  }
0x326: {  	[tilespmem:s28+$0x18060] =	vst v2;
	v2 =	vadd.f32 v6, v5;
	v0 =	vld [tilespmem:s28+$0x18430]  }
0x327: {  	[tilespmem:s28+$0x18070] =	vst v3;
	v3 =	vld [tilespmem:s28+$0x430]  }
0x328: {  	s30 =	simm.s32 $0x0;
	v5 =	vadd.f32 v63, v7;
	[tilespmem:s28+$0x18400] =	vst v2;
	v2 =	vld [tilespmem:s28+$0x18440]  }
.LBB2_20:
0x329: {  	s30 =	sadd.s32 $0x10, s30;
	v6 =	vld [tilespmem:s28+$0x440]  }
0x32a: {  	s29 =	sadd.s32 $0x800, s29;
	s0 =	sshll.u32 s30, $0x4;
	p0 =	slt.u32 s30, $0x3F0;
	[tilespmem:s28+$0x18410] =	vst v5;
	v1 =	vadd.f32 v4, v1;
	v4 =	vld [tilespmem:s28+$0x18450]  }
0x32b: {  	s2 =	sand.u32 $0x1800, s29;
	s31 =	sshll.u32 s30, $0x1;
	s0 =	sand.u32 $0x2000, s0;
	v5 =	vld [tilespmem:s28+$0x450]  }
0x32c: {  	s0 =	sor.u32 s2, s0;
	s2 =	sand.u32 $0x380, s31;
	[tilespmem:s28+$0x18420] =	vst v1;
	v0 =	vadd.f32 v3, v0;
	v1 =	vld [tilespmem:s28+$0x18460]  }
0x32d: {  	s0 =	sor.u32 s2, s0;
	v3 =	vld [tilespmem:s28+$0x460]  }
0x32e: {  	v7 =	vld [tilespmem:s0+$0x18470];
	[tilespmem:s28+$0x18430] =	vst v0;
	v0 =	vadd.f32 v6, v2  }
0x32f: {  	v2 =	vld [tilespmem:s0+$0x470]  }
0x330: {  	v6 =	vld [tilespmem:s0+$0x18000];
	[tilespmem:s28+$0x18440] =	vst v0;
	v0 =	vadd.f32 v5, v4  }
0x331: {  	v4 =	vld [tilespmem:s0+$0x0]  }
0x332: {  	v5 =	vld [tilespmem:s0+$0x18010];
	[tilespmem:s28+$0x18450] =	vst v0;
	v0 =	vadd.f32 v3, v1  }
0x333: {  	v1 =	vld [tilespmem:s0+$0x10]  }
0x334: {  	v3 =	vld [tilespmem:s0+$0x18020];
	v2 =	vadd.f32 v2, v7;
	[tilespmem:s28+$0x18460] =	vst v0;
	s28 =	smov.u32 s0  }
0x335: {  	v0 =	vld [tilespmem:s28+$0x20]  }
0x336: {  	v4 =	vadd.f32 v4, v6;
	v6 =	vld [tilespmem:s28+$0x18030];
	[tilespmem:s28+$0x18470] =	vst v2  }
0x337: {  	v2 =	vld [tilespmem:s28+$0x30]  }
0x338: {  	[tilespmem:s28+$0x18000] =	vst v4;
	v1 =	vadd.f32 v1, v5;
	v4 =	vld [tilespmem:s28+$0x18040]  }
0x339: {  	v5 =	vld [tilespmem:s28+$0x40]  }
0x33a: {  	[tilespmem:s28+$0x18010] =	vst v1;
	v0 =	vadd.f32 v0, v3;
	v1 =	vld [tilespmem:s28+$0x18050]  }
0x33b: {  	v3 =	vld [tilespmem:s28+$0x50]  }
0x33c: {  	[tilespmem:s28+$0x18020] =	vst v0;
	v0 =	vadd.f32 v2, v6;
	v2 =	vld [tilespmem:s28+$0x18060]  }
0x33d: {  	v6 =	vld [tilespmem:s28+$0x60]  }
0x33e: {  	[tilespmem:s28+$0x18030] =	vst v0;
	v0 =	vadd.f32 v5, v4;
	v4 =	vld [tilespmem:s28+$0x18070]  }
0x33f: {  	v5 =	vld [tilespmem:s28+$0x70]  }
0x340: {  	[tilespmem:s28+$0x18040] =	vst v0;
	v0 =	vadd.f32 v3, v1;
	v3 =	vld [tilespmem:s28+$0x18400]  }
0x341: {  	v7 =	vld [tilespmem:s28+$0x400]  }
0x342: {  	[tilespmem:s28+$0x18050] =	vst v0;
	v0 =	vadd.f32 v6, v2;
	v2 =	vld [tilespmem:s28+$0x18410]  }
0x343: {  	v6 =	vld [tilespmem:s28+$0x410]  }
.Ltmp9:
0x344: {  	[tilespmem:s28+$0x18060] =	vst v0;
	v0 =	vadd.f32 v5, v4;
	v1 =	vld [tilespmem:s28+$0x18420];
	(pc) =	sbr.rel @p0 .LBB2_20-.Ltmp9, $4  }
0x345: {  	v4 =	vld [tilespmem:s28+$0x420]  }
0x346: {  	[tilespmem:s28+$0x18070] =	vst v0;
	v5 =	vadd.f32 v7, v3;
	v0 =	vld [tilespmem:s28+$0x18430]  }
0x347: {  	v3 =	vld [tilespmem:s28+$0x430]  }
0x348: {  	[tilespmem:s28+$0x18400] =	vst v5;
	v5 =	vadd.f32 v6, v2;
	v2 =	vld [tilespmem:s28+$0x18440]  }
0x349: {  	v6 =	vld [tilespmem:s28+$0x440]  }
0x34a: {  	v7 =	vld [tilespmem:s28+$0x18450]  }
0x34b: {  	v8 =	vld [tilespmem:s28+$0x450]  }
0x34c: {  	v9 =	vld [tilespmem:s28+$0x18460]  }
0x34d: {  	v10 =	vld [tilespmem:s28+$0x460]  }
0x34e: {  	v1 =	vadd.f32 v4, v1  }
0x34f: {  	[tilespmem:s28+$0x18410] =	vst v5;
	v0 =	vadd.f32 v3, v0  }
0x350: {  	[tilespmem:s28+$0x18420] =	vst v1;
	v1 =	vadd.f32 v6, v2  }
0x351: {  	[tilespmem:s28+$0x18430] =	vst v0;
	v0 =	vadd.f32 v8, v7  }
0x352: {  	[tilespmem:s28+$0x18440] =	vst v1;
	v1 =	vadd.f32 v10, v9  }
0x353: {  	[tilespmem:s28+$0x18450] =	vst v0  }
0x354: {  	[tilespmem:s28+$0x18460] =	vst v1  }
0x355: {  	s29 =	simm.s32 $0x0;
	s0 =	rddreg [dreg:$0x19]  }
0x356: {  	[hbm4b:s0+s29] =	stream.linear.scatter [tilespmem:s16], [sflag:$0xC], $0x4000, $0x38;
	[tilespmem:$0x1C000] =	vst v63  }
0x357: {  	_ =	swait.ge [sflag:s23], $0x4000  }
0x358: {  	s2 =	simm.s32 $0x0;
	[sflag:s23] =	ssyncset.done $0x0  }
0x359: {  	s28 =	simm.s32 $0x0;
	s31 =	rddreg [dreg:$0x1e];
	[sflag:s23] =	ssyncadd.s32 $0xFFFFC000  }
0x35a: {  	[tilespmem:s11], [sflag:$0x5] =	stream.linear.gather [hbm4b:s31+s29], $0x4000, $0x38;
	[tilespmem:$0x1C000] =	vst v63  }
0x35b: {  	s0 =	sand.u32 $0x2000, s2;
	s2 =	sand.u32 $0x1800, s29;
	_ =	swait.ge [sflag:s13], $0x4000  }
0x35c: {  	s0 =	sor.u32 s2, s0;
	s31 =	sand.u32 $0x380, s28;
	[sflag:s13] =	ssyncset.done $0x0  }
0x35d: {  	s28 =	sor.u32 s31, s0;
	[sflag:s13] =	ssyncadd.s32 $0xFFFFC000  }
0x35e: {  	v0 =	vld [tilespmem:s28+$0x8470]  }
0x35f: {  	v1 =	vld [tilespmem:s28+$0x470]  }
0x360: {  	v2 =	vld [tilespmem:s28+$0x8000]  }
0x361: {  	v3 =	vld [tilespmem:s28+$0x0]  }
0x362: {  	v4 =	vld [tilespmem:s28+$0x8010]  }
0x363: {  	v5 =	vld [tilespmem:s28+$0x10]  }
0x364: {  	v6 =	vld [tilespmem:s28+$0x8020]  }
0x365: {  	v7 =	vld [tilespmem:s28+$0x20]  }
0x366: {  	v60 =	vld [tilespmem:s28+$0x8030]  }
0x367: {  	v61 =	vld [tilespmem:s28+$0x30]  }
0x368: {  	v62 =	vld [tilespmem:s28+$0x8040]  }
0x369: {  	v11 =	vld [tilespmem:s28+$0x40]  }
0x36a: {  	v12 =	vld [tilespmem:s28+$0x8050]  }
0x36b: {  	v13 =	vld [tilespmem:s28+$0x50]  }
0x36c: {  	v14 =	vld [tilespmem:s28+$0x8060]  }
0x36d: {  	v0 =	vadd.f32 v1, v0;
	v1 =	vld [tilespmem:s28+$0x60]  }
0x36e: {  	v2 =	vadd.f32 v3, v2;
	v3 =	vld [tilespmem:s28+$0x8070]  }
0x36f: {  	[tilespmem:s28+$0x8470] =	vst v0;
	v0 =	vadd.f32 v5, v4;
	v4 =	vld [tilespmem:s28+$0x70]  }
0x370: {  	[tilespmem:s28+$0x8000] =	vst v2;
	v2 =	vadd.f32 v7, v6;
	v5 =	vld [tilespmem:s28+$0x8400]  }
0x371: {  	v6 =	vld [tilespmem:s28+$0x400];
	[tilespmem:s28+$0x8010] =	vst v0;
	v0 =	vadd.f32 v61, v60  }
0x372: {  	v63 =	vld [tilespmem:s28+$0x410];
	[tilespmem:s28+$0x8020] =	vst v2;
	v2 =	vadd.f32 v11, v62  }
0x373: {  	v7 =	vld [tilespmem:s28+$0x8410];
	[tilespmem:s28+$0x8030] =	vst v0;
	v0 =	vadd.f32 v13, v12  }
0x374: {  	[tilespmem:s28+$0x8040] =	vst v2;
	v2 =	vadd.f32 v1, v14;
	v1 =	vld [tilespmem:s28+$0x8420]  }
0x375: {  	v3 =	vadd.f32 v4, v3;
	v4 =	vld [tilespmem:s28+$0x420];
	[tilespmem:s28+$0x8050] =	vst v0  }
0x376: {  	[tilespmem:s28+$0x8060] =	vst v2;
	v2 =	vadd.f32 v6, v5;
	v0 =	vld [tilespmem:s28+$0x8430]  }
0x377: {  	[tilespmem:s28+$0x8070] =	vst v3;
	v3 =	vld [tilespmem:s28+$0x430]  }
0x378: {  	s30 =	simm.s32 $0x0;
	v5 =	vadd.f32 v63, v7;
	[tilespmem:s28+$0x8400] =	vst v2;
	v2 =	vld [tilespmem:s28+$0x8440]  }
.LBB2_22:
0x379: {  	s30 =	sadd.s32 $0x10, s30;
	v6 =	vld [tilespmem:s28+$0x440]  }
0x37a: {  	s29 =	sadd.s32 $0x800, s29;
	s0 =	sshll.u32 s30, $0x4;
	p0 =	slt.u32 s30, $0x3F0;
	[tilespmem:s28+$0x8410] =	vst v5;
	v1 =	vadd.f32 v4, v1;
	v4 =	vld [tilespmem:s28+$0x8450]  }
0x37b: {  	s2 =	sand.u32 $0x1800, s29;
	s31 =	sshll.u32 s30, $0x1;
	s0 =	sand.u32 $0x2000, s0;
	v5 =	vld [tilespmem:s28+$0x450]  }
0x37c: {  	s0 =	sor.u32 s2, s0;
	s2 =	sand.u32 $0x380, s31;
	[tilespmem:s28+$0x8420] =	vst v1;
	v0 =	vadd.f32 v3, v0;
	v1 =	vld [tilespmem:s28+$0x8460]  }
0x37d: {  	s0 =	sor.u32 s2, s0;
	v3 =	vld [tilespmem:s28+$0x460]  }
0x37e: {  	v7 =	vld [tilespmem:s0+$0x8470];
	[tilespmem:s28+$0x8430] =	vst v0;
	v0 =	vadd.f32 v6, v2  }
0x37f: {  	v2 =	vld [tilespmem:s0+$0x470]  }
0x380: {  	v6 =	vld [tilespmem:s0+$0x8000];
	[tilespmem:s28+$0x8440] =	vst v0;
	v0 =	vadd.f32 v5, v4  }
0x381: {  	v4 =	vld [tilespmem:s0+$0x0]  }
0x382: {  	v5 =	vld [tilespmem:s0+$0x8010];
	[tilespmem:s28+$0x8450] =	vst v0;
	v0 =	vadd.f32 v3, v1  }
0x383: {  	v1 =	vld [tilespmem:s0+$0x10]  }
0x384: {  	v3 =	vld [tilespmem:s0+$0x8020];
	v2 =	vadd.f32 v2, v7;
	[tilespmem:s28+$0x8460] =	vst v0;
	s28 =	smov.u32 s0  }
0x385: {  	v0 =	vld [tilespmem:s28+$0x20]  }
0x386: {  	v4 =	vadd.f32 v4, v6;
	v6 =	vld [tilespmem:s28+$0x8030];
	[tilespmem:s28+$0x8470] =	vst v2  }
0x387: {  	v2 =	vld [tilespmem:s28+$0x30]  }
0x388: {  	[tilespmem:s28+$0x8000] =	vst v4;
	v1 =	vadd.f32 v1, v5;
	v4 =	vld [tilespmem:s28+$0x8040]  }
0x389: {  	v5 =	vld [tilespmem:s28+$0x40]  }
0x38a: {  	[tilespmem:s28+$0x8010] =	vst v1;
	v0 =	vadd.f32 v0, v3;
	v1 =	vld [tilespmem:s28+$0x8050]  }
0x38b: {  	v3 =	vld [tilespmem:s28+$0x50]  }
0x38c: {  	[tilespmem:s28+$0x8020] =	vst v0;
	v0 =	vadd.f32 v2, v6;
	v2 =	vld [tilespmem:s28+$0x8060]  }
0x38d: {  	v6 =	vld [tilespmem:s28+$0x60]  }
0x38e: {  	[tilespmem:s28+$0x8030] =	vst v0;
	v0 =	vadd.f32 v5, v4;
	v4 =	vld [tilespmem:s28+$0x8070]  }
0x38f: {  	v5 =	vld [tilespmem:s28+$0x70]  }
0x390: {  	[tilespmem:s28+$0x8040] =	vst v0;
	v0 =	vadd.f32 v3, v1;
	v3 =	vld [tilespmem:s28+$0x8400]  }
0x391: {  	v7 =	vld [tilespmem:s28+$0x400]  }
0x392: {  	[tilespmem:s28+$0x8050] =	vst v0;
	v0 =	vadd.f32 v6, v2;
	v2 =	vld [tilespmem:s28+$0x8410]  }
0x393: {  	v6 =	vld [tilespmem:s28+$0x410]  }
.Ltmp10:
0x394: {  	[tilespmem:s28+$0x8060] =	vst v0;
	v0 =	vadd.f32 v5, v4;
	v1 =	vld [tilespmem:s28+$0x8420];
	(pc) =	sbr.rel @p0 .LBB2_22-.Ltmp10, $4  }
0x395: {  	v4 =	vld [tilespmem:s28+$0x420]  }
0x396: {  	[tilespmem:s28+$0x8070] =	vst v0;
	v5 =	vadd.f32 v7, v3;
	v0 =	vld [tilespmem:s28+$0x8430]  }
0x397: {  	v3 =	vld [tilespmem:s28+$0x430]  }
0x398: {  	[tilespmem:s28+$0x8400] =	vst v5;
	v5 =	vadd.f32 v6, v2;
	v2 =	vld [tilespmem:s28+$0x8440]  }
0x399: {  	v6 =	vld [tilespmem:s28+$0x440]  }
0x39a: {  	v7 =	vld [tilespmem:s28+$0x8450]  }
0x39b: {  	v8 =	vld [tilespmem:s28+$0x450]  }
0x39c: {  	v9 =	vld [tilespmem:s28+$0x8460]  }
0x39d: {  	v10 =	vld [tilespmem:s28+$0x460]  }
0x39e: {  	v1 =	vadd.f32 v4, v1  }
0x39f: {  	[tilespmem:s28+$0x8410] =	vst v5;
	v0 =	vadd.f32 v3, v0  }
0x3a0: {  	[tilespmem:s28+$0x8420] =	vst v1;
	v1 =	vadd.f32 v6, v2  }
0x3a1: {  	[tilespmem:s28+$0x8430] =	vst v0;
	v0 =	vadd.f32 v8, v7  }
0x3a2: {  	[tilespmem:s28+$0x8440] =	vst v1;
	v1 =	vadd.f32 v10, v9  }
0x3a3: {  	[tilespmem:s28+$0x8450] =	vst v0  }
0x3a4: {  	[tilespmem:s28+$0x8460] =	vst v1  }
0x3a5: {  	s29 =	simm.s32 $0x0;
	s0 =	rddreg [dreg:$0x1b]  }
0x3a6: {  	[hbm4b:s0+s29] =	stream.linear.scatter [tilespmem:s9], [sflag:$0x8], $0x4000, $0x38;
	[tilespmem:$0x1C000] =	vst v63  }
0x3a7: {  	_ =	swait.ge [sflag:s24], $0x4000  }
0x3a8: {  	s31 =	sld [smem:$0x7FD]  }
0x3a9: {  	[sflag:s24] =	ssyncset.done $0x0  }
0x3aa: {  	s2 =	simm.s32 $0x0;
	s28 =	simm.s32 $0x0;
	[sflag:s24] =	ssyncadd.s32 $0xFFFFC000  }
0x3ab: {  	[tilespmem:s14], [sflag:$0x6] =	stream.linear.gather [hbm4b:s31+s29], $0x4000, $0x38;
	[tilespmem:$0x1C000] =	vst v63  }
0x3ac: {  	s0 =	sand.u32 $0x2000, s2;
	s2 =	sand.u32 $0x1800, s29;
	_ =	swait.ge [sflag:s15], $0x4000  }
0x3ad: {  	s0 =	sor.u32 s2, s0;
	s31 =	sand.u32 $0x380, s28;
	[sflag:s15] =	ssyncset.done $0x0  }
0x3ae: {  	s28 =	sor.u32 s31, s0;
	[sflag:s15] =	ssyncadd.s32 $0xFFFFC000  }
0x3af: {  	v0 =	vld [tilespmem:s28+$0xC470]  }
0x3b0: {  	v1 =	vld [tilespmem:s28+$0x470]  }
0x3b1: {  	v2 =	vld [tilespmem:s28+$0xC000]  }
0x3b2: {  	v3 =	vld [tilespmem:s28+$0x0]  }
0x3b3: {  	v4 =	vld [tilespmem:s28+$0xC010]  }
0x3b4: {  	v5 =	vld [tilespmem:s28+$0x10]  }
0x3b5: {  	v6 =	vld [tilespmem:s28+$0xC020]  }
0x3b6: {  	v7 =	vld [tilespmem:s28+$0x20]  }
0x3b7: {  	v60 =	vld [tilespmem:s28+$0xC030]  }
0x3b8: {  	v61 =	vld [tilespmem:s28+$0x30]  }
0x3b9: {  	v62 =	vld [tilespmem:s28+$0xC040]  }
0x3ba: {  	v11 =	vld [tilespmem:s28+$0x40]  }
0x3bb: {  	v12 =	vld [tilespmem:s28+$0xC050]  }
0x3bc: {  	v13 =	vld [tilespmem:s28+$0x50]  }
0x3bd: {  	v14 =	vld [tilespmem:s28+$0xC060]  }
0x3be: {  	v0 =	vadd.f32 v1, v0;
	v1 =	vld [tilespmem:s28+$0x60]  }
0x3bf: {  	v2 =	vadd.f32 v3, v2;
	v3 =	vld [tilespmem:s28+$0xC070]  }
0x3c0: {  	[tilespmem:s28+$0xC470] =	vst v0;
	v0 =	vadd.f32 v5, v4;
	v4 =	vld [tilespmem:s28+$0x70]  }
0x3c1: {  	[tilespmem:s28+$0xC000] =	vst v2;
	v2 =	vadd.f32 v7, v6;
	v5 =	vld [tilespmem:s28+$0xC400]  }
0x3c2: {  	v6 =	vld [tilespmem:s28+$0x400];
	[tilespmem:s28+$0xC010] =	vst v0;
	v0 =	vadd.f32 v61, v60  }
0x3c3: {  	v63 =	vld [tilespmem:s28+$0x410];
	[tilespmem:s28+$0xC020] =	vst v2;
	v2 =	vadd.f32 v11, v62  }
0x3c4: {  	v7 =	vld [tilespmem:s28+$0xC410];
	[tilespmem:s28+$0xC030] =	vst v0;
	v0 =	vadd.f32 v13, v12  }
0x3c5: {  	[tilespmem:s28+$0xC040] =	vst v2;
	v2 =	vadd.f32 v1, v14;
	v1 =	vld [tilespmem:s28+$0xC420]  }
0x3c6: {  	v3 =	vadd.f32 v4, v3;
	v4 =	vld [tilespmem:s28+$0x420];
	[tilespmem:s28+$0xC050] =	vst v0  }
0x3c7: {  	[tilespmem:s28+$0xC060] =	vst v2;
	v2 =	vadd.f32 v6, v5;
	v0 =	vld [tilespmem:s28+$0xC430]  }
0x3c8: {  	[tilespmem:s28+$0xC070] =	vst v3;
	v3 =	vld [tilespmem:s28+$0x430]  }
0x3c9: {  	s30 =	simm.s32 $0x0;
	v5 =	vadd.f32 v63, v7;
	[tilespmem:s28+$0xC400] =	vst v2;
	v2 =	vld [tilespmem:s28+$0xC440]  }
.LBB2_24:
0x3ca: {  	s30 =	sadd.s32 $0x10, s30;
	v6 =	vld [tilespmem:s28+$0x440]  }
0x3cb: {  	s29 =	sadd.s32 $0x800, s29;
	s0 =	sshll.u32 s30, $0x4;
	p0 =	slt.u32 s30, $0x3F0;
	[tilespmem:s28+$0xC410] =	vst v5;
	v1 =	vadd.f32 v4, v1;
	v4 =	vld [tilespmem:s28+$0xC450]  }
0x3cc: {  	s2 =	sand.u32 $0x1800, s29;
	s31 =	sshll.u32 s30, $0x1;
	s0 =	sand.u32 $0x2000, s0;
	v5 =	vld [tilespmem:s28+$0x450]  }
0x3cd: {  	s0 =	sor.u32 s2, s0;
	s2 =	sand.u32 $0x380, s31;
	[tilespmem:s28+$0xC420] =	vst v1;
	v0 =	vadd.f32 v3, v0;
	v1 =	vld [tilespmem:s28+$0xC460]  }
0x3ce: {  	s0 =	sor.u32 s2, s0;
	v3 =	vld [tilespmem:s28+$0x460]  }
0x3cf: {  	v7 =	vld [tilespmem:s0+$0xC470];
	[tilespmem:s28+$0xC430] =	vst v0;
	v0 =	vadd.f32 v6, v2  }
0x3d0: {  	v2 =	vld [tilespmem:s0+$0x470]  }
0x3d1: {  	v6 =	vld [tilespmem:s0+$0xC000];
	[tilespmem:s28+$0xC440] =	vst v0;
	v0 =	vadd.f32 v5, v4  }
0x3d2: {  	v4 =	vld [tilespmem:s0+$0x0]  }
0x3d3: {  	v5 =	vld [tilespmem:s0+$0xC010];
	[tilespmem:s28+$0xC450] =	vst v0;
	v0 =	vadd.f32 v3, v1  }
0x3d4: {  	v1 =	vld [tilespmem:s0+$0x10]  }
0x3d5: {  	v3 =	vld [tilespmem:s0+$0xC020];
	v2 =	vadd.f32 v2, v7;
	[tilespmem:s28+$0xC460] =	vst v0;
	s28 =	smov.u32 s0  }
0x3d6: {  	v0 =	vld [tilespmem:s28+$0x20]  }
0x3d7: {  	v4 =	vadd.f32 v4, v6;
	v6 =	vld [tilespmem:s28+$0xC030];
	[tilespmem:s28+$0xC470] =	vst v2  }
0x3d8: {  	v2 =	vld [tilespmem:s28+$0x30]  }
0x3d9: {  	[tilespmem:s28+$0xC000] =	vst v4;
	v1 =	vadd.f32 v1, v5;
	v4 =	vld [tilespmem:s28+$0xC040]  }
0x3da: {  	v5 =	vld [tilespmem:s28+$0x40]  }
0x3db: {  	[tilespmem:s28+$0xC010] =	vst v1;
	v0 =	vadd.f32 v0, v3;
	v1 =	vld [tilespmem:s28+$0xC050]  }
0x3dc: {  	v3 =	vld [tilespmem:s28+$0x50]  }
0x3dd: {  	[tilespmem:s28+$0xC020] =	vst v0;
	v0 =	vadd.f32 v2, v6;
	v2 =	vld [tilespmem:s28+$0xC060]  }
0x3de: {  	v6 =	vld [tilespmem:s28+$0x60]  }
0x3df: {  	[tilespmem:s28+$0xC030] =	vst v0;
	v0 =	vadd.f32 v5, v4;
	v4 =	vld [tilespmem:s28+$0xC070]  }
0x3e0: {  	v5 =	vld [tilespmem:s28+$0x70]  }
0x3e1: {  	[tilespmem:s28+$0xC040] =	vst v0;
	v0 =	vadd.f32 v3, v1;
	v3 =	vld [tilespmem:s28+$0xC400]  }
0x3e2: {  	v7 =	vld [tilespmem:s28+$0x400]  }
0x3e3: {  	[tilespmem:s28+$0xC050] =	vst v0;
	v0 =	vadd.f32 v6, v2;
	v2 =	vld [tilespmem:s28+$0xC410]  }
0x3e4: {  	v6 =	vld [tilespmem:s28+$0x410]  }
.Ltmp11:
0x3e5: {  	[tilespmem:s28+$0xC060] =	vst v0;
	v0 =	vadd.f32 v5, v4;
	v1 =	vld [tilespmem:s28+$0xC420];
	(pc) =	sbr.rel @p0 .LBB2_24-.Ltmp11, $4  }
0x3e6: {  	v4 =	vld [tilespmem:s28+$0x420]  }
0x3e7: {  	[tilespmem:s28+$0xC070] =	vst v0;
	v5 =	vadd.f32 v7, v3;
	v0 =	vld [tilespmem:s28+$0xC430]  }
0x3e8: {  	v3 =	vld [tilespmem:s28+$0x430]  }
0x3e9: {  	[tilespmem:s28+$0xC400] =	vst v5;
	v5 =	vadd.f32 v6, v2;
	v2 =	vld [tilespmem:s28+$0xC440]  }
0x3ea: {  	v6 =	vld [tilespmem:s28+$0x440]  }
0x3eb: {  	v7 =	vld [tilespmem:s28+$0xC450]  }
0x3ec: {  	v8 =	vld [tilespmem:s28+$0x450]  }
0x3ed: {  	v9 =	vld [tilespmem:s28+$0xC460]  }
0x3ee: {  	v10 =	vld [tilespmem:s28+$0x460]  }
0x3ef: {  	v1 =	vadd.f32 v4, v1  }
0x3f0: {  	[tilespmem:s28+$0xC410] =	vst v5;
	v0 =	vadd.f32 v3, v0  }
0x3f1: {  	[tilespmem:s28+$0xC420] =	vst v1;
	v1 =	vadd.f32 v6, v2  }
0x3f2: {  	[tilespmem:s28+$0xC430] =	vst v0;
	v0 =	vadd.f32 v8, v7  }
0x3f3: {  	[tilespmem:s28+$0xC440] =	vst v1;
	v1 =	vadd.f32 v10, v9  }
0x3f4: {  	[tilespmem:s28+$0xC450] =	vst v0  }
0x3f5: {  	[tilespmem:s28+$0xC460] =	vst v1  }
0x3f6: {  	s28 =	simm.s32 $0x0;
	s0 =	rddreg [dreg:$0x1d]  }
0x3f7: {  	[hbm4b:s0+s28] =	stream.linear.scatter [tilespmem:s10], [sflag:$0x9], $0x4000, $0x38;
	[tilespmem:$0x1C000] =	vst v63  }
0x3f8: {  	_ =	swait.ge [sflag:s25], $0x4000  }
0x3f9: {  	[sflag:s25] =	ssyncset.done $0x0  }
0x3fa: {  	[sflag:s25] =	ssyncadd.s32 $0xFFFFC000  }
0x3fb: {  	[tilespmem:s16], [sflag:$0x7] =	stream.linear.gather [hbm4b:s3+s28], $0x4000, $0x38;
	[tilespmem:$0x1C000] =	vst v63  }
0x3fc: {  	_ =	swait.ge [sflag:s21], $0x4000  }
0x3fd: {  	[sflag:s21] =	ssyncset.done $0x0  }
0x3fe: {  	s2 =	simm.s32 $0x0;
	s29 =	simm.s32 $0x0;
	[sflag:s21] =	ssyncadd.s32 $0xFFFFC000  }
0x3ff: {  	s0 =	sand.u32 $0x2000, s2;
	s2 =	sand.u32 $0x1800, s28;
	_ =	swait.ge [sflag:s17], $0x4000  }
0x400: {  	s31 =	sand.u32 $0x380, s29;
	s0 =	sor.u32 s2, s0;
	[sflag:s17] =	ssyncset.done $0x0  }
0x401: {  	s29 =	sor.u32 s31, s0;
	[sflag:s17] =	ssyncadd.s32 $0xFFFFC000  }
0x402: {  	v0 =	vld [tilespmem:s29+$0x10470]  }
0x403: {  	v1 =	vld [tilespmem:s29+$0x4470]  }
0x404: {  	v2 =	vld [tilespmem:s29+$0x10000]  }
0x405: {  	v3 =	vld [tilespmem:s29+$0x4000]  }
0x406: {  	v4 =	vld [tilespmem:s29+$0x10010]  }
0x407: {  	v5 =	vld [tilespmem:s29+$0x4010]  }
0x408: {  	v6 =	vld [tilespmem:s29+$0x10020]  }
0x409: {  	v7 =	vld [tilespmem:s29+$0x4020]  }
0x40a: {  	v60 =	vld [tilespmem:s29+$0x10030]  }
0x40b: {  	v61 =	vld [tilespmem:s29+$0x4030]  }
0x40c: {  	v62 =	vld [tilespmem:s29+$0x10040]  }
0x40d: {  	v11 =	vld [tilespmem:s29+$0x4040]  }
0x40e: {  	v12 =	vld [tilespmem:s29+$0x10050]  }
0x40f: {  	v13 =	vld [tilespmem:s29+$0x4050]  }
0x410: {  	v14 =	vld [tilespmem:s29+$0x10060]  }
0x411: {  	v0 =	vadd.f32 v1, v0;
	v1 =	vld [tilespmem:s29+$0x4060]  }
0x412: {  	v2 =	vadd.f32 v3, v2;
	v3 =	vld [tilespmem:s29+$0x10070]  }
0x413: {  	[tilespmem:s29+$0x10470] =	vst v0;
	v0 =	vadd.f32 v5, v4;
	v4 =	vld [tilespmem:s29+$0x4070]  }
0x414: {  	[tilespmem:s29+$0x10000] =	vst v2;
	v2 =	vadd.f32 v7, v6;
	v5 =	vld [tilespmem:s29+$0x10400]  }
0x415: {  	v6 =	vld [tilespmem:s29+$0x4400];
	[tilespmem:s29+$0x10010] =	vst v0;
	v0 =	vadd.f32 v61, v60  }
0x416: {  	v63 =	vld [tilespmem:s29+$0x4410];
	[tilespmem:s29+$0x10020] =	vst v2;
	v2 =	vadd.f32 v11, v62  }
0x417: {  	v7 =	vld [tilespmem:s29+$0x10410];
	[tilespmem:s29+$0x10030] =	vst v0;
	v0 =	vadd.f32 v13, v12  }
0x418: {  	[tilespmem:s29+$0x10040] =	vst v2;
	v2 =	vadd.f32 v1, v14;
	v1 =	vld [tilespmem:s29+$0x10420]  }
0x419: {  	v3 =	vadd.f32 v4, v3;
	v4 =	vld [tilespmem:s29+$0x4420];
	[tilespmem:s29+$0x10050] =	vst v0  }
0x41a: {  	[tilespmem:s29+$0x10060] =	vst v2;
	v2 =	vadd.f32 v6, v5;
	v0 =	vld [tilespmem:s29+$0x10430]  }
0x41b: {  	[tilespmem:s29+$0x10070] =	vst v3;
	v3 =	vld [tilespmem:s29+$0x4430]  }
0x41c: {  	s30 =	simm.s32 $0x0;
	v5 =	vadd.f32 v63, v7;
	[tilespmem:s29+$0x10400] =	vst v2;
	v2 =	vld [tilespmem:s29+$0x10440]  }
.LBB2_26:
0x41d: {  	s30 =	sadd.s32 $0x10, s30;
	v6 =	vld [tilespmem:s29+$0x4440]  }
0x41e: {  	s28 =	sadd.s32 $0x800, s28;
	s0 =	sshll.u32 s30, $0x4;
	p0 =	slt.u32 s30, $0x3F0;
	[tilespmem:s29+$0x10410] =	vst v5;
	v1 =	vadd.f32 v4, v1;
	v4 =	vld [tilespmem:s29+$0x10450]  }
0x41f: {  	s2 =	sand.u32 $0x1800, s28;
	s31 =	sshll.u32 s30, $0x1;
	s0 =	sand.u32 $0x2000, s0;
	v5 =	vld [tilespmem:s29+$0x4450]  }
0x420: {  	s0 =	sor.u32 s2, s0;
	s2 =	sand.u32 $0x380, s31;
	[tilespmem:s29+$0x10420] =	vst v1;
	v0 =	vadd.f32 v3, v0;
	v1 =	vld [tilespmem:s29+$0x10460]  }
0x421: {  	s0 =	sor.u32 s2, s0;
	v3 =	vld [tilespmem:s29+$0x4460]  }
0x422: {  	v7 =	vld [tilespmem:s0+$0x10470];
	[tilespmem:s29+$0x10430] =	vst v0;
	v0 =	vadd.f32 v6, v2  }
0x423: {  	v2 =	vld [tilespmem:s0+$0x4470]  }
0x424: {  	v6 =	vld [tilespmem:s0+$0x10000];
	[tilespmem:s29+$0x10440] =	vst v0;
	v0 =	vadd.f32 v5, v4  }
0x425: {  	v4 =	vld [tilespmem:s0+$0x4000]  }
0x426: {  	v5 =	vld [tilespmem:s0+$0x10010];
	[tilespmem:s29+$0x10450] =	vst v0;
	v0 =	vadd.f32 v3, v1  }
0x427: {  	v1 =	vld [tilespmem:s0+$0x4010]  }
0x428: {  	v3 =	vld [tilespmem:s0+$0x10020];
	v2 =	vadd.f32 v2, v7;
	[tilespmem:s29+$0x10460] =	vst v0;
	s29 =	smov.u32 s0  }
0x429: {  	v0 =	vld [tilespmem:s29+$0x4020]  }
0x42a: {  	v4 =	vadd.f32 v4, v6;
	v6 =	vld [tilespmem:s29+$0x10030];
	[tilespmem:s29+$0x10470] =	vst v2  }
0x42b: {  	v2 =	vld [tilespmem:s29+$0x4030]  }
0x42c: {  	[tilespmem:s29+$0x10000] =	vst v4;
	v1 =	vadd.f32 v1, v5;
	v4 =	vld [tilespmem:s29+$0x10040]  }
0x42d: {  	v5 =	vld [tilespmem:s29+$0x4040]  }
0x42e: {  	[tilespmem:s29+$0x10010] =	vst v1;
	v0 =	vadd.f32 v0, v3;
	v1 =	vld [tilespmem:s29+$0x10050]  }
0x42f: {  	v3 =	vld [tilespmem:s29+$0x4050]  }
0x430: {  	[tilespmem:s29+$0x10020] =	vst v0;
	v0 =	vadd.f32 v2, v6;
	v2 =	vld [tilespmem:s29+$0x10060]  }
0x431: {  	v6 =	vld [tilespmem:s29+$0x4060]  }
0x432: {  	[tilespmem:s29+$0x10030] =	vst v0;
	v0 =	vadd.f32 v5, v4;
	v4 =	vld [tilespmem:s29+$0x10070]  }
0x433: {  	v5 =	vld [tilespmem:s29+$0x4070]  }
0x434: {  	[tilespmem:s29+$0x10040] =	vst v0;
	v0 =	vadd.f32 v3, v1;
	v3 =	vld [tilespmem:s29+$0x10400]  }
0x435: {  	v7 =	vld [tilespmem:s29+$0x4400]  }
0x436: {  	[tilespmem:s29+$0x10050] =	vst v0;
	v0 =	vadd.f32 v6, v2;
	v2 =	vld [tilespmem:s29+$0x10410]  }
0x437: {  	v6 =	vld [tilespmem:s29+$0x4410]  }
.Ltmp12:
0x438: {  	[tilespmem:s29+$0x10060] =	vst v0;
	v0 =	vadd.f32 v5, v4;
	v1 =	vld [tilespmem:s29+$0x10420];
	(pc) =	sbr.rel @p0 .LBB2_26-.Ltmp12, $4  }
0x439: {  	v4 =	vld [tilespmem:s29+$0x4420]  }
0x43a: {  	[tilespmem:s29+$0x10070] =	vst v0;
	v5 =	vadd.f32 v7, v3;
	v0 =	vld [tilespmem:s29+$0x10430]  }
0x43b: {  	v3 =	vld [tilespmem:s29+$0x4430]  }
0x43c: {  	[tilespmem:s29+$0x10400] =	vst v5;
	v5 =	vadd.f32 v6, v2;
	v2 =	vld [tilespmem:s29+$0x10440]  }
0x43d: {  	v6 =	vld [tilespmem:s29+$0x4440]  }
0x43e: {  	v7 =	vld [tilespmem:s29+$0x10450]  }
0x43f: {  	v8 =	vld [tilespmem:s29+$0x4450]  }
0x440: {  	v9 =	vld [tilespmem:s29+$0x10460]  }
0x441: {  	v10 =	vld [tilespmem:s29+$0x4460]  }
0x442: {  	v1 =	vadd.f32 v4, v1  }
0x443: {  	[tilespmem:s29+$0x10410] =	vst v5;
	v0 =	vadd.f32 v3, v0  }
0x444: {  	[tilespmem:s29+$0x10420] =	vst v1;
	v1 =	vadd.f32 v6, v2  }
0x445: {  	[tilespmem:s29+$0x10430] =	vst v0;
	v0 =	vadd.f32 v8, v7  }
0x446: {  	[tilespmem:s29+$0x10440] =	vst v1;
	v1 =	vadd.f32 v10, v9  }
0x447: {  	[tilespmem:s29+$0x10450] =	vst v0  }
0x448: {  	[tilespmem:s29+$0x10460] =	vst v1  }
0x449: {  	s29 =	simm.s32 $0x0;
	s0 =	rddreg [dreg:$0x1f]  }
0x44a: {  	[hbm4b:s0+s29] =	stream.linear.scatter [tilespmem:s11], [sflag:$0xA], $0x4000, $0x38;
	[tilespmem:$0x1C000] =	vst v63  }
0x44b: {  	_ =	swait.ge [sflag:s18], $0x4000  }
0x44c: {  	[sflag:s18] =	ssyncset.done $0x0  }
0x44d: {  	s2 =	simm.s32 $0x0;
	s28 =	simm.s32 $0x0;
	[sflag:s18] =	ssyncadd.s32 $0xFFFFC000  }
0x44e: {  	[tilespmem:s9], [sflag:$0x3] =	stream.linear.gather [hbm4b:s4+s29], $0x4000, $0x38;
	[tilespmem:$0x1C000] =	vst v63  }
0x44f: {  	s0 =	sand.u32 $0x2000, s2;
	s2 =	sand.u32 $0x1800, s29;
	_ =	swait.ge [sflag:s19], $0x4000  }
0x450: {  	s31 =	sand.u32 $0x380, s28;
	s0 =	sor.u32 s2, s0;
	[sflag:s19] =	ssyncset.done $0x0  }
0x451: {  	s28 =	sor.u32 s31, s0;
	[sflag:s19] =	ssyncadd.s32 $0xFFFFC000  }
0x452: {  	v0 =	vld [tilespmem:s28+$0x14470]  }
0x453: {  	v1 =	vld [tilespmem:s28+$0x4470]  }
0x454: {  	v2 =	vld [tilespmem:s28+$0x14000]  }
0x455: {  	v3 =	vld [tilespmem:s28+$0x4000]  }
0x456: {  	v4 =	vld [tilespmem:s28+$0x14010]  }
0x457: {  	v5 =	vld [tilespmem:s28+$0x4010]  }
0x458: {  	v6 =	vld [tilespmem:s28+$0x14020]  }
0x459: {  	v7 =	vld [tilespmem:s28+$0x4020]  }
0x45a: {  	v60 =	vld [tilespmem:s28+$0x14030]  }
0x45b: {  	v61 =	vld [tilespmem:s28+$0x4030]  }
0x45c: {  	v62 =	vld [tilespmem:s28+$0x14040]  }
0x45d: {  	v11 =	vld [tilespmem:s28+$0x4040]  }
0x45e: {  	v12 =	vld [tilespmem:s28+$0x14050]  }
0x45f: {  	v13 =	vld [tilespmem:s28+$0x4050]  }
0x460: {  	v14 =	vld [tilespmem:s28+$0x14060]  }
0x461: {  	v0 =	vadd.f32 v1, v0;
	v1 =	vld [tilespmem:s28+$0x4060]  }
0x462: {  	v2 =	vadd.f32 v3, v2;
	v3 =	vld [tilespmem:s28+$0x14070]  }
0x463: {  	[tilespmem:s28+$0x14470] =	vst v0;
	v0 =	vadd.f32 v5, v4;
	v4 =	vld [tilespmem:s28+$0x4070]  }
0x464: {  	[tilespmem:s28+$0x14000] =	vst v2;
	v2 =	vadd.f32 v7, v6;
	v5 =	vld [tilespmem:s28+$0x14400]  }
0x465: {  	v6 =	vld [tilespmem:s28+$0x4400];
	[tilespmem:s28+$0x14010] =	vst v0;
	v0 =	vadd.f32 v61, v60  }
0x466: {  	v63 =	vld [tilespmem:s28+$0x4410];
	[tilespmem:s28+$0x14020] =	vst v2;
	v2 =	vadd.f32 v11, v62  }
0x467: {  	v7 =	vld [tilespmem:s28+$0x14410];
	[tilespmem:s28+$0x14030] =	vst v0;
	v0 =	vadd.f32 v13, v12  }
0x468: {  	[tilespmem:s28+$0x14040] =	vst v2;
	v2 =	vadd.f32 v1, v14;
	v1 =	vld [tilespmem:s28+$0x14420]  }
0x469: {  	v3 =	vadd.f32 v4, v3;
	v4 =	vld [tilespmem:s28+$0x4420];
	[tilespmem:s28+$0x14050] =	vst v0  }
0x46a: {  	[tilespmem:s28+$0x14060] =	vst v2;
	v2 =	vadd.f32 v6, v5;
	v0 =	vld [tilespmem:s28+$0x14430]  }
0x46b: {  	[tilespmem:s28+$0x14070] =	vst v3;
	v3 =	vld [tilespmem:s28+$0x4430]  }
0x46c: {  	s30 =	simm.s32 $0x0;
	v5 =	vadd.f32 v63, v7;
	[tilespmem:s28+$0x14400] =	vst v2;
	v2 =	vld [tilespmem:s28+$0x14440]  }
.LBB2_28:
0x46d: {  	s30 =	sadd.s32 $0x10, s30;
	v6 =	vld [tilespmem:s28+$0x4440]  }
0x46e: {  	s29 =	sadd.s32 $0x800, s29;
	s0 =	sshll.u32 s30, $0x4;
	p0 =	slt.u32 s30, $0x3F0;
	[tilespmem:s28+$0x14410] =	vst v5;
	v1 =	vadd.f32 v4, v1;
	v4 =	vld [tilespmem:s28+$0x14450]  }
0x46f: {  	s2 =	sand.u32 $0x1800, s29;
	s31 =	sshll.u32 s30, $0x1;
	s0 =	sand.u32 $0x2000, s0;
	v5 =	vld [tilespmem:s28+$0x4450]  }
0x470: {  	s0 =	sor.u32 s2, s0;
	s2 =	sand.u32 $0x380, s31;
	[tilespmem:s28+$0x14420] =	vst v1;
	v0 =	vadd.f32 v3, v0;
	v1 =	vld [tilespmem:s28+$0x14460]  }
0x471: {  	s0 =	sor.u32 s2, s0;
	v3 =	vld [tilespmem:s28+$0x4460]  }
0x472: {  	v7 =	vld [tilespmem:s0+$0x14470];
	[tilespmem:s28+$0x14430] =	vst v0;
	v0 =	vadd.f32 v6, v2  }
0x473: {  	v2 =	vld [tilespmem:s0+$0x4470]  }
0x474: {  	v6 =	vld [tilespmem:s0+$0x14000];
	[tilespmem:s28+$0x14440] =	vst v0;
	v0 =	vadd.f32 v5, v4  }
0x475: {  	v4 =	vld [tilespmem:s0+$0x4000]  }
0x476: {  	v5 =	vld [tilespmem:s0+$0x14010];
	[tilespmem:s28+$0x14450] =	vst v0;
	v0 =	vadd.f32 v3, v1  }
0x477: {  	v1 =	vld [tilespmem:s0+$0x4010]  }
0x478: {  	v3 =	vld [tilespmem:s0+$0x14020];
	v2 =	vadd.f32 v2, v7;
	[tilespmem:s28+$0x14460] =	vst v0;
	s28 =	smov.u32 s0  }
0x479: {  	v0 =	vld [tilespmem:s28+$0x4020]  }
0x47a: {  	v4 =	vadd.f32 v4, v6;
	v6 =	vld [tilespmem:s28+$0x14030];
	[tilespmem:s28+$0x14470] =	vst v2  }
0x47b: {  	v2 =	vld [tilespmem:s28+$0x4030]  }
0x47c: {  	[tilespmem:s28+$0x14000] =	vst v4;
	v1 =	vadd.f32 v1, v5;
	v4 =	vld [tilespmem:s28+$0x14040]  }
0x47d: {  	v5 =	vld [tilespmem:s28+$0x4040]  }
0x47e: {  	[tilespmem:s28+$0x14010] =	vst v1;
	v0 =	vadd.f32 v0, v3;
	v1 =	vld [tilespmem:s28+$0x14050]  }
0x47f: {  	v3 =	vld [tilespmem:s28+$0x4050]  }
0x480: {  	[tilespmem:s28+$0x14020] =	vst v0;
	v0 =	vadd.f32 v2, v6;
	v2 =	vld [tilespmem:s28+$0x14060]  }
0x481: {  	v6 =	vld [tilespmem:s28+$0x4060]  }
0x482: {  	[tilespmem:s28+$0x14030] =	vst v0;
	v0 =	vadd.f32 v5, v4;
	v4 =	vld [tilespmem:s28+$0x14070]  }
0x483: {  	v5 =	vld [tilespmem:s28+$0x4070]  }
0x484: {  	[tilespmem:s28+$0x14040] =	vst v0;
	v0 =	vadd.f32 v3, v1;
	v3 =	vld [tilespmem:s28+$0x14400]  }
0x485: {  	v7 =	vld [tilespmem:s28+$0x4400]  }
0x486: {  	[tilespmem:s28+$0x14050] =	vst v0;
	v0 =	vadd.f32 v6, v2;
	v2 =	vld [tilespmem:s28+$0x14410]  }
0x487: {  	v6 =	vld [tilespmem:s28+$0x4410]  }
.Ltmp13:
0x488: {  	[tilespmem:s28+$0x14060] =	vst v0;
	v0 =	vadd.f32 v5, v4;
	v1 =	vld [tilespmem:s28+$0x14420];
	(pc) =	sbr.rel @p0 .LBB2_28-.Ltmp13, $4  }
0x489: {  	v4 =	vld [tilespmem:s28+$0x4420]  }
0x48a: {  	[tilespmem:s28+$0x14070] =	vst v0;
	v5 =	vadd.f32 v7, v3;
	v0 =	vld [tilespmem:s28+$0x14430]  }
0x48b: {  	v3 =	vld [tilespmem:s28+$0x4430]  }
0x48c: {  	[tilespmem:s28+$0x14400] =	vst v5;
	v5 =	vadd.f32 v6, v2;
	v2 =	vld [tilespmem:s28+$0x14440]  }
0x48d: {  	v6 =	vld [tilespmem:s28+$0x4440]  }
0x48e: {  	v7 =	vld [tilespmem:s28+$0x14450]  }
0x48f: {  	v8 =	vld [tilespmem:s28+$0x4450]  }
0x490: {  	v9 =	vld [tilespmem:s28+$0x14460]  }
0x491: {  	v10 =	vld [tilespmem:s28+$0x4460]  }
0x492: {  	v1 =	vadd.f32 v4, v1  }
0x493: {  	[tilespmem:s28+$0x14410] =	vst v5;
	v0 =	vadd.f32 v3, v0  }
0x494: {  	[tilespmem:s28+$0x14420] =	vst v1;
	v1 =	vadd.f32 v6, v2  }
0x495: {  	[tilespmem:s28+$0x14430] =	vst v0;
	v0 =	vadd.f32 v8, v7  }
0x496: {  	[tilespmem:s28+$0x14440] =	vst v1;
	v1 =	vadd.f32 v10, v9  }
0x497: {  	s0 =	simm.s32 $0x0;
	[tilespmem:s28+$0x14450] =	vst v0  }
0x498: {  	s29 =	simm.s32 $0x0;
	s0 =	sand.u32 $0x2000, s0;
	[tilespmem:s28+$0x14460] =	vst v1  }
0x499: {  	[hbm4b:s5+s29] =	stream.linear.scatter [tilespmem:s14], [sflag:$0xB], $0x4000, $0x38;
	[tilespmem:$0x1C000] =	vst v63  }
0x49a: {  	s2 =	sand.u32 $0x1800, s29;
	s28 =	simm.s32 $0x0;
	_ =	swait.ge [sflag:s22], $0x4000  }
0x49b: {  	s0 =	sor.u32 s2, s0;
	s31 =	sand.u32 $0x380, s28;
	[sflag:s22] =	ssyncset.done $0x0  }
0x49c: {  	s28 =	sor.u32 s31, s0;
	[sflag:s22] =	ssyncadd.s32 $0xFFFFC000  }
0x49d: {  	v0 =	vld [tilespmem:s28+$0x18470]  }
0x49e: {  	v1 =	vld [tilespmem:s28+$0x4470]  }
0x49f: {  	v2 =	vld [tilespmem:s28+$0x18000]  }
0x4a0: {  	v3 =	vld [tilespmem:s28+$0x4000]  }
0x4a1: {  	v4 =	vld [tilespmem:s28+$0x18010]  }
0x4a2: {  	v5 =	vld [tilespmem:s28+$0x4010]  }
0x4a3: {  	v6 =	vld [tilespmem:s28+$0x18020]  }
0x4a4: {  	v7 =	vld [tilespmem:s28+$0x4020]  }
0x4a5: {  	v60 =	vld [tilespmem:s28+$0x18030]  }
0x4a6: {  	v61 =	vld [tilespmem:s28+$0x4030]  }
0x4a7: {  	v62 =	vld [tilespmem:s28+$0x18040]  }
0x4a8: {  	v11 =	vld [tilespmem:s28+$0x4040]  }
0x4a9: {  	v12 =	vld [tilespmem:s28+$0x18050]  }
0x4aa: {  	v13 =	vld [tilespmem:s28+$0x4050]  }
0x4ab: {  	v14 =	vld [tilespmem:s28+$0x18060]  }
0x4ac: {  	v0 =	vadd.f32 v1, v0;
	v1 =	vld [tilespmem:s28+$0x4060]  }
0x4ad: {  	v2 =	vadd.f32 v3, v2;
	v3 =	vld [tilespmem:s28+$0x18070]  }
0x4ae: {  	[tilespmem:s28+$0x18470] =	vst v0;
	v0 =	vadd.f32 v5, v4;
	v4 =	vld [tilespmem:s28+$0x4070]  }
0x4af: {  	[tilespmem:s28+$0x18000] =	vst v2;
	v2 =	vadd.f32 v7, v6;
	v5 =	vld [tilespmem:s28+$0x18400]  }
0x4b0: {  	v6 =	vld [tilespmem:s28+$0x4400];
	[tilespmem:s28+$0x18010] =	vst v0;
	v0 =	vadd.f32 v61, v60  }
0x4b1: {  	v63 =	vld [tilespmem:s28+$0x4410];
	[tilespmem:s28+$0x18020] =	vst v2;
	v2 =	vadd.f32 v11, v62  }
0x4b2: {  	v7 =	vld [tilespmem:s28+$0x18410];
	[tilespmem:s28+$0x18030] =	vst v0;
	v0 =	vadd.f32 v13, v12  }
0x4b3: {  	[tilespmem:s28+$0x18040] =	vst v2;
	v2 =	vadd.f32 v1, v14;
	v1 =	vld [tilespmem:s28+$0x18420]  }
0x4b4: {  	v3 =	vadd.f32 v4, v3;
	v4 =	vld [tilespmem:s28+$0x4420];
	[tilespmem:s28+$0x18050] =	vst v0  }
0x4b5: {  	[tilespmem:s28+$0x18060] =	vst v2;
	v2 =	vadd.f32 v6, v5;
	v0 =	vld [tilespmem:s28+$0x18430]  }
0x4b6: {  	[tilespmem:s28+$0x18070] =	vst v3;
	v3 =	vld [tilespmem:s28+$0x4430]  }
0x4b7: {  	s30 =	simm.s32 $0x0;
	v5 =	vadd.f32 v63, v7;
	[tilespmem:s28+$0x18400] =	vst v2;
	v2 =	vld [tilespmem:s28+$0x18440]  }
.LBB2_30:
0x4b8: {  	s30 =	sadd.s32 $0x10, s30;
	v6 =	vld [tilespmem:s28+$0x4440]  }
0x4b9: {  	s29 =	sadd.s32 $0x800, s29;
	s0 =	sshll.u32 s30, $0x4;
	p0 =	slt.u32 s30, $0x3F0;
	[tilespmem:s28+$0x18410] =	vst v5;
	v1 =	vadd.f32 v4, v1;
	v4 =	vld [tilespmem:s28+$0x18450]  }
0x4ba: {  	s2 =	sand.u32 $0x1800, s29;
	s31 =	sshll.u32 s30, $0x1;
	s0 =	sand.u32 $0x2000, s0;
	v5 =	vld [tilespmem:s28+$0x4450]  }
0x4bb: {  	s0 =	sor.u32 s2, s0;
	s2 =	sand.u32 $0x380, s31;
	[tilespmem:s28+$0x18420] =	vst v1;
	v0 =	vadd.f32 v3, v0;
	v1 =	vld [tilespmem:s28+$0x18460]  }
0x4bc: {  	s0 =	sor.u32 s2, s0;
	v3 =	vld [tilespmem:s28+$0x4460]  }
0x4bd: {  	v7 =	vld [tilespmem:s0+$0x18470];
	[tilespmem:s28+$0x18430] =	vst v0;
	v0 =	vadd.f32 v6, v2  }
0x4be: {  	v2 =	vld [tilespmem:s0+$0x4470]  }
0x4bf: {  	v6 =	vld [tilespmem:s0+$0x18000];
	[tilespmem:s28+$0x18440] =	vst v0;
	v0 =	vadd.f32 v5, v4  }
0x4c0: {  	v4 =	vld [tilespmem:s0+$0x4000]  }
0x4c1: {  	v5 =	vld [tilespmem:s0+$0x18010];
	[tilespmem:s28+$0x18450] =	vst v0;
	v0 =	vadd.f32 v3, v1  }
0x4c2: {  	v1 =	vld [tilespmem:s0+$0x4010]  }
0x4c3: {  	v3 =	vld [tilespmem:s0+$0x18020];
	v2 =	vadd.f32 v2, v7;
	[tilespmem:s28+$0x18460] =	vst v0;
	s28 =	smov.u32 s0  }
0x4c4: {  	v0 =	vld [tilespmem:s28+$0x4020]  }
0x4c5: {  	v4 =	vadd.f32 v4, v6;
	v6 =	vld [tilespmem:s28+$0x18030];
	[tilespmem:s28+$0x18470] =	vst v2  }
0x4c6: {  	v2 =	vld [tilespmem:s28+$0x4030]  }
0x4c7: {  	[tilespmem:s28+$0x18000] =	vst v4;
	v1 =	vadd.f32 v1, v5;
	v4 =	vld [tilespmem:s28+$0x18040]  }
0x4c8: {  	v5 =	vld [tilespmem:s28+$0x4040]  }
0x4c9: {  	[tilespmem:s28+$0x18010] =	vst v1;
	v0 =	vadd.f32 v0, v3;
	v1 =	vld [tilespmem:s28+$0x18050]  }
0x4ca: {  	v3 =	vld [tilespmem:s28+$0x4050]  }
0x4cb: {  	[tilespmem:s28+$0x18020] =	vst v0;
	v0 =	vadd.f32 v2, v6;
	v2 =	vld [tilespmem:s28+$0x18060]  }
0x4cc: {  	v6 =	vld [tilespmem:s28+$0x4060]  }
0x4cd: {  	[tilespmem:s28+$0x18030] =	vst v0;
	v0 =	vadd.f32 v5, v4;
	v4 =	vld [tilespmem:s28+$0x18070]  }
0x4ce: {  	v5 =	vld [tilespmem:s28+$0x4070]  }
0x4cf: {  	[tilespmem:s28+$0x18040] =	vst v0;
	v0 =	vadd.f32 v3, v1;
	v3 =	vld [tilespmem:s28+$0x18400]  }
0x4d0: {  	v7 =	vld [tilespmem:s28+$0x4400]  }
0x4d1: {  	[tilespmem:s28+$0x18050] =	vst v0;
	v0 =	vadd.f32 v6, v2;
	v2 =	vld [tilespmem:s28+$0x18410]  }
0x4d2: {  	v6 =	vld [tilespmem:s28+$0x4410]  }
.Ltmp14:
0x4d3: {  	[tilespmem:s28+$0x18060] =	vst v0;
	v0 =	vadd.f32 v5, v4;
	v1 =	vld [tilespmem:s28+$0x18420];
	(pc) =	sbr.rel @p0 .LBB2_30-.Ltmp14, $4  }
0x4d4: {  	v4 =	vld [tilespmem:s28+$0x4420]  }
0x4d5: {  	[tilespmem:s28+$0x18070] =	vst v0;
	v5 =	vadd.f32 v7, v3;
	v0 =	vld [tilespmem:s28+$0x18430]  }
0x4d6: {  	v3 =	vld [tilespmem:s28+$0x4430]  }
0x4d7: {  	[tilespmem:s28+$0x18400] =	vst v5;
	v5 =	vadd.f32 v6, v2;
	v2 =	vld [tilespmem:s28+$0x18440]  }
0x4d8: {  	v6 =	vld [tilespmem:s28+$0x4440]  }
0x4d9: {  	v7 =	vld [tilespmem:s28+$0x18450]  }
0x4da: {  	v8 =	vld [tilespmem:s28+$0x4450]  }
0x4db: {  	v9 =	vld [tilespmem:s28+$0x18460]  }
0x4dc: {  	v10 =	vld [tilespmem:s28+$0x4460]  }
0x4dd: {  	v1 =	vadd.f32 v4, v1  }
0x4de: {  	[tilespmem:s28+$0x18410] =	vst v5;
	v0 =	vadd.f32 v3, v0  }
0x4df: {  	[tilespmem:s28+$0x18420] =	vst v1;
	v1 =	vadd.f32 v6, v2  }
0x4e0: {  	[tilespmem:s28+$0x18430] =	vst v0;
	v0 =	vadd.f32 v8, v7  }
0x4e1: {  	[tilespmem:s28+$0x18440] =	vst v1;
	v1 =	vadd.f32 v10, v9  }
0x4e2: {  	s0 =	simm.s32 $0x0;
	[tilespmem:s28+$0x18450] =	vst v0  }
0x4e3: {  	s29 =	simm.s32 $0x0;
	s0 =	sand.u32 $0x2000, s0;
	[tilespmem:s28+$0x18460] =	vst v1  }
0x4e4: {  	[hbm4b:s6+s29] =	stream.linear.scatter [tilespmem:s16], [sflag:$0xC], $0x4000, $0x38;
	[tilespmem:$0x1C000] =	vst v63  }
0x4e5: {  	s2 =	sand.u32 $0x1800, s29;
	s28 =	simm.s32 $0x0;
	_ =	swait.ge [sflag:s13], $0x4000  }
0x4e6: {  	s0 =	sor.u32 s2, s0;
	s31 =	sand.u32 $0x380, s28;
	[sflag:s13] =	ssyncset.done $0x0  }
0x4e7: {  	s28 =	sor.u32 s31, s0;
	[sflag:s13] =	ssyncadd.s32 $0xFFFFC000  }
0x4e8: {  	v0 =	vld [tilespmem:s28+$0x8470]  }
0x4e9: {  	v1 =	vld [tilespmem:s28+$0x4470]  }
0x4ea: {  	v2 =	vld [tilespmem:s28+$0x8000]  }
0x4eb: {  	v3 =	vld [tilespmem:s28+$0x4000]  }
0x4ec: {  	v4 =	vld [tilespmem:s28+$0x8010]  }
0x4ed: {  	v5 =	vld [tilespmem:s28+$0x4010]  }
0x4ee: {  	v6 =	vld [tilespmem:s28+$0x8020]  }
0x4ef: {  	v7 =	vld [tilespmem:s28+$0x4020]  }
0x4f0: {  	v60 =	vld [tilespmem:s28+$0x8030]  }
0x4f1: {  	v61 =	vld [tilespmem:s28+$0x4030]  }
0x4f2: {  	v62 =	vld [tilespmem:s28+$0x8040]  }
0x4f3: {  	v11 =	vld [tilespmem:s28+$0x4040]  }
0x4f4: {  	v12 =	vld [tilespmem:s28+$0x8050]  }
0x4f5: {  	v13 =	vld [tilespmem:s28+$0x4050]  }
0x4f6: {  	v14 =	vld [tilespmem:s28+$0x8060]  }
0x4f7: {  	v0 =	vadd.f32 v1, v0;
	v1 =	vld [tilespmem:s28+$0x4060]  }
0x4f8: {  	v2 =	vadd.f32 v3, v2;
	v3 =	vld [tilespmem:s28+$0x8070]  }
0x4f9: {  	[tilespmem:s28+$0x8470] =	vst v0;
	v0 =	vadd.f32 v5, v4;
	v4 =	vld [tilespmem:s28+$0x4070]  }
0x4fa: {  	[tilespmem:s28+$0x8000] =	vst v2;
	v2 =	vadd.f32 v7, v6;
	v5 =	vld [tilespmem:s28+$0x8400]  }
0x4fb: {  	v6 =	vld [tilespmem:s28+$0x4400];
	[tilespmem:s28+$0x8010] =	vst v0;
	v0 =	vadd.f32 v61, v60  }
0x4fc: {  	v63 =	vld [tilespmem:s28+$0x4410];
	[tilespmem:s28+$0x8020] =	vst v2;
	v2 =	vadd.f32 v11, v62  }
0x4fd: {  	v7 =	vld [tilespmem:s28+$0x8410];
	[tilespmem:s28+$0x8030] =	vst v0;
	v0 =	vadd.f32 v13, v12  }
0x4fe: {  	[tilespmem:s28+$0x8040] =	vst v2;
	v2 =	vadd.f32 v1, v14;
	v1 =	vld [tilespmem:s28+$0x8420]  }
0x4ff: {  	v3 =	vadd.f32 v4, v3;
	v4 =	vld [tilespmem:s28+$0x4420];
	[tilespmem:s28+$0x8050] =	vst v0  }
0x500: {  	[tilespmem:s28+$0x8060] =	vst v2;
	v2 =	vadd.f32 v6, v5;
	v0 =	vld [tilespmem:s28+$0x8430]  }
0x501: {  	[tilespmem:s28+$0x8070] =	vst v3;
	v3 =	vld [tilespmem:s28+$0x4430]  }
0x502: {  	s30 =	simm.s32 $0x0;
	v5 =	vadd.f32 v63, v7;
	[tilespmem:s28+$0x8400] =	vst v2;
	v2 =	vld [tilespmem:s28+$0x8440]  }
.LBB2_32:
0x503: {  	s30 =	sadd.s32 $0x10, s30;
	v6 =	vld [tilespmem:s28+$0x4440]  }
0x504: {  	s29 =	sadd.s32 $0x800, s29;
	s0 =	sshll.u32 s30, $0x4;
	p0 =	slt.u32 s30, $0x3F0;
	[tilespmem:s28+$0x8410] =	vst v5;
	v1 =	vadd.f32 v4, v1;
	v4 =	vld [tilespmem:s28+$0x8450]  }
0x505: {  	s2 =	sand.u32 $0x1800, s29;
	s31 =	sshll.u32 s30, $0x1;
	s0 =	sand.u32 $0x2000, s0;
	v5 =	vld [tilespmem:s28+$0x4450]  }
0x506: {  	s0 =	sor.u32 s2, s0;
	s2 =	sand.u32 $0x380, s31;
	[tilespmem:s28+$0x8420] =	vst v1;
	v0 =	vadd.f32 v3, v0;
	v1 =	vld [tilespmem:s28+$0x8460]  }
0x507: {  	s0 =	sor.u32 s2, s0;
	v3 =	vld [tilespmem:s28+$0x4460]  }
0x508: {  	v7 =	vld [tilespmem:s0+$0x8470];
	[tilespmem:s28+$0x8430] =	vst v0;
	v0 =	vadd.f32 v6, v2  }
0x509: {  	v2 =	vld [tilespmem:s0+$0x4470]  }
0x50a: {  	v6 =	vld [tilespmem:s0+$0x8000];
	[tilespmem:s28+$0x8440] =	vst v0;
	v0 =	vadd.f32 v5, v4  }
0x50b: {  	v4 =	vld [tilespmem:s0+$0x4000]  }
0x50c: {  	v5 =	vld [tilespmem:s0+$0x8010];
	[tilespmem:s28+$0x8450] =	vst v0;
	v0 =	vadd.f32 v3, v1  }
0x50d: {  	v1 =	vld [tilespmem:s0+$0x4010]  }
0x50e: {  	v3 =	vld [tilespmem:s0+$0x8020];
	v2 =	vadd.f32 v2, v7;
	[tilespmem:s28+$0x8460] =	vst v0;
	s28 =	smov.u32 s0  }
0x50f: {  	v0 =	vld [tilespmem:s28+$0x4020]  }
0x510: {  	v4 =	vadd.f32 v4, v6;
	v6 =	vld [tilespmem:s28+$0x8030];
	[tilespmem:s28+$0x8470] =	vst v2  }
0x511: {  	v2 =	vld [tilespmem:s28+$0x4030]  }
0x512: {  	[tilespmem:s28+$0x8000] =	vst v4;
	v1 =	vadd.f32 v1, v5;
	v4 =	vld [tilespmem:s28+$0x8040]  }
0x513: {  	v5 =	vld [tilespmem:s28+$0x4040]  }
0x514: {  	[tilespmem:s28+$0x8010] =	vst v1;
	v0 =	vadd.f32 v0, v3;
	v1 =	vld [tilespmem:s28+$0x8050]  }
0x515: {  	v3 =	vld [tilespmem:s28+$0x4050]  }
0x516: {  	[tilespmem:s28+$0x8020] =	vst v0;
	v0 =	vadd.f32 v2, v6;
	v2 =	vld [tilespmem:s28+$0x8060]  }
0x517: {  	v6 =	vld [tilespmem:s28+$0x4060]  }
0x518: {  	[tilespmem:s28+$0x8030] =	vst v0;
	v0 =	vadd.f32 v5, v4;
	v4 =	vld [tilespmem:s28+$0x8070]  }
0x519: {  	v5 =	vld [tilespmem:s28+$0x4070]  }
0x51a: {  	[tilespmem:s28+$0x8040] =	vst v0;
	v0 =	vadd.f32 v3, v1;
	v3 =	vld [tilespmem:s28+$0x8400]  }
0x51b: {  	v7 =	vld [tilespmem:s28+$0x4400]  }
0x51c: {  	[tilespmem:s28+$0x8050] =	vst v0;
	v0 =	vadd.f32 v6, v2;
	v2 =	vld [tilespmem:s28+$0x8410]  }
0x51d: {  	v6 =	vld [tilespmem:s28+$0x4410]  }
.Ltmp15:
0x51e: {  	[tilespmem:s28+$0x8060] =	vst v0;
	v0 =	vadd.f32 v5, v4;
	v1 =	vld [tilespmem:s28+$0x8420];
	(pc) =	sbr.rel @p0 .LBB2_32-.Ltmp15, $4  }
0x51f: {  	v4 =	vld [tilespmem:s28+$0x4420]  }
0x520: {  	[tilespmem:s28+$0x8070] =	vst v0;
	v5 =	vadd.f32 v7, v3;
	v0 =	vld [tilespmem:s28+$0x8430]  }
0x521: {  	v3 =	vld [tilespmem:s28+$0x4430]  }
0x522: {  	[tilespmem:s28+$0x8400] =	vst v5;
	v5 =	vadd.f32 v6, v2;
	v2 =	vld [tilespmem:s28+$0x8440]  }
0x523: {  	v6 =	vld [tilespmem:s28+$0x4440]  }
0x524: {  	v7 =	vld [tilespmem:s28+$0x8450]  }
0x525: {  	v8 =	vld [tilespmem:s28+$0x4450]  }
0x526: {  	v9 =	vld [tilespmem:s28+$0x8460]  }
0x527: {  	v10 =	vld [tilespmem:s28+$0x4460]  }
0x528: {  	v1 =	vadd.f32 v4, v1  }
0x529: {  	[tilespmem:s28+$0x8410] =	vst v5;
	v0 =	vadd.f32 v3, v0  }
0x52a: {  	[tilespmem:s28+$0x8420] =	vst v1;
	v61 =	vadd.f32 v6, v2  }
0x52b: {  	[tilespmem:s28+$0x8430] =	vst v0;
	v62 =	vadd.f32 v8, v7  }
0x52c: {  	v63 =	vadd.f32 v10, v9;
	[tilespmem:s28+$0x8440] =	vst v61  }
0x52d: {  	[tilespmem:s28+$0x8450] =	vst v62  }
0x52e: {  	[tilespmem:s28+$0x8460] =	vst v63  }
0x52f: {  	[hbm4b:s7+s1] =	stream.linear.scatter [tilespmem:s9], [sflag:$0x8], $0x4000, $0x38;
	[tilespmem:$0x1C000] =	vst v63  }
0x530: {  	_ =	swait.ge [sflag:s20], $0x4000  }
0x531: {  	[sflag:s20] =	ssyncset.done $0x0  }
0x532: {  	[sflag:s20] =	ssyncadd.s32 $0xFFFFC000  }
0x533: {  	_ =	swait.ge [sflag:s23], $0x4000  }
0x534: {  	[sflag:s23] =	ssyncset.done $0x0  }
0x535: {  	[sflag:s23] =	ssyncadd.s32 $0xFFFFC000  }
0x536: {  	_ =	swait.ge [sflag:s24], $0x4000  }
0x537: {  	[sflag:s24] =	ssyncset.done $0x0  }
0x538: {  	s26 =	sadd.s32 $0x1, s26;
	[sflag:s24] =	ssyncadd.s32 $0xFFFFC000  }
0x539: {  	p0 =	sne.s32 s26, s8;
	_ =	swait.ge [sflag:s25], $0x4000  }
.Ltmp16:
0x53a: {  	[sflag:s25] =	ssyncset.done $0x0;
	(pc) =	sbr.rel @p0 .LBB2_1-.Ltmp16, $4  }
0x53b: {  	[sflag:s25] =	ssyncadd.s32 $0xFFFFC000  }
0x53c: {  	_ =	swait.ge [sflag:s18], $0x4000  }
0x53d: {  	[sflag:s18] =	ssyncset.done $0x0  }
0x53e: {  	[sflag:s18] =	ssyncadd.s32 $0xFFFFC000  }
0x53f: {  	_ =	sfence.sel $0x180000  }
0x540: {  	[bflag:$0x0] =	sbarrier.arrive $0xFFFF  }
0x541: {  	_ =	strace $0x90000047  }
0x542: {  	s0 =	stileid.u32;
	[bflag:$0x2] =	sbarrier.arrive $0xFFFF  }
0x543: {  	p0 =	sne.s32 s0, $0x0;
	s0 =	rddreg [dreg:$0x3]  }
0x544: {  	s0 =	sadd.s32 @!p0 $0x100000, s0  }
0x545: {  	[sflag:s0] =	ssyncadd.tile.s32 @!p0 $0x1;
	_ =	shalt  }
.Lfunc_end2:
_tile_overlayer_lowered:
.L_overlay_start_2:
0x546: {  	(tag) =	ssettag $0x2  }
0x547: {  	s0 =	rddreg [dreg:$0x0];
	s2 =	stileid.u32  }
0x548: {  	s1 =	rddreg [dreg:$0x1];
	p0 =	sne.s32 s2, $0x0  }
0x549: {  	s3 =	rddreg [dreg:$0x2];
	[bflag:$0x3] =	sbarrier.arrive $0xFFFF;
	s2 =	simm.s32 @!p0 $0x1C0D  }
0x54a: {  	[timem:s3], [sflag:s2] =	dma.local @!p0 [hbm:s0], s1  }
0x54b: {  	s0 =	simm.s32 @!p0 $0xD  }
0x54c: {  	_ =	swait.ge @!p0 [sflag:s0], s1  }
0x54d: {  	s1 =	ssub.s32 @!p0 $0x0, s1;
	[sflag:s0] =	ssyncset.done @!p0 $0x0  }
0x54e: {  	[sflag:s0] =	ssyncadd.s32 @!p0 s1  }
0x54f: {  	[bflag:$0x3] =	sbarrier.arrive $0xFFFF  }
0x550: {  	_ =	shalt  }

</sc_bundles>
